<compile_context>
chip_gen: v7x
topology: tpu7x:2x2x1
jax: 0.10.2.dev20260603
libtpu: 0.0.44.dev20260713+nightly
codegen_flags: <defaults>
</compile_context>

<pallas_src>
import functools

import jax
import jax.numpy as jnp
from jax import lax
from jax.experimental import pallas as pl
from jax.experimental.pallas import tpu as pltpu
from jax.experimental.pallas import tpu_sc as plsc

NC = 2
NS = 16
NW = NC * NS
NSLC = 2


def _proj_body(uf, w1u, itf, a1i, ab1, rt, w1r, b1, upc, ipc, rpb):
  upc[...] = jnp.dot(uf[...], w1u[...], preferred_element_type=jnp.float32)
  ipc[...] = (
      jnp.dot(itf[...], a1i[...], preferred_element_type=jnp.float32)
      + ab1[...]
  )

  @pl.when(pl.program_id(0) == 0)
  def _():
    rpb[...] = (
        jnp.dot(rt[...], w1r[...], preferred_element_type=jnp.float32)
        + b1[...]
    )


def _edge_body(ug, ig, rat, rpb8, w2, b2, a1f, a2, ab2, a3, ab3, msg, eout):
  be = ug.shape[0]
  rrow = rat[0]
  oh = (lax.broadcasted_iota(jnp.int32, (8, be), 0) == rrow).astype(
      jnp.float32
  )
  radd = lax.dot_general(
      oh, rpb8[...], (((0,), (0,)), ((), ())),
      preferred_element_type=jnp.float32,
  )
  h = jnp.maximum(ug[...] + radd, 0.0)
  f = jnp.maximum(
      jnp.dot(h, w2[...], preferred_element_type=jnp.float32) + b2[...], 0.0
  )
  a = jnp.maximum(
      jnp.dot(f, a1f[...], preferred_element_type=jnp.float32) + ig[...], 0.0
  )
  a = jnp.maximum(
      jnp.dot(a, a2[...], preferred_element_type=jnp.float32) + ab2[...], 0.0
  )
  s = jnp.dot(a, a3[...], preferred_element_type=jnp.float32) + ab3[0, 0]
  e = jnp.exp(jnp.clip(s, -60.0, 60.0))
  msg[...] = f * e
  eout[...] = jnp.swapaxes(e, 0, 1).reshape(1, 1, be)


def _final_body(num, den, ww, wb, out):
  acc = num[0]
  drow = den[0:1, :]
  for i in range(1, num.shape[0]):
    acc = acc + num[i]
    drow = drow + den[i : i + 1, :]
  dinv = jnp.where(drow > 0.0, 1.0 / drow, 0.0)
  dcol = jnp.swapaxes(dinv, 0, 1)
  out[...] = (
      jnp.dot(acc * dcol, ww[...], preferred_element_type=jnp.float32)
      + wb[...]
  )


def kernel(user_feat, item_feat, rating_table, row_idx, col_idx, rating,
           W1, b1, W2, b2, A1, ab1, A2, ab2, A3, ab3, Ww, wb):
  n_user, d = user_feat.shape
  n_item = item_feat.shape[0]
  n_rat = rating_table.shape[0]
  e_num = row_idx.shape[0]
  ck = 128
  n_chunks = e_num // ck
  ncs = n_chunks // NSLC
  es = e_num // NSLC
  npad = ((n_item + NS * 16 - 1) // (NS * 16)) * (NS * 16)
  rpt = npad // NS

  w1u = W1[:d]
  w1r = W1[d:]
  a1f = A1[:d]
  a1i = A1[d:]

  bn = 1000
  grid_n = n_user // bn
  upc, ipc, rpb = pl.pallas_call(
      _proj_body,
      grid=(grid_n,),
      in_specs=[
          pl.BlockSpec((bn, d), lambda i: (i, 0)),
          pl.BlockSpec((d, d), lambda i: (0, 0)),
          pl.BlockSpec((bn, d), lambda i: (i, 0)),
          pl.BlockSpec((d, d), lambda i: (0, 0)),
          pl.BlockSpec((1, d), lambda i: (0, 0)),
          pl.BlockSpec((n_rat, d), lambda i: (0, 0)),
          pl.BlockSpec((d, d), lambda i: (0, 0)),
          pl.BlockSpec((1, d), lambda i: (0, 0)),
      ],
      out_specs=[
          pl.BlockSpec((bn, d), lambda i: (i, 0)),
          pl.BlockSpec((bn, d), lambda i: (i, 0)),
          pl.BlockSpec((n_rat, d), lambda i: (0, 0)),
      ],
      out_shape=[
          jax.ShapeDtypeStruct((n_user, d), jnp.float32),
          jax.ShapeDtypeStruct((n_item, d), jnp.float32),
          jax.ShapeDtypeStruct((n_rat, d), jnp.float32),
      ],
      compiler_params=pltpu.CompilerParams(
          dimension_semantics=("arbitrary",)
      ),
  )(user_feat, w1u, item_feat, a1i, ab1.reshape(1, d), rating_table, w1r,
    b1.reshape(1, d))

  rpb8 = jnp.concatenate([rpb, jnp.zeros((8 - n_rat, d), jnp.float32)])
  mesh = plsc.VectorSubcoreMesh(core_axis_name="c", subcore_axis_name="s")

  kpt = 2 * ((ncs + 2 * NW - 1) // (2 * NW))
  npairs = kpt // 2
  padc = NW * kpt - ncs

  def _by_tile_g(x):
    xp = jnp.concatenate([x, jnp.broadcast_to(x[-1:], (padc, ck))])
    return xp.reshape(kpt, NW, ck).transpose(1, 0, 2)

  nstage = ((n_user + NS * 8 - 1) // (NS * 8)) * NS * 8
  spt = nstage // NS

  @functools.partial(
      pl.kernel,
      out_type=(
          jax.ShapeDtypeStruct((ncs, ck, d), jnp.float32),
          jax.ShapeDtypeStruct((ncs, ck, d), jnp.float32),
      ),
      mesh=mesh,
      scratch_types=[
          pltpu.VMEM((kpt, ck), jnp.int32),
          pltpu.VMEM((kpt, ck), jnp.int32),
          pltpu.VMEM((ck, d), jnp.float32),
          pltpu.VMEM((ck, d), jnp.float32),
          pltpu.VMEM((ck, d), jnp.float32),
          pltpu.VMEM((ck, d), jnp.float32),
          pltpu.VMEM_SHARED((nstage, d), jnp.float32),
          [pltpu.SemaphoreType.DMA] * 4,
          [pltpu.SemaphoreType.DMA] * 4,
      ],
  )
  def _gather(upc_h, ipc_h, row_h, col_h, ug_h, ig_h,
              ridx_v, cidx_v, ubufa, ibufa, ubufb, ibufb, spm, gsems, wsems):
    c = lax.axis_index("c")
    s = lax.axis_index("s")
    wid = s * NC + c
    pltpu.sync_copy(upc_h.at[pl.ds(s * spt, spt)], spm.at[pl.ds(s * spt, spt)])
    pltpu.sync_copy(row_h.at[wid], ridx_v)
    pltpu.sync_copy(col_h.at[wid], cidx_v)
    plsc.subcore_barrier()
    last = ncs - 1

    def body(m, carry):
      cida = jnp.minimum((2 * m) * NW + wid, last)
      cidb = jnp.minimum((2 * m + 1) * NW + wid, last)

      @pl.when(m > 0)
      def _():
        pltpu.make_async_copy(ubufa, ug_h.at[cida], wsems[0]).wait()
        pltpu.make_async_copy(ibufa, ig_h.at[cida], wsems[1]).wait()

      ga1 = pltpu.async_copy(spm.at[ridx_v.at[2 * m]], ubufa, gsems[0])
      ga2 = pltpu.async_copy(ipc_h.at[cidx_v.at[2 * m]], ibufa, gsems[1])

      @pl.when(m > 0)
      def _():
        pltpu.make_async_copy(ubufb, ug_h.at[cidb], wsems[2]).wait()
        pltpu.make_async_copy(ibufb, ig_h.at[cidb], wsems[3]).wait()

      gb1 = pltpu.async_copy(spm.at[ridx_v.at[2 * m + 1]], ubufb, gsems[2])
      gb2 = pltpu.async_copy(ipc_h.at[cidx_v.at[2 * m + 1]], ibufb, gsems[3])
      ga1.wait()
      ga2.wait()
      pltpu.make_async_copy(ubufa, ug_h.at[cida], wsems[0]).start()
      pltpu.make_async_copy(ibufa, ig_h.at[cida], wsems[1]).start()
      gb1.wait()
      gb2.wait()
      pltpu.make_async_copy(ubufb, ug_h.at[cidb], wsems[2]).start()
      pltpu.make_async_copy(ibufb, ig_h.at[cidb], wsems[3]).start()
      return carry

    lax.fori_loop(0, npairs, body, 0)
    pltpu.make_async_copy(ubufa, ug_h.at[0], wsems[0]).wait()
    pltpu.make_async_copy(ibufa, ig_h.at[0], wsems[1]).wait()
    pltpu.make_async_copy(ubufb, ug_h.at[0], wsems[2]).wait()
    pltpu.make_async_copy(ibufb, ig_h.at[0], wsems[3]).wait()

  be = 2000
  grid_e = es // be

  edge_call = pl.pallas_call(
      _edge_body,
      grid=(grid_e,),
      in_specs=[
          pl.BlockSpec((be, d), lambda i: (i, 0)),
          pl.BlockSpec((be, d), lambda i: (i, 0)),
          pl.BlockSpec((1, 1, be), lambda i: (i, 0, 0)),
          pl.BlockSpec((8, d), lambda i: (0, 0)),
          pl.BlockSpec((d, d), lambda i: (0, 0)),
          pl.BlockSpec((1, d), lambda i: (0, 0)),
          pl.BlockSpec((d, d), lambda i: (0, 0)),
          pl.BlockSpec((d, d), lambda i: (0, 0)),
          pl.BlockSpec((1, d), lambda i: (0, 0)),
          pl.BlockSpec((d, 1), lambda i: (0, 0)),
          pl.BlockSpec((1, 1), lambda i: (0, 0)),
      ],
      out_specs=[
          pl.BlockSpec((be, d), lambda i: (i, 0)),
          pl.BlockSpec((1, 1, be), lambda i: (i, 0, 0)),
      ],
      out_shape=[
          jax.ShapeDtypeStruct((es, d), jnp.float32),
          jax.ShapeDtypeStruct((grid_e, 1, be), jnp.float32),
      ],
      compiler_params=pltpu.CompilerParams(
          dimension_semantics=("arbitrary",)
      ),
  )

  cpc = ncs // NC
  kpt2 = 2 * ((cpc + 2 * NS - 1) // (2 * NS))
  padc2 = NS * kpt2 - cpc

  def _by_tile_s(x):
    xc = x.reshape(NC, cpc, ck)
    xc = jnp.concatenate(
        [xc, jnp.broadcast_to(xc[:, -1:], (NC, padc2, ck))], axis=1
    )
    return xc.reshape(NC, kpt2, NS, ck).transpose(0, 2, 1, 3).reshape(
        NC * NS, kpt2, ck
    )

  zn = jnp.zeros((rpt, d), jnp.float32)
  zd = jnp.zeros((rpt,), jnp.float32)

  @functools.partial(
      pl.kernel,
      out_type=(
          jax.ShapeDtypeStruct((NC * npad, d), jnp.float32),
          jax.ShapeDtypeStruct((NC * npad,), jnp.float32),
      ),
      mesh=mesh,
      scratch_types=[
          pltpu.VMEM((kpt2, ck), jnp.int32),
          pltpu.VMEM((kpt2, ck), jnp.float32),
          pltpu.VMEM((ck, d), jnp.float32),
          pltpu.VMEM((ck, d), jnp.float32),
          pltpu.VMEM_SHARED((npad, d), jnp.float32),
          pltpu.VMEM_SHARED((npad,), jnp.float32),
          [pltpu.SemaphoreType.DMA] * 4,
      ],
      compiler_params=pltpu.CompilerParams(use_tc_tiling_on_sc=False),
  )
  def _scatter(msg_h, e_h, col_h, zn_h, zd_h, num_h, den_h,
               cidx_v, ev_v, vala, valb, accn, accd, sems):
    c = lax.axis_index("c")
    s = lax.axis_index("s")
    widc = c * NS + s
    pltpu.sync_copy(col_h.at[widc], cidx_v)
    pltpu.sync_copy(e_h.at[widc], ev_v)
    pltpu.sync_copy(zn_h, accn.at[pl.ds(s * rpt, rpt)])
    pltpu.sync_copy(zd_h, accd.at[pl.ds(s * rpt, rpt)])
    plsc.subcore_barrier()

    def chunk(m, slot, val_v):
      k = 2 * m + slot
      j = k * NS + s

      @pl.when((m > 0) & (j - 2 * NS < cpc))
      def _():
        kp = k - 2
        pltpu.make_async_copy(
            val_v, accn.at[cidx_v.at[kp]], sems[2 * slot]
        ).wait()
        pltpu.make_async_copy(
            ev_v.at[kp], accd.at[cidx_v.at[kp]], sems[2 * slot + 1]
        ).wait()

      @pl.when(j < cpc)
      def _():
        cid = c * cpc + j
        pltpu.sync_copy(msg_h.at[pl.ds(cid * ck, ck)], val_v)
        pltpu.make_async_copy(
            val_v, accn.at[cidx_v.at[k]], sems[2 * slot]
        ).start(add=True)
        pltpu.make_async_copy(
            ev_v.at[k], accd.at[cidx_v.at[k]], sems[2 * slot + 1]
        ).start(add=True)

    def body(m, carry):
      chunk(m, 0, vala)
      chunk(m, 1, valb)
      return carry

    lax.fori_loop(0, kpt2 // 2, body, 0)
    for slot in (0, 1):
      k = kpt2 - 2 + slot

      @pl.when(k * NS + s < cpc)
      def _():
        pltpu.make_async_copy(
            vala if slot == 0 else valb,
            accn.at[cidx_v.at[k]], sems[2 * slot],
        ).wait()
        pltpu.make_async_copy(
            ev_v.at[k], accd.at[cidx_v.at[k]], sems[2 * slot + 1]
        ).wait()

    plsc.subcore_barrier()
    pltpu.sync_copy(
        accn.at[pl.ds(s * rpt, rpt)],
        num_h.at[pl.ds(c * npad + s * rpt, rpt)],
    )
    pltpu.sync_copy(
        accd.at[pl.ds(s * rpt, rpt)],
        den_h.at[pl.ds(c * npad + s * rpt, rpt)],
    )

  row2 = row_idx.reshape(n_chunks, ck)
  col2 = col_idx.reshape(n_chunks, ck)
  rat3 = rating.reshape(e_num // be, 1, be)
  pad_rows = jnp.zeros((nstage - n_user, d), jnp.float32)
  upcp = jnp.concatenate([upc, pad_rows])
  ipcp = jnp.concatenate([ipc, pad_rows])
  nums, dens = [], []
  for h in range(NSLC):
    rows_s = row2[h * ncs : (h + 1) * ncs]
    cols_s = col2[h * ncs : (h + 1) * ncs]
    ug3, ig3 = _gather(upcp, ipcp, _by_tile_g(rows_s), _by_tile_g(cols_s))
    msg, erows = edge_call(
        ug3.reshape(es, d), ig3.reshape(es, d),
        rat3[h * grid_e : (h + 1) * grid_e], rpb8, W2, b2.reshape(1, d),
        a1f, A2, ab2.reshape(1, d), A3, ab3.reshape(1, 1),
    )
    numf, denf = _scatter(
        msg, _by_tile_s(erows.reshape(ncs, ck)), _by_tile_s(cols_s), zn, zd
    )
    nums.append(numf.reshape(NC, npad, d))
    dens.append(denf.reshape(NC, npad))

  num = jnp.concatenate(nums)
  den = jnp.concatenate(dens)
  nparts = NC * NSLC

  bz = 1024
  grid_z = npad // bz
  z = pl.pallas_call(
      _final_body,
      grid=(grid_z,),
      in_specs=[
          pl.BlockSpec((nparts, bz, d), lambda i: (0, i, 0)),
          pl.BlockSpec((nparts, bz), lambda i: (0, i)),
          pl.BlockSpec((d, d), lambda i: (0, 0)),
          pl.BlockSpec((1, d), lambda i: (0, 0)),
      ],
      out_specs=pl.BlockSpec((bz, d), lambda i: (i, 0)),
      out_shape=jax.ShapeDtypeStruct((npad, d), jnp.float32),
      compiler_params=pltpu.CompilerParams(
          dimension_semantics=("arbitrary",)
      ),
  )(num, den, Ww, wb.reshape(1, d))
  return z[:n_item]

# --- scband reference (transcript-rebuilt; emitter-appended) ---
"""Pipeline reference for scband-user-agg-21354577396099 (READ-ONLY COPY).

The authoritative reference and input builder live on the scoring server;
editing this copy changes nothing except your own understanding.
"""

import jax, jax.numpy as jnp
import numpy as np

USER_NUM = 5000
ITEM_NUM = 5000
E = 320000
D = 128
R = 5


def setup_inputs(seed: int = 0) -> dict:
    key = jax.random.key(seed)
    ks = jax.random.split(key, 20)
    d = {}
    d["user_feat"] = jax.random.normal(ks[0], (USER_NUM, D), dtype=jnp.float32)
    d["item_feat"] = jax.random.normal(ks[1], (ITEM_NUM, D), dtype=jnp.float32)
    d["rating_table"] = jax.random.normal(ks[2], (R, D), dtype=jnp.float32)
    d["row_idx"] = jax.random.randint(ks[3], (E,), 0, USER_NUM, dtype=jnp.int32)
    d["col_idx"] = jax.random.randint(ks[4], (E,), 0, ITEM_NUM, dtype=jnp.int32)
    d["rating"] = jax.random.randint(ks[5], (E,), 0, R, dtype=jnp.int32)
    s2 = 1.0 / np.sqrt(2 * D)
    s1 = 1.0 / np.sqrt(D)
    # gu MLP: Linear(2D->D), ReLU, Linear(D->D), ReLU
    d["W1"] = jax.random.normal(ks[6], (2 * D, D), dtype=jnp.float32) * s2
    d["b1"] = jnp.zeros((D,), dtype=jnp.float32)
    d["W2"] = jax.random.normal(ks[7], (D, D), dtype=jnp.float32) * s1
    d["b2"] = jnp.zeros((D,), dtype=jnp.float32)
    # attention: Linear(2D->D), Linear(D->D), Linear(D->1)
    d["A1"] = jax.random.normal(ks[8], (2 * D, D), dtype=jnp.float32) * s2
    d["ab1"] = jnp.zeros((D,), dtype=jnp.float32)
    d["A2"] = jax.random.normal(ks[9], (D, D), dtype=jnp.float32) * s1
    d["ab2"] = jnp.zeros((D,), dtype=jnp.float32)
    d["A3"] = jax.random.normal(ks[10], (D, 1), dtype=jnp.float32) * s1
    d["ab3"] = jnp.zeros((1,), dtype=jnp.float32)
    # output projection w: Linear(D->D)
    d["Ww"] = jax.random.normal(ks[11], (D, D), dtype=jnp.float32) * s1
    d["wb"] = jnp.zeros((D,), dtype=jnp.float32)
    return d


def reference(user_feat, item_feat, rating_table, row_idx, col_idx, rating,
              W1, b1, W2, b2, A1, ab1, A2, ab2, A3, ab3, Ww, wb):
    # per-edge gathers (embedding lookups)
    u_emb = jnp.take(user_feat, row_idx, axis=0)
    i_emb = jnp.take(item_feat, col_idx, axis=0)
    r_emb = jnp.take(rating_table, rating, axis=0)
    # gu MLP on [u_emb || r_emb] (dropout is a no-op in eval mode)
    x = jnp.concatenate([u_emb, r_emb], axis=1)
    h = jax.nn.relu(x @ W1 + b1)
    f_jt = jax.nn.relu(h @ W2 + b2)
    # attention scores att(f_jt, i_emb)
    a = jnp.concatenate([f_jt, i_emb], axis=1)
    a = jax.nn.relu(a @ A1 + ab1)
    a = jax.nn.relu(a @ A2 + ab2)
    scores = (a @ A3 + ab3)[:, 0]
    # edge_softmax over destination (item) nodes = segment softmax by col_idx
    seg = col_idx
    m = jax.ops.segment_max(scores, seg, num_segments=ITEM_NUM)
    m = jnp.where(jnp.isfinite(m), m, 0.0)
    e = jnp.exp(scores - jnp.take(m, seg))
    denom = jax.ops.segment_sum(e, seg, num_segments=ITEM_NUM)
    value = e / jnp.take(denom, seg)
    # message = f_jt * alpha; sum-reduce to item nodes (copy_edge + fn.sum)
    z = jax.ops.segment_sum(f_jt * value[:, None], seg, num_segments=ITEM_NUM)
    # act is None -> plain linear
    z = z @ Ww + wb
    return z

if __name__ == "__main__":
    import jax
    _d = setup_inputs()
    print(jax.jit(kernel)(*tuple(_d.values())))

</pallas_src>

<mosaic_0001>
#map = affine_map<(d0, d1) -> (0, 0)>
#map1 = affine_map<(d0, d1) -> (0, 0, 0)>
#map2 = affine_map<(d0, d1) -> (0)>
module attributes {stable_mosaic.version = 14 : i64} {
  func.func @_scatter(%arg0: i32, %arg1: i32, %arg2: memref<160000x128xf32, #tpu.memory_space<hbm>>, %arg3: memref<32x40x128xf32, #tpu.memory_space<hbm>>, %arg4: memref<32x40x128xi32, #tpu.memory_space<hbm>>, %arg5: memref<320x128xf32, #tpu.memory_space<hbm>>, %arg6: memref<320xf32, #tpu.memory_space<hbm>>, %arg7: memref<10240x128xf32, #tpu.memory_space<hbm>>, %arg8: memref<10240xf32, #tpu.memory_space<hbm>>, %arg9: memref<40x128xi32, #tpu.memory_space<vmem>>, %arg10: memref<40x128xf32, #tpu.memory_space<vmem>>, %arg11: memref<128x128xf32, #tpu.memory_space<vmem>>, %arg12: memref<128x128xf32, #tpu.memory_space<vmem>>, %arg13: memref<5120x128xf32, #tpu.memory_space<vmem_shared>>, %arg14: memref<5120xf32, #tpu.memory_space<vmem_shared>>, %arg15: memref<!tpu.dma_semaphore, #tpu.memory_space<semaphore_mem>>, %arg16: memref<!tpu.dma_semaphore, #tpu.memory_space<semaphore_mem>>, %arg17: memref<!tpu.dma_semaphore, #tpu.memory_space<semaphore_mem>>, %arg18: memref<!tpu.dma_semaphore, #tpu.memory_space<semaphore_mem>>) attributes {dimension_semantics = [#tpu.dimension_semantics<core_parallel>, #tpu.dimension_semantics<subcore_parallel>], iteration_bounds = array<i64: 2, 16>, scalar_prefetch = 0 : i64, scratch_operands = 10 : i64, tpu.core_type = #tpu.core_type<sc_vector_subcore>, window_params = [{transform_indices = #map}, {transform_indices = #map1}, {transform_indices = #map1}, {transform_indices = #map}, {transform_indices = #map2}, {transform_indices = #map}, {transform_indices = #map2}]} {
    %mul3A = arith.constant 16 : i32
    %mul3A_0 = arith.muli %arg0, %mul3A : i32
    %add3A = arith.addi %mul3A_0, %arg1 : i32
    "tpu.region"() ({
      %run_scoped3A = tpu.sem_alloc : memref<!tpu.dma_semaphore, #tpu.memory_space<semaphore_mem>>
      %dma_start3A = arith.constant 0 : i32
      %dma_start3A_36 = arith.constant 0 : i32
      %dma_start3A_37 = tpu.memref_slice %arg4[%add3A, %dma_start3A, %dma_start3A_36] : memref<32x40x128xi32, #tpu.memory_space<hbm>> -> memref<1x40x128xi32, #tpu.memory_space<hbm>>
      %dma_start3A_38 = tpu.memref_squeeze %dma_start3A_37 : memref<1x40x128xi32, #tpu.memory_space<hbm>> -> memref<40x128xi32, #tpu.memory_space<hbm>>
      %dma_start3A_39 = arith.constant 0 : i32
      %dma_start3A_40 = arith.constant 0 : i32
      %dma_start3A_41 = tpu.memref_slice %arg4[%add3A, %dma_start3A_39, %dma_start3A_40] : memref<32x40x128xi32, #tpu.memory_space<hbm>> -> memref<1x40x128xi32, #tpu.memory_space<hbm>>
      %dma_start3A_42 = tpu.memref_squeeze %dma_start3A_41 : memref<1x40x128xi32, #tpu.memory_space<hbm>> -> memref<40x128xi32, #tpu.memory_space<hbm>>
      tpu.enqueue_dma source(%dma_start3A_42 : memref<40x128xi32, #tpu.memory_space<hbm>>) target(%arg9 : memref<40x128xi32, #tpu.memory_space<vmem>>) target_semaphore(%run_scoped3A : memref<!tpu.dma_semaphore, #tpu.memory_space<semaphore_mem>>)
      %dma_wait3A = arith.constant 0 : i32
      %dma_wait3A_43 = arith.constant 0 : i32
      %dma_wait3A_44 = tpu.memref_slice %arg4[%add3A, %dma_wait3A, %dma_wait3A_43] : memref<32x40x128xi32, #tpu.memory_space<hbm>> -> memref<1x40x128xi32, #tpu.memory_space<hbm>>
      %dma_wait3A_45 = tpu.memref_squeeze %dma_wait3A_44 : memref<1x40x128xi32, #tpu.memory_space<hbm>> -> memref<40x128xi32, #tpu.memory_space<hbm>>
      %dma_wait3A_46 = arith.constant 0 : i32
      %dma_wait3A_47 = arith.constant 0 : i32
      %dma_wait3A_48 = tpu.memref_slice %arg4[%add3A, %dma_wait3A_46, %dma_wait3A_47] : memref<32x40x128xi32, #tpu.memory_space<hbm>> -> memref<1x40x128xi32, #tpu.memory_space<hbm>>
      %dma_wait3A_49 = tpu.memref_squeeze %dma_wait3A_48 : memref<1x40x128xi32, #tpu.memory_space<hbm>> -> memref<40x128xi32, #tpu.memory_space<hbm>>
      tpu.wait_dma2 semaphore(%run_scoped3A : memref<!tpu.dma_semaphore, #tpu.memory_space<semaphore_mem>>) src(%dma_wait3A_49 : memref<40x128xi32, #tpu.memory_space<hbm>>) dst(%arg9 : memref<40x128xi32, #tpu.memory_space<vmem>>)
      tpu.yield
    }) : () -> ()
    "tpu.region"() ({
      %run_scoped3A = tpu.sem_alloc : memref<!tpu.dma_semaphore, #tpu.memory_space<semaphore_mem>>
      %dma_start3A = arith.constant 0 : i32
      %dma_start3A_36 = arith.constant 0 : i32
      %dma_start3A_37 = tpu.memref_slice %arg3[%add3A, %dma_start3A, %dma_start3A_36] : memref<32x40x128xf32, #tpu.memory_space<hbm>> -> memref<1x40x128xf32, #tpu.memory_space<hbm>>
      %dma_start3A_38 = tpu.memref_squeeze %dma_start3A_37 : memref<1x40x128xf32, #tpu.memory_space<hbm>> -> memref<40x128xf32, #tpu.memory_space<hbm>>
      %dma_start3A_39 = arith.constant 0 : i32
      %dma_start3A_40 = arith.constant 0 : i32
      %dma_start3A_41 = tpu.memref_slice %arg3[%add3A, %dma_start3A_39, %dma_start3A_40] : memref<32x40x128xf32, #tpu.memory_space<hbm>> -> memref<1x40x128xf32, #tpu.memory_space<hbm>>
      %dma_start3A_42 = tpu.memref_squeeze %dma_start3A_41 : memref<1x40x128xf32, #tpu.memory_space<hbm>> -> memref<40x128xf32, #tpu.memory_space<hbm>>
      tpu.enqueue_dma source(%dma_start3A_42 : memref<40x128xf32, #tpu.memory_space<hbm>>) target(%arg10 : memref<40x128xf32, #tpu.memory_space<vmem>>) target_semaphore(%run_scoped3A : memref<!tpu.dma_semaphore, #tpu.memory_space<semaphore_mem>>)
      %dma_wait3A = arith.constant 0 : i32
      %dma_wait3A_43 = arith.constant 0 : i32
      %dma_wait3A_44 = tpu.memref_slice %arg3[%add3A, %dma_wait3A, %dma_wait3A_43] : memref<32x40x128xf32, #tpu.memory_space<hbm>> -> memref<1x40x128xf32, #tpu.memory_space<hbm>>
      %dma_wait3A_45 = tpu.memref_squeeze %dma_wait3A_44 : memref<1x40x128xf32, #tpu.memory_space<hbm>> -> memref<40x128xf32, #tpu.memory_space<hbm>>
      %dma_wait3A_46 = arith.constant 0 : i32
      %dma_wait3A_47 = arith.constant 0 : i32
      %dma_wait3A_48 = tpu.memref_slice %arg3[%add3A, %dma_wait3A_46, %dma_wait3A_47] : memref<32x40x128xf32, #tpu.memory_space<hbm>> -> memref<1x40x128xf32, #tpu.memory_space<hbm>>
      %dma_wait3A_49 = tpu.memref_squeeze %dma_wait3A_48 : memref<1x40x128xf32, #tpu.memory_space<hbm>> -> memref<40x128xf32, #tpu.memory_space<hbm>>
      tpu.wait_dma2 semaphore(%run_scoped3A : memref<!tpu.dma_semaphore, #tpu.memory_space<semaphore_mem>>) src(%dma_wait3A_49 : memref<40x128xf32, #tpu.memory_space<hbm>>) dst(%arg10 : memref<40x128xf32, #tpu.memory_space<vmem>>)
      tpu.yield
    }) : () -> ()
    %mul3A_1 = arith.constant 320 : i32
    %mul3A_2 = arith.muli %arg1, %mul3A_1 : i32
    "tpu.region"() ({
      %run_scoped3A = tpu.sem_alloc : memref<!tpu.dma_semaphore, #tpu.memory_space<semaphore_mem>>
      %dma_start3A = arith.constant 0 : i32
      %dma_start3A_36 = tpu.memref_slice %arg13[%mul3A_2, %dma_start3A] : memref<5120x128xf32, #tpu.memory_space<vmem_shared>> -> memref<320x128xf32, #tpu.memory_space<vmem_shared>>
      tpu.enqueue_dma source(%arg5 : memref<320x128xf32, #tpu.memory_space<hbm>>) target(%dma_start3A_36 : memref<320x128xf32, #tpu.memory_space<vmem_shared>>) target_semaphore(%run_scoped3A : memref<!tpu.dma_semaphore, #tpu.memory_space<semaphore_mem>>)
      %dma_wait3A = arith.constant 0 : i32
      %dma_wait3A_37 = tpu.memref_slice %arg13[%mul3A_2, %dma_wait3A] : memref<5120x128xf32, #tpu.memory_space<vmem_shared>> -> memref<320x128xf32, #tpu.memory_space<vmem_shared>>
      tpu.wait_dma2 semaphore(%run_scoped3A : memref<!tpu.dma_semaphore, #tpu.memory_space<semaphore_mem>>) src(%arg5 : memref<320x128xf32, #tpu.memory_space<hbm>>) dst(%dma_wait3A_37 : memref<320x128xf32, #tpu.memory_space<vmem_shared>>)
      tpu.yield
    }) : () -> ()
    %mul3A_3 = arith.constant 320 : i32
    %mul3A_4 = arith.muli %arg1, %mul3A_3 : i32
    "tpu.region"() ({
      %run_scoped3A = tpu.sem_alloc : memref<!tpu.dma_semaphore, #tpu.memory_space<semaphore_mem>>
      %dma_start3A = tpu.memref_slice %arg14[%mul3A_4] : memref<5120xf32, #tpu.memory_space<vmem_shared>> -> memref<320xf32, #tpu.memory_space<vmem_shared>>
      tpu.enqueue_dma source(%arg6 : memref<320xf32, #tpu.memory_space<hbm>>) target(%dma_start3A : memref<320xf32, #tpu.memory_space<vmem_shared>>) target_semaphore(%run_scoped3A : memref<!tpu.dma_semaphore, #tpu.memory_space<semaphore_mem>>)
      %dma_wait3A = tpu.memref_slice %arg14[%mul3A_4] : memref<5120xf32, #tpu.memory_space<vmem_shared>> -> memref<320xf32, #tpu.memory_space<vmem_shared>>
      tpu.wait_dma2 semaphore(%run_scoped3A : memref<!tpu.dma_semaphore, #tpu.memory_space<semaphore_mem>>) src(%arg6 : memref<320xf32, #tpu.memory_space<hbm>>) dst(%dma_wait3A : memref<320xf32, #tpu.memory_space<vmem_shared>>)
      tpu.yield
    }) : () -> ()
    %barrier3A = arith.constant 0 : index
    tpu.barrier barrier_id(%barrier3A)
    %scan3A = arith.constant 0 : i32
    %scan3A_5 = arith.constant 0 : i32
    %scan3A_6 = arith.constant 20 : i32
    %scan3A_7 = arith.addi %scan3A_5, %scan3A_6 : i32
    %scan3A_8 = arith.constant 1 : i32
    scf.for %scan3A_36 = %scan3A_5 to %scan3A_7 step %scan3A_8  : i32 {
      %mul3A_37 = arith.constant 2 : i32
      %mul3A_38 = arith.muli %mul3A_37, %scan3A_36 : i32
      %add3A_39 = arith.constant 0 : i32
      %add3A_40 = arith.addi %mul3A_38, %add3A_39 : i32
      %mul3A_41 = arith.constant 16 : i32
      %mul3A_42 = arith.muli %add3A_40, %mul3A_41 : i32
      %add3A_43 = arith.addi %mul3A_42, %arg1 : i32
      %gt3A = arith.constant 0 : i32
      %gt3A_44 = arith.cmpi sgt, %scan3A_36, %gt3A : i32
      %sub3A = arith.constant 32 : i32
      %sub3A_45 = arith.subi %add3A_43, %sub3A : i32
      %lt3A_46 = arith.constant 625 : i32
      %lt3A_47 = arith.cmpi slt, %sub3A_45, %lt3A_46 : i32
      %and3A = arith.andi %gt3A_44, %lt3A_47 : i1
      %convert_element_type3A_48 = arith.extui %and3A : i1 to i32
      %cond3A_49 = arith.constant 0 : i32
      %cond3A_50 = arith.cmpi ne, %convert_element_type3A_48, %cond3A_49 : i32
      scf.if %cond3A_50 {
        %sub3A_78 = arith.constant 2 : i32
        %sub3A_79 = arith.subi %add3A_40, %sub3A_78 : i32
        %dma_wait3A = arith.constant 0 : i32
        %dma_wait3A_80 = tpu.memref_slice %arg9[%sub3A_79, %dma_wait3A] : memref<40x128xi32, #tpu.memory_space<vmem>> -> memref<1x128xi32, #tpu.memory_space<vmem>>
        %dma_wait3A_81 = tpu.memref_squeeze %dma_wait3A_80 : memref<1x128xi32, #tpu.memory_space<vmem>> -> memref<128xi32, #tpu.memory_space<vmem>>
        %dma_wait3A_82 = arith.constant 0 : i32
        %dma_wait3A_83 = arith.constant 0 : i32
        %dma_wait3A_84 = tpu.memref_slice %arg13[%dma_wait3A_82, %dma_wait3A_83] : memref<5120x128xf32, #tpu.memory_space<vmem_shared>> -> memref<5120x128xf32, #tpu.memory_space<vmem_shared>>
        tpu.wait_indirect_dma semaphore(%arg15 : memref<!tpu.dma_semaphore, #tpu.memory_space<semaphore_mem>>) src(%arg11 : memref<128x128xf32, #tpu.memory_space<vmem>>) dst(%dma_wait3A_84 : memref<5120x128xf32, #tpu.memory_space<vmem_shared>>)
        %dma_wait3A_85 = arith.constant 0 : i32
        %dma_wait3A_86 = tpu.memref_slice %arg10[%sub3A_79, %dma_wait3A_85] : memref<40x128xf32, #tpu.memory_space<vmem>> -> memref<1x128xf32, #tpu.memory_space<vmem>>
        %dma_wait3A_87 = tpu.memref_squeeze %dma_wait3A_86 : memref<1x128xf32, #tpu.memory_space<vmem>> -> memref<128xf32, #tpu.memory_space<vmem>>
        %dma_wait3A_88 = arith.constant 0 : i32
        %dma_wait3A_89 = tpu.memref_slice %arg9[%sub3A_79, %dma_wait3A_88] : memref<40x128xi32, #tpu.memory_space<vmem>> -> memref<1x128xi32, #tpu.memory_space<vmem>>
        %dma_wait3A_90 = tpu.memref_squeeze %dma_wait3A_89 : memref<1x128xi32, #tpu.memory_space<vmem>> -> memref<128xi32, #tpu.memory_space<vmem>>
        %dma_wait3A_91 = arith.constant 0 : i32
        %dma_wait3A_92 = tpu.memref_slice %arg14[%dma_wait3A_91] : memref<5120xf32, #tpu.memory_space<vmem_shared>> -> memref<5120xf32, #tpu.memory_space<vmem_shared>>
        tpu.wait_indirect_dma semaphore(%arg16 : memref<!tpu.dma_semaphore, #tpu.memory_space<semaphore_mem>>) src(%dma_wait3A_87 : memref<128xf32, #tpu.memory_space<vmem>>) dst(%dma_wait3A_92 : memref<5120xf32, #tpu.memory_space<vmem_shared>>)
      } else {
      }
      %lt3A_51 = arith.constant 625 : i32
      %lt3A_52 = arith.cmpi slt, %add3A_43, %lt3A_51 : i32
      %convert_element_type3A_53 = arith.extui %lt3A_52 : i1 to i32
      %cond3A_54 = arith.constant 0 : i32
      %cond3A_55 = arith.cmpi ne, %convert_element_type3A_53, %cond3A_54 : i32
      scf.if %cond3A_55 {
        %mul3A_78 = arith.constant 625 : i32
        %mul3A_79 = arith.muli %arg0, %mul3A_78 : i32
        %add3A_80 = arith.addi %mul3A_79, %add3A_43 : i32
        %mul3A_81 = arith.constant 128 : i32
        %mul3A_82 = arith.muli %add3A_80, %mul3A_81 : i32
        "tpu.region"() ({
          %run_scoped3A = tpu.sem_alloc : memref<!tpu.dma_semaphore, #tpu.memory_space<semaphore_mem>>
          %dma_start3A_96 = arith.constant 0 : i32
          %dma_start3A_97 = tpu.memref_slice %arg2[%mul3A_82, %dma_start3A_96] : memref<160000x128xf32, #tpu.memory_space<hbm>> -> memref<128x128xf32, #tpu.memory_space<hbm>>
          %dma_start3A_98 = arith.constant 0 : i32
          %dma_start3A_99 = tpu.memref_slice %arg2[%mul3A_82, %dma_start3A_98] : memref<160000x128xf32, #tpu.memory_space<hbm>> -> memref<128x128xf32, #tpu.memory_space<hbm>>
          tpu.enqueue_dma source(%dma_start3A_99 : memref<128x128xf32, #tpu.memory_space<hbm>>) target(%arg11 : memref<128x128xf32, #tpu.memory_space<vmem>>) target_semaphore(%run_scoped3A : memref<!tpu.dma_semaphore, #tpu.memory_space<semaphore_mem>>)
          %dma_wait3A = arith.constant 0 : i32
          %dma_wait3A_100 = tpu.memref_slice %arg2[%mul3A_82, %dma_wait3A] : memref<160000x128xf32, #tpu.memory_space<hbm>> -> memref<128x128xf32, #tpu.memory_space<hbm>>
          %dma_wait3A_101 = arith.constant 0 : i32
          %dma_wait3A_102 = tpu.memref_slice %arg2[%mul3A_82, %dma_wait3A_101] : memref<160000x128xf32, #tpu.memory_space<hbm>> -> memref<128x128xf32, #tpu.memory_space<hbm>>
          tpu.wait_dma2 semaphore(%run_scoped3A : memref<!tpu.dma_semaphore, #tpu.memory_space<semaphore_mem>>) src(%dma_wait3A_102 : memref<128x128xf32, #tpu.memory_space<hbm>>) dst(%arg11 : memref<128x128xf32, #tpu.memory_space<vmem>>)
          tpu.yield
        }) : () -> ()
        %dma_start3A = arith.constant 0 : i32
        %dma_start3A_83 = tpu.memref_slice %arg9[%add3A_40, %dma_start3A] : memref<40x128xi32, #tpu.memory_space<vmem>> -> memref<1x128xi32, #tpu.memory_space<vmem>>
        %dma_start3A_84 = tpu.memref_squeeze %dma_start3A_83 : memref<1x128xi32, #tpu.memory_space<vmem>> -> memref<128xi32, #tpu.memory_space<vmem>>
        %dma_start3A_85 = arith.constant 0 : i32
        %dma_start3A_86 = arith.constant 0 : i32
        %dma_start3A_87 = tpu.memref_slice %arg13[%dma_start3A_85, %dma_start3A_86] : memref<5120x128xf32, #tpu.memory_space<vmem_shared>> -> memref<5120x128xf32, #tpu.memory_space<vmem_shared>>
        tpu.enqueue_indirect_dma source(%arg11 : memref<128x128xf32, #tpu.memory_space<vmem>>) target(%dma_start3A_87 : memref<5120x128xf32, #tpu.memory_space<vmem_shared>>) offsets(%dma_start3A_84 : memref<128xi32, #tpu.memory_space<vmem>>) semaphore(%arg15 : memref<!tpu.dma_semaphore, #tpu.memory_space<semaphore_mem>>) {add = true}
        %dma_start3A_88 = arith.constant 0 : i32
        %dma_start3A_89 = tpu.memref_slice %arg10[%add3A_40, %dma_start3A_88] : memref<40x128xf32, #tpu.memory_space<vmem>> -> memref<1x128xf32, #tpu.memory_space<vmem>>
        %dma_start3A_90 = tpu.memref_squeeze %dma_start3A_89 : memref<1x128xf32, #tpu.memory_space<vmem>> -> memref<128xf32, #tpu.memory_space<vmem>>
        %dma_start3A_91 = arith.constant 0 : i32
        %dma_start3A_92 = tpu.memref_slice %arg9[%add3A_40, %dma_start3A_91] : memref<40x128xi32, #tpu.memory_space<vmem>> -> memref<1x128xi32, #tpu.memory_space<vmem>>
        %dma_start3A_93 = tpu.memref_squeeze %dma_start3A_92 : memref<1x128xi32, #tpu.memory_space<vmem>> -> memref<128xi32, #tpu.memory_space<vmem>>
        %dma_start3A_94 = arith.constant 0 : i32
        %dma_start3A_95 = tpu.memref_slice %arg14[%dma_start3A_94] : memref<5120xf32, #tpu.memory_space<vmem_shared>> -> memref<5120xf32, #tpu.memory_space<vmem_shared>>
        tpu.enqueue_indirect_dma source(%dma_start3A_90 : memref<128xf32, #tpu.memory_space<vmem>>) target(%dma_start3A_95 : memref<5120xf32, #tpu.memory_space<vmem_shared>>) offsets(%dma_start3A_93 : memref<128xi32, #tpu.memory_space<vmem>>) semaphore(%arg16 : memref<!tpu.dma_semaphore, #tpu.memory_space<semaphore_mem>>) {add = true}
      } else {
      }
      %mul3A_56 = arith.constant 2 : i32
      %mul3A_57 = arith.muli %mul3A_56, %scan3A_36 : i32
      %add3A_58 = arith.constant 1 : i32
      %add3A_59 = arith.addi %mul3A_57, %add3A_58 : i32
      %mul3A_60 = arith.constant 16 : i32
      %mul3A_61 = arith.muli %add3A_59, %mul3A_60 : i32
      %add3A_62 = arith.addi %mul3A_61, %arg1 : i32
      %gt3A_63 = arith.constant 0 : i32
      %gt3A_64 = arith.cmpi sgt, %scan3A_36, %gt3A_63 : i32
      %sub3A_65 = arith.constant 32 : i32
      %sub3A_66 = arith.subi %add3A_62, %sub3A_65 : i32
      %lt3A_67 = arith.constant 625 : i32
      %lt3A_68 = arith.cmpi slt, %sub3A_66, %lt3A_67 : i32
      %and3A_69 = arith.andi %gt3A_64, %lt3A_68 : i1
      %convert_element_type3A_70 = arith.extui %and3A_69 : i1 to i32
      %cond3A_71 = arith.constant 0 : i32
      %cond3A_72 = arith.cmpi ne, %convert_element_type3A_70, %cond3A_71 : i32
      scf.if %cond3A_72 {
        %sub3A_78 = arith.constant 2 : i32
        %sub3A_79 = arith.subi %add3A_59, %sub3A_78 : i32
        %dma_wait3A = arith.constant 0 : i32
        %dma_wait3A_80 = tpu.memref_slice %arg9[%sub3A_79, %dma_wait3A] : memref<40x128xi32, #tpu.memory_space<vmem>> -> memref<1x128xi32, #tpu.memory_space<vmem>>
        %dma_wait3A_81 = tpu.memref_squeeze %dma_wait3A_80 : memref<1x128xi32, #tpu.memory_space<vmem>> -> memref<128xi32, #tpu.memory_space<vmem>>
        %dma_wait3A_82 = arith.constant 0 : i32
        %dma_wait3A_83 = arith.constant 0 : i32
        %dma_wait3A_84 = tpu.memref_slice %arg13[%dma_wait3A_82, %dma_wait3A_83] : memref<5120x128xf32, #tpu.memory_space<vmem_shared>> -> memref<5120x128xf32, #tpu.memory_space<vmem_shared>>
        tpu.wait_indirect_dma semaphore(%arg17 : memref<!tpu.dma_semaphore, #tpu.memory_space<semaphore_mem>>) src(%arg12 : memref<128x128xf32, #tpu.memory_space<vmem>>) dst(%dma_wait3A_84 : memref<5120x128xf32, #tpu.memory_space<vmem_shared>>)
        %dma_wait3A_85 = arith.constant 0 : i32
        %dma_wait3A_86 = tpu.memref_slice %arg10[%sub3A_79, %dma_wait3A_85] : memref<40x128xf32, #tpu.memory_space<vmem>> -> memref<1x128xf32, #tpu.memory_space<vmem>>
        %dma_wait3A_87 = tpu.memref_squeeze %dma_wait3A_86 : memref<1x128xf32, #tpu.memory_space<vmem>> -> memref<128xf32, #tpu.memory_space<vmem>>
        %dma_wait3A_88 = arith.constant 0 : i32
        %dma_wait3A_89 = tpu.memref_slice %arg9[%sub3A_79, %dma_wait3A_88] : memref<40x128xi32, #tpu.memory_space<vmem>> -> memref<1x128xi32, #tpu.memory_space<vmem>>
        %dma_wait3A_90 = tpu.memref_squeeze %dma_wait3A_89 : memref<1x128xi32, #tpu.memory_space<vmem>> -> memref<128xi32, #tpu.memory_space<vmem>>
        %dma_wait3A_91 = arith.constant 0 : i32
        %dma_wait3A_92 = tpu.memref_slice %arg14[%dma_wait3A_91] : memref<5120xf32, #tpu.memory_space<vmem_shared>> -> memref<5120xf32, #tpu.memory_space<vmem_shared>>
        tpu.wait_indirect_dma semaphore(%arg18 : memref<!tpu.dma_semaphore, #tpu.memory_space<semaphore_mem>>) src(%dma_wait3A_87 : memref<128xf32, #tpu.memory_space<vmem>>) dst(%dma_wait3A_92 : memref<5120xf32, #tpu.memory_space<vmem_shared>>)
      } else {
      }
      %lt3A_73 = arith.constant 625 : i32
      %lt3A_74 = arith.cmpi slt, %add3A_62, %lt3A_73 : i32
      %convert_element_type3A_75 = arith.extui %lt3A_74 : i1 to i32
      %cond3A_76 = arith.constant 0 : i32
      %cond3A_77 = arith.cmpi ne, %convert_element_type3A_75, %cond3A_76 : i32
      scf.if %cond3A_77 {
        %mul3A_78 = arith.constant 625 : i32
        %mul3A_79 = arith.muli %arg0, %mul3A_78 : i32
        %add3A_80 = arith.addi %mul3A_79, %add3A_62 : i32
        %mul3A_81 = arith.constant 128 : i32
        %mul3A_82 = arith.muli %add3A_80, %mul3A_81 : i32
        "tpu.region"() ({
          %run_scoped3A = tpu.sem_alloc : memref<!tpu.dma_semaphore, #tpu.memory_space<semaphore_mem>>
          %dma_start3A_96 = arith.constant 0 : i32
          %dma_start3A_97 = tpu.memref_slice %arg2[%mul3A_82, %dma_start3A_96] : memref<160000x128xf32, #tpu.memory_space<hbm>> -> memref<128x128xf32, #tpu.memory_space<hbm>>
          %dma_start3A_98 = arith.constant 0 : i32
          %dma_start3A_99 = tpu.memref_slice %arg2[%mul3A_82, %dma_start3A_98] : memref<160000x128xf32, #tpu.memory_space<hbm>> -> memref<128x128xf32, #tpu.memory_space<hbm>>
          tpu.enqueue_dma source(%dma_start3A_99 : memref<128x128xf32, #tpu.memory_space<hbm>>) target(%arg12 : memref<128x128xf32, #tpu.memory_space<vmem>>) target_semaphore(%run_scoped3A : memref<!tpu.dma_semaphore, #tpu.memory_space<semaphore_mem>>)
          %dma_wait3A = arith.constant 0 : i32
          %dma_wait3A_100 = tpu.memref_slice %arg2[%mul3A_82, %dma_wait3A] : memref<160000x128xf32, #tpu.memory_space<hbm>> -> memref<128x128xf32, #tpu.memory_space<hbm>>
          %dma_wait3A_101 = arith.constant 0 : i32
          %dma_wait3A_102 = tpu.memref_slice %arg2[%mul3A_82, %dma_wait3A_101] : memref<160000x128xf32, #tpu.memory_space<hbm>> -> memref<128x128xf32, #tpu.memory_space<hbm>>
          tpu.wait_dma2 semaphore(%run_scoped3A : memref<!tpu.dma_semaphore, #tpu.memory_space<semaphore_mem>>) src(%dma_wait3A_102 : memref<128x128xf32, #tpu.memory_space<hbm>>) dst(%arg12 : memref<128x128xf32, #tpu.memory_space<vmem>>)
          tpu.yield
        }) : () -> ()
        %dma_start3A = arith.constant 0 : i32
        %dma_start3A_83 = tpu.memref_slice %arg9[%add3A_59, %dma_start3A] : memref<40x128xi32, #tpu.memory_space<vmem>> -> memref<1x128xi32, #tpu.memory_space<vmem>>
        %dma_start3A_84 = tpu.memref_squeeze %dma_start3A_83 : memref<1x128xi32, #tpu.memory_space<vmem>> -> memref<128xi32, #tpu.memory_space<vmem>>
        %dma_start3A_85 = arith.constant 0 : i32
        %dma_start3A_86 = arith.constant 0 : i32
        %dma_start3A_87 = tpu.memref_slice %arg13[%dma_start3A_85, %dma_start3A_86] : memref<5120x128xf32, #tpu.memory_space<vmem_shared>> -> memref<5120x128xf32, #tpu.memory_space<vmem_shared>>
        tpu.enqueue_indirect_dma source(%arg12 : memref<128x128xf32, #tpu.memory_space<vmem>>) target(%dma_start3A_87 : memref<5120x128xf32, #tpu.memory_space<vmem_shared>>) offsets(%dma_start3A_84 : memref<128xi32, #tpu.memory_space<vmem>>) semaphore(%arg17 : memref<!tpu.dma_semaphore, #tpu.memory_space<semaphore_mem>>) {add = true}
        %dma_start3A_88 = arith.constant 0 : i32
        %dma_start3A_89 = tpu.memref_slice %arg10[%add3A_59, %dma_start3A_88] : memref<40x128xf32, #tpu.memory_space<vmem>> -> memref<1x128xf32, #tpu.memory_space<vmem>>
        %dma_start3A_90 = tpu.memref_squeeze %dma_start3A_89 : memref<1x128xf32, #tpu.memory_space<vmem>> -> memref<128xf32, #tpu.memory_space<vmem>>
        %dma_start3A_91 = arith.constant 0 : i32
        %dma_start3A_92 = tpu.memref_slice %arg9[%add3A_59, %dma_start3A_91] : memref<40x128xi32, #tpu.memory_space<vmem>> -> memref<1x128xi32, #tpu.memory_space<vmem>>
        %dma_start3A_93 = tpu.memref_squeeze %dma_start3A_92 : memref<1x128xi32, #tpu.memory_space<vmem>> -> memref<128xi32, #tpu.memory_space<vmem>>
        %dma_start3A_94 = arith.constant 0 : i32
        %dma_start3A_95 = tpu.memref_slice %arg14[%dma_start3A_94] : memref<5120xf32, #tpu.memory_space<vmem_shared>> -> memref<5120xf32, #tpu.memory_space<vmem_shared>>
        tpu.enqueue_indirect_dma source(%dma_start3A_90 : memref<128xf32, #tpu.memory_space<vmem>>) target(%dma_start3A_95 : memref<5120xf32, #tpu.memory_space<vmem_shared>>) offsets(%dma_start3A_93 : memref<128xi32, #tpu.memory_space<vmem>>) semaphore(%arg18 : memref<!tpu.dma_semaphore, #tpu.memory_space<semaphore_mem>>) {add = true}
      } else {
      }
    }
    %scan3A_9 = arith.constant 20 : i32
    %add3A_10 = arith.constant 608 : i32
    %add3A_11 = arith.addi %add3A_10, %arg1 : i32
    %lt3A = arith.constant 625 : i32
    %lt3A_12 = arith.cmpi slt, %add3A_11, %lt3A : i32
    %convert_element_type3A = arith.extui %lt3A_12 : i1 to i32
    %cond3A = arith.constant 0 : i32
    %cond3A_13 = arith.cmpi ne, %convert_element_type3A, %cond3A : i32
    scf.if %cond3A_13 {
      %dma_wait3A = arith.constant 38 : i32
      %dma_wait3A_36 = arith.constant 0 : i32
      %dma_wait3A_37 = tpu.memref_slice %arg9[%dma_wait3A, %dma_wait3A_36] : memref<40x128xi32, #tpu.memory_space<vmem>> -> memref<1x128xi32, #tpu.memory_space<vmem>>
      %dma_wait3A_38 = tpu.memref_squeeze %dma_wait3A_37 : memref<1x128xi32, #tpu.memory_space<vmem>> -> memref<128xi32, #tpu.memory_space<vmem>>
      %dma_wait3A_39 = arith.constant 0 : i32
      %dma_wait3A_40 = arith.constant 0 : i32
      %dma_wait3A_41 = tpu.memref_slice %arg13[%dma_wait3A_39, %dma_wait3A_40] : memref<5120x128xf32, #tpu.memory_space<vmem_shared>> -> memref<5120x128xf32, #tpu.memory_space<vmem_shared>>
      tpu.wait_indirect_dma semaphore(%arg15 : memref<!tpu.dma_semaphore, #tpu.memory_space<semaphore_mem>>) src(%arg11 : memref<128x128xf32, #tpu.memory_space<vmem>>) dst(%dma_wait3A_41 : memref<5120x128xf32, #tpu.memory_space<vmem_shared>>)
      %dma_wait3A_42 = arith.constant 38 : i32
      %dma_wait3A_43 = arith.constant 38 : i32
      %dma_wait3A_44 = arith.constant 0 : i32
      %dma_wait3A_45 = tpu.memref_slice %arg10[%dma_wait3A_42, %dma_wait3A_44] : memref<40x128xf32, #tpu.memory_space<vmem>> -> memref<1x128xf32, #tpu.memory_space<vmem>>
      %dma_wait3A_46 = tpu.memref_squeeze %dma_wait3A_45 : memref<1x128xf32, #tpu.memory_space<vmem>> -> memref<128xf32, #tpu.memory_space<vmem>>
      %dma_wait3A_47 = arith.constant 0 : i32
      %dma_wait3A_48 = tpu.memref_slice %arg9[%dma_wait3A_43, %dma_wait3A_47] : memref<40x128xi32, #tpu.memory_space<vmem>> -> memref<1x128xi32, #tpu.memory_space<vmem>>
      %dma_wait3A_49 = tpu.memref_squeeze %dma_wait3A_48 : memref<1x128xi32, #tpu.memory_space<vmem>> -> memref<128xi32, #tpu.memory_space<vmem>>
      %dma_wait3A_50 = arith.constant 0 : i32
      %dma_wait3A_51 = tpu.memref_slice %arg14[%dma_wait3A_50] : memref<5120xf32, #tpu.memory_space<vmem_shared>> -> memref<5120xf32, #tpu.memory_space<vmem_shared>>
      tpu.wait_indirect_dma semaphore(%arg16 : memref<!tpu.dma_semaphore, #tpu.memory_space<semaphore_mem>>) src(%dma_wait3A_46 : memref<128xf32, #tpu.memory_space<vmem>>) dst(%dma_wait3A_51 : memref<5120xf32, #tpu.memory_space<vmem_shared>>)
    } else {
    }
    %add3A_14 = arith.constant 624 : i32
    %add3A_15 = arith.addi %add3A_14, %arg1 : i32
    %lt3A_16 = arith.constant 625 : i32
    %lt3A_17 = arith.cmpi slt, %add3A_15, %lt3A_16 : i32
    %convert_element_type3A_18 = arith.extui %lt3A_17 : i1 to i32
    %cond3A_19 = arith.constant 0 : i32
    %cond3A_20 = arith.cmpi ne, %convert_element_type3A_18, %cond3A_19 : i32
    scf.if %cond3A_20 {
      %dma_wait3A = arith.constant 39 : i32
      %dma_wait3A_36 = arith.constant 0 : i32
      %dma_wait3A_37 = tpu.memref_slice %arg9[%dma_wait3A, %dma_wait3A_36] : memref<40x128xi32, #tpu.memory_space<vmem>> -> memref<1x128xi32, #tpu.memory_space<vmem>>
      %dma_wait3A_38 = tpu.memref_squeeze %dma_wait3A_37 : memref<1x128xi32, #tpu.memory_space<vmem>> -> memref<128xi32, #tpu.memory_space<vmem>>
      %dma_wait3A_39 = arith.constant 0 : i32
      %dma_wait3A_40 = arith.constant 0 : i32
      %dma_wait3A_41 = tpu.memref_slice %arg13[%dma_wait3A_39, %dma_wait3A_40] : memref<5120x128xf32, #tpu.memory_space<vmem_shared>> -> memref<5120x128xf32, #tpu.memory_space<vmem_shared>>
      tpu.wait_indirect_dma semaphore(%arg17 : memref<!tpu.dma_semaphore, #tpu.memory_space<semaphore_mem>>) src(%arg12 : memref<128x128xf32, #tpu.memory_space<vmem>>) dst(%dma_wait3A_41 : memref<5120x128xf32, #tpu.memory_space<vmem_shared>>)
      %dma_wait3A_42 = arith.constant 39 : i32
      %dma_wait3A_43 = arith.constant 39 : i32
      %dma_wait3A_44 = arith.constant 0 : i32
      %dma_wait3A_45 = tpu.memref_slice %arg10[%dma_wait3A_42, %dma_wait3A_44] : memref<40x128xf32, #tpu.memory_space<vmem>> -> memref<1x128xf32, #tpu.memory_space<vmem>>
      %dma_wait3A_46 = tpu.memref_squeeze %dma_wait3A_45 : memref<1x128xf32, #tpu.memory_space<vmem>> -> memref<128xf32, #tpu.memory_space<vmem>>
      %dma_wait3A_47 = arith.constant 0 : i32
      %dma_wait3A_48 = tpu.memref_slice %arg9[%dma_wait3A_43, %dma_wait3A_47] : memref<40x128xi32, #tpu.memory_space<vmem>> -> memref<1x128xi32, #tpu.memory_space<vmem>>
      %dma_wait3A_49 = tpu.memref_squeeze %dma_wait3A_48 : memref<1x128xi32, #tpu.memory_space<vmem>> -> memref<128xi32, #tpu.memory_space<vmem>>
      %dma_wait3A_50 = arith.constant 0 : i32
      %dma_wait3A_51 = tpu.memref_slice %arg14[%dma_wait3A_50] : memref<5120xf32, #tpu.memory_space<vmem_shared>> -> memref<5120xf32, #tpu.memory_space<vmem_shared>>
      tpu.wait_indirect_dma semaphore(%arg18 : memref<!tpu.dma_semaphore, #tpu.memory_space<semaphore_mem>>) src(%dma_wait3A_46 : memref<128xf32, #tpu.memory_space<vmem>>) dst(%dma_wait3A_51 : memref<5120xf32, #tpu.memory_space<vmem_shared>>)
    } else {
    }
    %barrier3A_21 = arith.constant 0 : index
    tpu.barrier barrier_id(%barrier3A_21)
    %mul3A_22 = arith.constant 320 : i32
    %mul3A_23 = arith.muli %arg1, %mul3A_22 : i32
    %mul3A_24 = arith.constant 5120 : i32
    %mul3A_25 = arith.muli %arg0, %mul3A_24 : i32
    %mul3A_26 = arith.constant 320 : i32
    %mul3A_27 = arith.muli %arg1, %mul3A_26 : i32
    %add3A_28 = arith.addi %mul3A_25, %mul3A_27 : i32
    "tpu.region"() ({
      %run_scoped3A = tpu.sem_alloc : memref<!tpu.dma_semaphore, #tpu.memory_space<semaphore_mem>>
      %dma_start3A = arith.constant 0 : i32
      %dma_start3A_36 = tpu.memref_slice %arg7[%add3A_28, %dma_start3A] : memref<10240x128xf32, #tpu.memory_space<hbm>> -> memref<320x128xf32, #tpu.memory_space<hbm>>
      %dma_start3A_37 = arith.constant 0 : i32
      %dma_start3A_38 = tpu.memref_slice %arg13[%mul3A_23, %dma_start3A_37] : memref<5120x128xf32, #tpu.memory_space<vmem_shared>> -> memref<320x128xf32, #tpu.memory_space<vmem_shared>>
      tpu.enqueue_dma source(%dma_start3A_38 : memref<320x128xf32, #tpu.memory_space<vmem_shared>>) target(%dma_start3A_36 : memref<320x128xf32, #tpu.memory_space<hbm>>) target_semaphore(%run_scoped3A : memref<!tpu.dma_semaphore, #tpu.memory_space<semaphore_mem>>)
      %dma_wait3A = arith.constant 0 : i32
      %dma_wait3A_39 = tpu.memref_slice %arg7[%add3A_28, %dma_wait3A] : memref<10240x128xf32, #tpu.memory_space<hbm>> -> memref<320x128xf32, #tpu.memory_space<hbm>>
      %dma_wait3A_40 = arith.constant 0 : i32
      %dma_wait3A_41 = tpu.memref_slice %arg13[%mul3A_23, %dma_wait3A_40] : memref<5120x128xf32, #tpu.memory_space<vmem_shared>> -> memref<320x128xf32, #tpu.memory_space<vmem_shared>>
      tpu.wait_dma2 semaphore(%run_scoped3A : memref<!tpu.dma_semaphore, #tpu.memory_space<semaphore_mem>>) src(%dma_wait3A_41 : memref<320x128xf32, #tpu.memory_space<vmem_shared>>) dst(%dma_wait3A_39 : memref<320x128xf32, #tpu.memory_space<hbm>>)
      tpu.yield
    }) : () -> ()
    %mul3A_29 = arith.constant 320 : i32
    %mul3A_30 = arith.muli %arg1, %mul3A_29 : i32
    %mul3A_31 = arith.constant 5120 : i32
    %mul3A_32 = arith.muli %arg0, %mul3A_31 : i32
    %mul3A_33 = arith.constant 320 : i32
    %mul3A_34 = arith.muli %arg1, %mul3A_33 : i32
    %add3A_35 = arith.addi %mul3A_32, %mul3A_34 : i32
    "tpu.region"() ({
      %run_scoped3A = tpu.sem_alloc : memref<!tpu.dma_semaphore, #tpu.memory_space<semaphore_mem>>
      %dma_start3A = tpu.memref_slice %arg8[%add3A_35] : memref<10240xf32, #tpu.memory_space<hbm>> -> memref<320xf32, #tpu.memory_space<hbm>>
      %dma_start3A_36 = tpu.memref_slice %arg14[%mul3A_30] : memref<5120xf32, #tpu.memory_space<vmem_shared>> -> memref<320xf32, #tpu.memory_space<vmem_shared>>
      tpu.enqueue_dma source(%dma_start3A_36 : memref<320xf32, #tpu.memory_space<vmem_shared>>) target(%dma_start3A : memref<320xf32, #tpu.memory_space<hbm>>) target_semaphore(%run_scoped3A : memref<!tpu.dma_semaphore, #tpu.memory_space<semaphore_mem>>)
      %dma_wait3A = tpu.memref_slice %arg8[%add3A_35] : memref<10240xf32, #tpu.memory_space<hbm>> -> memref<320xf32, #tpu.memory_space<hbm>>
      %dma_wait3A_37 = tpu.memref_slice %arg14[%mul3A_30] : memref<5120xf32, #tpu.memory_space<vmem_shared>> -> memref<320xf32, #tpu.memory_space<vmem_shared>>
      tpu.wait_dma2 semaphore(%run_scoped3A : memref<!tpu.dma_semaphore, #tpu.memory_space<semaphore_mem>>) src(%dma_wait3A_37 : memref<320xf32, #tpu.memory_space<vmem_shared>>) dst(%dma_wait3A : memref<320xf32, #tpu.memory_space<hbm>>)
      tpu.yield
    }) : () -> ()
    return
  }
}

#map = affine_map<(d0, d1) -> (0, 0)>
#map1 = affine_map<(d0, d1) -> (0, 0, 0)>
module attributes {stable_mosaic.version = 14 : i64} {
  func.func @_gather(%arg0: i32, %arg1: i32, %arg2: memref<5120x128xf32, #tpu.memory_space<hbm>>, %arg3: memref<5120x128xf32, #tpu.memory_space<hbm>>, %arg4: memref<32x40x128xi32, #tpu.memory_space<hbm>>, %arg5: memref<32x40x128xi32, #tpu.memory_space<hbm>>, %arg6: memref<1250x128x128xf32, #tpu.memory_space<hbm>>, %arg7: memref<1250x128x128xf32, #tpu.memory_space<hbm>>, %arg8: memref<40x128xi32, #tpu.memory_space<vmem>>, %arg9: memref<40x128xi32, #tpu.memory_space<vmem>>, %arg10: memref<128x128xf32, #tpu.memory_space<vmem>>, %arg11: memref<128x128xf32, #tpu.memory_space<vmem>>, %arg12: memref<128x128xf32, #tpu.memory_space<vmem>>, %arg13: memref<128x128xf32, #tpu.memory_space<vmem>>, %arg14: memref<5120x128xf32, #tpu.memory_space<vmem_shared>>, %arg15: memref<!tpu.dma_semaphore, #tpu.memory_space<semaphore_mem>>, %arg16: memref<!tpu.dma_semaphore, #tpu.memory_space<semaphore_mem>>, %arg17: memref<!tpu.dma_semaphore, #tpu.memory_space<semaphore_mem>>, %arg18: memref<!tpu.dma_semaphore, #tpu.memory_space<semaphore_mem>>, %arg19: memref<!tpu.dma_semaphore, #tpu.memory_space<semaphore_mem>>, %arg20: memref<!tpu.dma_semaphore, #tpu.memory_space<semaphore_mem>>, %arg21: memref<!tpu.dma_semaphore, #tpu.memory_space<semaphore_mem>>, %arg22: memref<!tpu.dma_semaphore, #tpu.memory_space<semaphore_mem>>) attributes {dimension_semantics = [#tpu.dimension_semantics<core_parallel>, #tpu.dimension_semantics<subcore_parallel>], iteration_bounds = array<i64: 2, 16>, scalar_prefetch = 0 : i64, scratch_operands = 15 : i64, tpu.core_type = #tpu.core_type<sc_vector_subcore>, window_params = [{transform_indices = #map}, {transform_indices = #map}, {transform_indices = #map1}, {transform_indices = #map1}, {transform_indices = #map1}, {transform_indices = #map1}]} {
    %mul3A = arith.constant 2 : i32
    %mul3A_0 = arith.muli %arg1, %mul3A : i32
    %add3A = arith.addi %mul3A_0, %arg0 : i32
    %mul3A_1 = arith.constant 320 : i32
    %mul3A_2 = arith.muli %arg1, %mul3A_1 : i32
    %mul3A_3 = arith.constant 320 : i32
    %mul3A_4 = arith.muli %arg1, %mul3A_3 : i32
    "tpu.region"() ({
      %run_scoped3A = tpu.sem_alloc : memref<!tpu.dma_semaphore, #tpu.memory_space<semaphore_mem>>
      %dma_start3A = arith.constant 0 : i32
      %dma_start3A_45 = tpu.memref_slice %arg14[%mul3A_4, %dma_start3A] : memref<5120x128xf32, #tpu.memory_space<vmem_shared>> -> memref<320x128xf32, #tpu.memory_space<vmem_shared>>
      %dma_start3A_46 = arith.constant 0 : i32
      %dma_start3A_47 = tpu.memref_slice %arg2[%mul3A_2, %dma_start3A_46] : memref<5120x128xf32, #tpu.memory_space<hbm>> -> memref<320x128xf32, #tpu.memory_space<hbm>>
      tpu.enqueue_dma source(%dma_start3A_47 : memref<320x128xf32, #tpu.memory_space<hbm>>) target(%dma_start3A_45 : memref<320x128xf32, #tpu.memory_space<vmem_shared>>) target_semaphore(%run_scoped3A : memref<!tpu.dma_semaphore, #tpu.memory_space<semaphore_mem>>)
      %dma_wait3A_48 = arith.constant 0 : i32
      %dma_wait3A_49 = tpu.memref_slice %arg14[%mul3A_4, %dma_wait3A_48] : memref<5120x128xf32, #tpu.memory_space<vmem_shared>> -> memref<320x128xf32, #tpu.memory_space<vmem_shared>>
      %dma_wait3A_50 = arith.constant 0 : i32
      %dma_wait3A_51 = tpu.memref_slice %arg2[%mul3A_2, %dma_wait3A_50] : memref<5120x128xf32, #tpu.memory_space<hbm>> -> memref<320x128xf32, #tpu.memory_space<hbm>>
      tpu.wait_dma2 semaphore(%run_scoped3A : memref<!tpu.dma_semaphore, #tpu.memory_space<semaphore_mem>>) src(%dma_wait3A_51 : memref<320x128xf32, #tpu.memory_space<hbm>>) dst(%dma_wait3A_49 : memref<320x128xf32, #tpu.memory_space<vmem_shared>>)
      tpu.yield
    }) : () -> ()
    "tpu.region"() ({
      %run_scoped3A = tpu.sem_alloc : memref<!tpu.dma_semaphore, #tpu.memory_space<semaphore_mem>>
      %dma_start3A = arith.constant 0 : i32
      %dma_start3A_45 = arith.constant 0 : i32
      %dma_start3A_46 = tpu.memref_slice %arg4[%add3A, %dma_start3A, %dma_start3A_45] : memref<32x40x128xi32, #tpu.memory_space<hbm>> -> memref<1x40x128xi32, #tpu.memory_space<hbm>>
      %dma_start3A_47 = tpu.memref_squeeze %dma_start3A_46 : memref<1x40x128xi32, #tpu.memory_space<hbm>> -> memref<40x128xi32, #tpu.memory_space<hbm>>
      %dma_start3A_48 = arith.constant 0 : i32
      %dma_start3A_49 = arith.constant 0 : i32
      %dma_start3A_50 = tpu.memref_slice %arg4[%add3A, %dma_start3A_48, %dma_start3A_49] : memref<32x40x128xi32, #tpu.memory_space<hbm>> -> memref<1x40x128xi32, #tpu.memory_space<hbm>>
      %dma_start3A_51 = tpu.memref_squeeze %dma_start3A_50 : memref<1x40x128xi32, #tpu.memory_space<hbm>> -> memref<40x128xi32, #tpu.memory_space<hbm>>
      tpu.enqueue_dma source(%dma_start3A_51 : memref<40x128xi32, #tpu.memory_space<hbm>>) target(%arg8 : memref<40x128xi32, #tpu.memory_space<vmem>>) target_semaphore(%run_scoped3A : memref<!tpu.dma_semaphore, #tpu.memory_space<semaphore_mem>>)
      %dma_wait3A_52 = arith.constant 0 : i32
      %dma_wait3A_53 = arith.constant 0 : i32
      %dma_wait3A_54 = tpu.memref_slice %arg4[%add3A, %dma_wait3A_52, %dma_wait3A_53] : memref<32x40x128xi32, #tpu.memory_space<hbm>> -> memref<1x40x128xi32, #tpu.memory_space<hbm>>
      %dma_wait3A_55 = tpu.memref_squeeze %dma_wait3A_54 : memref<1x40x128xi32, #tpu.memory_space<hbm>> -> memref<40x128xi32, #tpu.memory_space<hbm>>
      %dma_wait3A_56 = arith.constant 0 : i32
      %dma_wait3A_57 = arith.constant 0 : i32
      %dma_wait3A_58 = tpu.memref_slice %arg4[%add3A, %dma_wait3A_56, %dma_wait3A_57] : memref<32x40x128xi32, #tpu.memory_space<hbm>> -> memref<1x40x128xi32, #tpu.memory_space<hbm>>
      %dma_wait3A_59 = tpu.memref_squeeze %dma_wait3A_58 : memref<1x40x128xi32, #tpu.memory_space<hbm>> -> memref<40x128xi32, #tpu.memory_space<hbm>>
      tpu.wait_dma2 semaphore(%run_scoped3A : memref<!tpu.dma_semaphore, #tpu.memory_space<semaphore_mem>>) src(%dma_wait3A_59 : memref<40x128xi32, #tpu.memory_space<hbm>>) dst(%arg8 : memref<40x128xi32, #tpu.memory_space<vmem>>)
      tpu.yield
    }) : () -> ()
    "tpu.region"() ({
      %run_scoped3A = tpu.sem_alloc : memref<!tpu.dma_semaphore, #tpu.memory_space<semaphore_mem>>
      %dma_start3A = arith.constant 0 : i32
      %dma_start3A_45 = arith.constant 0 : i32
      %dma_start3A_46 = tpu.memref_slice %arg5[%add3A, %dma_start3A, %dma_start3A_45] : memref<32x40x128xi32, #tpu.memory_space<hbm>> -> memref<1x40x128xi32, #tpu.memory_space<hbm>>
      %dma_start3A_47 = tpu.memref_squeeze %dma_start3A_46 : memref<1x40x128xi32, #tpu.memory_space<hbm>> -> memref<40x128xi32, #tpu.memory_space<hbm>>
      %dma_start3A_48 = arith.constant 0 : i32
      %dma_start3A_49 = arith.constant 0 : i32
      %dma_start3A_50 = tpu.memref_slice %arg5[%add3A, %dma_start3A_48, %dma_start3A_49] : memref<32x40x128xi32, #tpu.memory_space<hbm>> -> memref<1x40x128xi32, #tpu.memory_space<hbm>>
      %dma_start3A_51 = tpu.memref_squeeze %dma_start3A_50 : memref<1x40x128xi32, #tpu.memory_space<hbm>> -> memref<40x128xi32, #tpu.memory_space<hbm>>
      tpu.enqueue_dma source(%dma_start3A_51 : memref<40x128xi32, #tpu.memory_space<hbm>>) target(%arg9 : memref<40x128xi32, #tpu.memory_space<vmem>>) target_semaphore(%run_scoped3A : memref<!tpu.dma_semaphore, #tpu.memory_space<semaphore_mem>>)
      %dma_wait3A_52 = arith.constant 0 : i32
      %dma_wait3A_53 = arith.constant 0 : i32
      %dma_wait3A_54 = tpu.memref_slice %arg5[%add3A, %dma_wait3A_52, %dma_wait3A_53] : memref<32x40x128xi32, #tpu.memory_space<hbm>> -> memref<1x40x128xi32, #tpu.memory_space<hbm>>
      %dma_wait3A_55 = tpu.memref_squeeze %dma_wait3A_54 : memref<1x40x128xi32, #tpu.memory_space<hbm>> -> memref<40x128xi32, #tpu.memory_space<hbm>>
      %dma_wait3A_56 = arith.constant 0 : i32
      %dma_wait3A_57 = arith.constant 0 : i32
      %dma_wait3A_58 = tpu.memref_slice %arg5[%add3A, %dma_wait3A_56, %dma_wait3A_57] : memref<32x40x128xi32, #tpu.memory_space<hbm>> -> memref<1x40x128xi32, #tpu.memory_space<hbm>>
      %dma_wait3A_59 = tpu.memref_squeeze %dma_wait3A_58 : memref<1x40x128xi32, #tpu.memory_space<hbm>> -> memref<40x128xi32, #tpu.memory_space<hbm>>
      tpu.wait_dma2 semaphore(%run_scoped3A : memref<!tpu.dma_semaphore, #tpu.memory_space<semaphore_mem>>) src(%dma_wait3A_59 : memref<40x128xi32, #tpu.memory_space<hbm>>) dst(%arg9 : memref<40x128xi32, #tpu.memory_space<vmem>>)
      tpu.yield
    }) : () -> ()
    %barrier3A = arith.constant 0 : index
    tpu.barrier barrier_id(%barrier3A)
    %scan3A = arith.constant 0 : i32
    %scan3A_5 = arith.constant 0 : i32
    %scan3A_6 = arith.constant 20 : i32
    %scan3A_7 = arith.addi %scan3A_5, %scan3A_6 : i32
    %scan3A_8 = arith.constant 1 : i32
    scf.for %scan3A_45 = %scan3A_5 to %scan3A_7 step %scan3A_8  : i32 {
      %mul3A_46 = arith.constant 2 : i32
      %mul3A_47 = arith.muli %mul3A_46, %scan3A_45 : i32
      %mul3A_48 = arith.constant 32 : i32
      %mul3A_49 = arith.muli %mul3A_47, %mul3A_48 : i32
      %add3A_50 = arith.addi %mul3A_49, %add3A : i32
      %min3A = arith.constant 1249 : i32
      %min3A_51 = arith.minsi %add3A_50, %min3A : i32
      %mul3A_52 = arith.constant 2 : i32
      %mul3A_53 = arith.muli %mul3A_52, %scan3A_45 : i32
      %add3A_54 = arith.constant 1 : i32
      %add3A_55 = arith.addi %mul3A_53, %add3A_54 : i32
      %mul3A_56 = arith.constant 32 : i32
      %mul3A_57 = arith.muli %add3A_55, %mul3A_56 : i32
      %add3A_58 = arith.addi %mul3A_57, %add3A : i32
      %min3A_59 = arith.constant 1249 : i32
      %min3A_60 = arith.minsi %add3A_58, %min3A_59 : i32
      %gt3A = arith.constant 0 : i32
      %gt3A_61 = arith.cmpi sgt, %scan3A_45, %gt3A : i32
      %convert_element_type3A = arith.extui %gt3A_61 : i1 to i32
      %cond3A = arith.constant 0 : i32
      %cond3A_62 = arith.cmpi ne, %convert_element_type3A, %cond3A : i32
      scf.if %cond3A_62 {
        %dma_wait3A_159 = arith.constant 0 : i32
        %dma_wait3A_160 = arith.constant 0 : i32
        %dma_wait3A_161 = tpu.memref_slice %arg6[%min3A_51, %dma_wait3A_159, %dma_wait3A_160] : memref<1250x128x128xf32, #tpu.memory_space<hbm>> -> memref<1x128x128xf32, #tpu.memory_space<hbm>>
        %dma_wait3A_162 = tpu.memref_squeeze %dma_wait3A_161 : memref<1x128x128xf32, #tpu.memory_space<hbm>> -> memref<128x128xf32, #tpu.memory_space<hbm>>
        %dma_wait3A_163 = arith.constant 0 : i32
        %dma_wait3A_164 = arith.constant 0 : i32
        %dma_wait3A_165 = tpu.memref_slice %arg6[%min3A_51, %dma_wait3A_163, %dma_wait3A_164] : memref<1250x128x128xf32, #tpu.memory_space<hbm>> -> memref<1x128x128xf32, #tpu.memory_space<hbm>>
        %dma_wait3A_166 = tpu.memref_squeeze %dma_wait3A_165 : memref<1x128x128xf32, #tpu.memory_space<hbm>> -> memref<128x128xf32, #tpu.memory_space<hbm>>
        tpu.wait_dma2 semaphore(%arg19 : memref<!tpu.dma_semaphore, #tpu.memory_space<semaphore_mem>>) src(%arg10 : memref<128x128xf32, #tpu.memory_space<vmem>>) dst(%dma_wait3A_166 : memref<128x128xf32, #tpu.memory_space<hbm>>)
        %dma_wait3A_167 = arith.constant 0 : i32
        %dma_wait3A_168 = arith.constant 0 : i32
        %dma_wait3A_169 = tpu.memref_slice %arg7[%min3A_51, %dma_wait3A_167, %dma_wait3A_168] : memref<1250x128x128xf32, #tpu.memory_space<hbm>> -> memref<1x128x128xf32, #tpu.memory_space<hbm>>
        %dma_wait3A_170 = tpu.memref_squeeze %dma_wait3A_169 : memref<1x128x128xf32, #tpu.memory_space<hbm>> -> memref<128x128xf32, #tpu.memory_space<hbm>>
        %dma_wait3A_171 = arith.constant 0 : i32
        %dma_wait3A_172 = arith.constant 0 : i32
        %dma_wait3A_173 = tpu.memref_slice %arg7[%min3A_51, %dma_wait3A_171, %dma_wait3A_172] : memref<1250x128x128xf32, #tpu.memory_space<hbm>> -> memref<1x128x128xf32, #tpu.memory_space<hbm>>
        %dma_wait3A_174 = tpu.memref_squeeze %dma_wait3A_173 : memref<1x128x128xf32, #tpu.memory_space<hbm>> -> memref<128x128xf32, #tpu.memory_space<hbm>>
        tpu.wait_dma2 semaphore(%arg20 : memref<!tpu.dma_semaphore, #tpu.memory_space<semaphore_mem>>) src(%arg11 : memref<128x128xf32, #tpu.memory_space<vmem>>) dst(%dma_wait3A_174 : memref<128x128xf32, #tpu.memory_space<hbm>>)
      } else {
      }
      %mul3A_63 = arith.constant 2 : i32
      %mul3A_64 = arith.muli %mul3A_63, %scan3A_45 : i32
      %dma_start3A = arith.constant 0 : i32
      %dma_start3A_65 = tpu.memref_slice %arg8[%mul3A_64, %dma_start3A] : memref<40x128xi32, #tpu.memory_space<vmem>> -> memref<1x128xi32, #tpu.memory_space<vmem>>
      %dma_start3A_66 = tpu.memref_squeeze %dma_start3A_65 : memref<1x128xi32, #tpu.memory_space<vmem>> -> memref<128xi32, #tpu.memory_space<vmem>>
      %dma_start3A_67 = arith.constant 0 : i32
      %dma_start3A_68 = arith.constant 0 : i32
      %dma_start3A_69 = tpu.memref_slice %arg14[%dma_start3A_67, %dma_start3A_68] : memref<5120x128xf32, #tpu.memory_space<vmem_shared>> -> memref<5120x128xf32, #tpu.memory_space<vmem_shared>>
      tpu.enqueue_indirect_dma source(%dma_start3A_69 : memref<5120x128xf32, #tpu.memory_space<vmem_shared>>) target(%arg10 : memref<128x128xf32, #tpu.memory_space<vmem>>) offsets(%dma_start3A_66 : memref<128xi32, #tpu.memory_space<vmem>>) semaphore(%arg15 : memref<!tpu.dma_semaphore, #tpu.memory_space<semaphore_mem>>)
      %mul3A_70 = arith.constant 2 : i32
      %mul3A_71 = arith.muli %mul3A_70, %scan3A_45 : i32
      %dma_start3A_72 = arith.constant 0 : i32
      %dma_start3A_73 = tpu.memref_slice %arg9[%mul3A_71, %dma_start3A_72] : memref<40x128xi32, #tpu.memory_space<vmem>> -> memref<1x128xi32, #tpu.memory_space<vmem>>
      %dma_start3A_74 = tpu.memref_squeeze %dma_start3A_73 : memref<1x128xi32, #tpu.memory_space<vmem>> -> memref<128xi32, #tpu.memory_space<vmem>>
      %dma_start3A_75 = arith.constant 0 : i32
      %dma_start3A_76 = arith.constant 0 : i32
      %dma_start3A_77 = tpu.memref_slice %arg3[%dma_start3A_75, %dma_start3A_76] : memref<5120x128xf32, #tpu.memory_space<hbm>> -> memref<5120x128xf32, #tpu.memory_space<hbm>>
      tpu.enqueue_indirect_dma source(%dma_start3A_77 : memref<5120x128xf32, #tpu.memory_space<hbm>>) target(%arg11 : memref<128x128xf32, #tpu.memory_space<vmem>>) offsets(%dma_start3A_74 : memref<128xi32, #tpu.memory_space<vmem>>) semaphore(%arg16 : memref<!tpu.dma_semaphore, #tpu.memory_space<semaphore_mem>>)
      %gt3A_78 = arith.constant 0 : i32
      %gt3A_79 = arith.cmpi sgt, %scan3A_45, %gt3A_78 : i32
      %convert_element_type3A_80 = arith.extui %gt3A_79 : i1 to i32
      %cond3A_81 = arith.constant 0 : i32
      %cond3A_82 = arith.cmpi ne, %convert_element_type3A_80, %cond3A_81 : i32
      scf.if %cond3A_82 {
        %dma_wait3A_159 = arith.constant 0 : i32
        %dma_wait3A_160 = arith.constant 0 : i32
        %dma_wait3A_161 = tpu.memref_slice %arg6[%min3A_60, %dma_wait3A_159, %dma_wait3A_160] : memref<1250x128x128xf32, #tpu.memory_space<hbm>> -> memref<1x128x128xf32, #tpu.memory_space<hbm>>
        %dma_wait3A_162 = tpu.memref_squeeze %dma_wait3A_161 : memref<1x128x128xf32, #tpu.memory_space<hbm>> -> memref<128x128xf32, #tpu.memory_space<hbm>>
        %dma_wait3A_163 = arith.constant 0 : i32
        %dma_wait3A_164 = arith.constant 0 : i32
        %dma_wait3A_165 = tpu.memref_slice %arg6[%min3A_60, %dma_wait3A_163, %dma_wait3A_164] : memref<1250x128x128xf32, #tpu.memory_space<hbm>> -> memref<1x128x128xf32, #tpu.memory_space<hbm>>
        %dma_wait3A_166 = tpu.memref_squeeze %dma_wait3A_165 : memref<1x128x128xf32, #tpu.memory_space<hbm>> -> memref<128x128xf32, #tpu.memory_space<hbm>>
        tpu.wait_dma2 semaphore(%arg21 : memref<!tpu.dma_semaphore, #tpu.memory_space<semaphore_mem>>) src(%arg12 : memref<128x128xf32, #tpu.memory_space<vmem>>) dst(%dma_wait3A_166 : memref<128x128xf32, #tpu.memory_space<hbm>>)
        %dma_wait3A_167 = arith.constant 0 : i32
        %dma_wait3A_168 = arith.constant 0 : i32
        %dma_wait3A_169 = tpu.memref_slice %arg7[%min3A_60, %dma_wait3A_167, %dma_wait3A_168] : memref<1250x128x128xf32, #tpu.memory_space<hbm>> -> memref<1x128x128xf32, #tpu.memory_space<hbm>>
        %dma_wait3A_170 = tpu.memref_squeeze %dma_wait3A_169 : memref<1x128x128xf32, #tpu.memory_space<hbm>> -> memref<128x128xf32, #tpu.memory_space<hbm>>
        %dma_wait3A_171 = arith.constant 0 : i32
        %dma_wait3A_172 = arith.constant 0 : i32
        %dma_wait3A_173 = tpu.memref_slice %arg7[%min3A_60, %dma_wait3A_171, %dma_wait3A_172] : memref<1250x128x128xf32, #tpu.memory_space<hbm>> -> memref<1x128x128xf32, #tpu.memory_space<hbm>>
        %dma_wait3A_174 = tpu.memref_squeeze %dma_wait3A_173 : memref<1x128x128xf32, #tpu.memory_space<hbm>> -> memref<128x128xf32, #tpu.memory_space<hbm>>
        tpu.wait_dma2 semaphore(%arg22 : memref<!tpu.dma_semaphore, #tpu.memory_space<semaphore_mem>>) src(%arg13 : memref<128x128xf32, #tpu.memory_space<vmem>>) dst(%dma_wait3A_174 : memref<128x128xf32, #tpu.memory_space<hbm>>)
      } else {
      }
      %mul3A_83 = arith.constant 2 : i32
      %mul3A_84 = arith.muli %mul3A_83, %scan3A_45 : i32
      %add3A_85 = arith.constant 1 : i32
      %add3A_86 = arith.addi %mul3A_84, %add3A_85 : i32
      %dma_start3A_87 = arith.constant 0 : i32
      %dma_start3A_88 = tpu.memref_slice %arg8[%add3A_86, %dma_start3A_87] : memref<40x128xi32, #tpu.memory_space<vmem>> -> memref<1x128xi32, #tpu.memory_space<vmem>>
      %dma_start3A_89 = tpu.memref_squeeze %dma_start3A_88 : memref<1x128xi32, #tpu.memory_space<vmem>> -> memref<128xi32, #tpu.memory_space<vmem>>
      %dma_start3A_90 = arith.constant 0 : i32
      %dma_start3A_91 = arith.constant 0 : i32
      %dma_start3A_92 = tpu.memref_slice %arg14[%dma_start3A_90, %dma_start3A_91] : memref<5120x128xf32, #tpu.memory_space<vmem_shared>> -> memref<5120x128xf32, #tpu.memory_space<vmem_shared>>
      tpu.enqueue_indirect_dma source(%dma_start3A_92 : memref<5120x128xf32, #tpu.memory_space<vmem_shared>>) target(%arg12 : memref<128x128xf32, #tpu.memory_space<vmem>>) offsets(%dma_start3A_89 : memref<128xi32, #tpu.memory_space<vmem>>) semaphore(%arg17 : memref<!tpu.dma_semaphore, #tpu.memory_space<semaphore_mem>>)
      %mul3A_93 = arith.constant 2 : i32
      %mul3A_94 = arith.muli %mul3A_93, %scan3A_45 : i32
      %add3A_95 = arith.constant 1 : i32
      %add3A_96 = arith.addi %mul3A_94, %add3A_95 : i32
      %dma_start3A_97 = arith.constant 0 : i32
      %dma_start3A_98 = tpu.memref_slice %arg9[%add3A_96, %dma_start3A_97] : memref<40x128xi32, #tpu.memory_space<vmem>> -> memref<1x128xi32, #tpu.memory_space<vmem>>
      %dma_start3A_99 = tpu.memref_squeeze %dma_start3A_98 : memref<1x128xi32, #tpu.memory_space<vmem>> -> memref<128xi32, #tpu.memory_space<vmem>>
      %dma_start3A_100 = arith.constant 0 : i32
      %dma_start3A_101 = arith.constant 0 : i32
      %dma_start3A_102 = tpu.memref_slice %arg3[%dma_start3A_100, %dma_start3A_101] : memref<5120x128xf32, #tpu.memory_space<hbm>> -> memref<5120x128xf32, #tpu.memory_space<hbm>>
      tpu.enqueue_indirect_dma source(%dma_start3A_102 : memref<5120x128xf32, #tpu.memory_space<hbm>>) target(%arg13 : memref<128x128xf32, #tpu.memory_space<vmem>>) offsets(%dma_start3A_99 : memref<128xi32, #tpu.memory_space<vmem>>) semaphore(%arg18 : memref<!tpu.dma_semaphore, #tpu.memory_space<semaphore_mem>>)
      %dma_wait3A_103 = arith.constant 0 : i32
      %dma_wait3A_104 = tpu.memref_slice %arg8[%mul3A_64, %dma_wait3A_103] : memref<40x128xi32, #tpu.memory_space<vmem>> -> memref<1x128xi32, #tpu.memory_space<vmem>>
      %dma_wait3A_105 = tpu.memref_squeeze %dma_wait3A_104 : memref<1x128xi32, #tpu.memory_space<vmem>> -> memref<128xi32, #tpu.memory_space<vmem>>
      %dma_wait3A_106 = arith.constant 0 : i32
      %dma_wait3A_107 = arith.constant 0 : i32
      %dma_wait3A_108 = tpu.memref_slice %arg14[%dma_wait3A_106, %dma_wait3A_107] : memref<5120x128xf32, #tpu.memory_space<vmem_shared>> -> memref<5120x128xf32, #tpu.memory_space<vmem_shared>>
      tpu.wait_indirect_dma semaphore(%arg15 : memref<!tpu.dma_semaphore, #tpu.memory_space<semaphore_mem>>) src(%dma_wait3A_108 : memref<5120x128xf32, #tpu.memory_space<vmem_shared>>) dst(%arg10 : memref<128x128xf32, #tpu.memory_space<vmem>>)
      %dma_wait3A_109 = arith.constant 0 : i32
      %dma_wait3A_110 = tpu.memref_slice %arg9[%mul3A_71, %dma_wait3A_109] : memref<40x128xi32, #tpu.memory_space<vmem>> -> memref<1x128xi32, #tpu.memory_space<vmem>>
      %dma_wait3A_111 = tpu.memref_squeeze %dma_wait3A_110 : memref<1x128xi32, #tpu.memory_space<vmem>> -> memref<128xi32, #tpu.memory_space<vmem>>
      %dma_wait3A_112 = arith.constant 0 : i32
      %dma_wait3A_113 = arith.constant 0 : i32
      %dma_wait3A_114 = tpu.memref_slice %arg3[%dma_wait3A_112, %dma_wait3A_113] : memref<5120x128xf32, #tpu.memory_space<hbm>> -> memref<5120x128xf32, #tpu.memory_space<hbm>>
      tpu.wait_indirect_dma semaphore(%arg16 : memref<!tpu.dma_semaphore, #tpu.memory_space<semaphore_mem>>) src(%dma_wait3A_114 : memref<5120x128xf32, #tpu.memory_space<hbm>>) dst(%arg11 : memref<128x128xf32, #tpu.memory_space<vmem>>)
      %dma_start3A_115 = arith.constant 0 : i32
      %dma_start3A_116 = arith.constant 0 : i32
      %dma_start3A_117 = tpu.memref_slice %arg6[%min3A_51, %dma_start3A_115, %dma_start3A_116] : memref<1250x128x128xf32, #tpu.memory_space<hbm>> -> memref<1x128x128xf32, #tpu.memory_space<hbm>>
      %dma_start3A_118 = tpu.memref_squeeze %dma_start3A_117 : memref<1x128x128xf32, #tpu.memory_space<hbm>> -> memref<128x128xf32, #tpu.memory_space<hbm>>
      %dma_start3A_119 = arith.constant 0 : i32
      %dma_start3A_120 = arith.constant 0 : i32
      %dma_start3A_121 = tpu.memref_slice %arg6[%min3A_51, %dma_start3A_119, %dma_start3A_120] : memref<1250x128x128xf32, #tpu.memory_space<hbm>> -> memref<1x128x128xf32, #tpu.memory_space<hbm>>
      %dma_start3A_122 = tpu.memref_squeeze %dma_start3A_121 : memref<1x128x128xf32, #tpu.memory_space<hbm>> -> memref<128x128xf32, #tpu.memory_space<hbm>>
      tpu.enqueue_dma source(%arg10 : memref<128x128xf32, #tpu.memory_space<vmem>>) target(%dma_start3A_122 : memref<128x128xf32, #tpu.memory_space<hbm>>) target_semaphore(%arg19 : memref<!tpu.dma_semaphore, #tpu.memory_space<semaphore_mem>>)
      %dma_start3A_123 = arith.constant 0 : i32
      %dma_start3A_124 = arith.constant 0 : i32
      %dma_start3A_125 = tpu.memref_slice %arg7[%min3A_51, %dma_start3A_123, %dma_start3A_124] : memref<1250x128x128xf32, #tpu.memory_space<hbm>> -> memref<1x128x128xf32, #tpu.memory_space<hbm>>
      %dma_start3A_126 = tpu.memref_squeeze %dma_start3A_125 : memref<1x128x128xf32, #tpu.memory_space<hbm>> -> memref<128x128xf32, #tpu.memory_space<hbm>>
      %dma_start3A_127 = arith.constant 0 : i32
      %dma_start3A_128 = arith.constant 0 : i32
      %dma_start3A_129 = tpu.memref_slice %arg7[%min3A_51, %dma_start3A_127, %dma_start3A_128] : memref<1250x128x128xf32, #tpu.memory_space<hbm>> -> memref<1x128x128xf32, #tpu.memory_space<hbm>>
      %dma_start3A_130 = tpu.memref_squeeze %dma_start3A_129 : memref<1x128x128xf32, #tpu.memory_space<hbm>> -> memref<128x128xf32, #tpu.memory_space<hbm>>
      tpu.enqueue_dma source(%arg11 : memref<128x128xf32, #tpu.memory_space<vmem>>) target(%dma_start3A_130 : memref<128x128xf32, #tpu.memory_space<hbm>>) target_semaphore(%arg20 : memref<!tpu.dma_semaphore, #tpu.memory_space<semaphore_mem>>)
      %dma_wait3A_131 = arith.constant 0 : i32
      %dma_wait3A_132 = tpu.memref_slice %arg8[%add3A_86, %dma_wait3A_131] : memref<40x128xi32, #tpu.memory_space<vmem>> -> memref<1x128xi32, #tpu.memory_space<vmem>>
      %dma_wait3A_133 = tpu.memref_squeeze %dma_wait3A_132 : memref<1x128xi32, #tpu.memory_space<vmem>> -> memref<128xi32, #tpu.memory_space<vmem>>
      %dma_wait3A_134 = arith.constant 0 : i32
      %dma_wait3A_135 = arith.constant 0 : i32
      %dma_wait3A_136 = tpu.memref_slice %arg14[%dma_wait3A_134, %dma_wait3A_135] : memref<5120x128xf32, #tpu.memory_space<vmem_shared>> -> memref<5120x128xf32, #tpu.memory_space<vmem_shared>>
      tpu.wait_indirect_dma semaphore(%arg17 : memref<!tpu.dma_semaphore, #tpu.memory_space<semaphore_mem>>) src(%dma_wait3A_136 : memref<5120x128xf32, #tpu.memory_space<vmem_shared>>) dst(%arg12 : memref<128x128xf32, #tpu.memory_space<vmem>>)
      %dma_wait3A_137 = arith.constant 0 : i32
      %dma_wait3A_138 = tpu.memref_slice %arg9[%add3A_96, %dma_wait3A_137] : memref<40x128xi32, #tpu.memory_space<vmem>> -> memref<1x128xi32, #tpu.memory_space<vmem>>
      %dma_wait3A_139 = tpu.memref_squeeze %dma_wait3A_138 : memref<1x128xi32, #tpu.memory_space<vmem>> -> memref<128xi32, #tpu.memory_space<vmem>>
      %dma_wait3A_140 = arith.constant 0 : i32
      %dma_wait3A_141 = arith.constant 0 : i32
      %dma_wait3A_142 = tpu.memref_slice %arg3[%dma_wait3A_140, %dma_wait3A_141] : memref<5120x128xf32, #tpu.memory_space<hbm>> -> memref<5120x128xf32, #tpu.memory_space<hbm>>
      tpu.wait_indirect_dma semaphore(%arg18 : memref<!tpu.dma_semaphore, #tpu.memory_space<semaphore_mem>>) src(%dma_wait3A_142 : memref<5120x128xf32, #tpu.memory_space<hbm>>) dst(%arg13 : memref<128x128xf32, #tpu.memory_space<vmem>>)
      %dma_start3A_143 = arith.constant 0 : i32
      %dma_start3A_144 = arith.constant 0 : i32
      %dma_start3A_145 = tpu.memref_slice %arg6[%min3A_60, %dma_start3A_143, %dma_start3A_144] : memref<1250x128x128xf32, #tpu.memory_space<hbm>> -> memref<1x128x128xf32, #tpu.memory_space<hbm>>
      %dma_start3A_146 = tpu.memref_squeeze %dma_start3A_145 : memref<1x128x128xf32, #tpu.memory_space<hbm>> -> memref<128x128xf32, #tpu.memory_space<hbm>>
      %dma_start3A_147 = arith.constant 0 : i32
      %dma_start3A_148 = arith.constant 0 : i32
      %dma_start3A_149 = tpu.memref_slice %arg6[%min3A_60, %dma_start3A_147, %dma_start3A_148] : memref<1250x128x128xf32, #tpu.memory_space<hbm>> -> memref<1x128x128xf32, #tpu.memory_space<hbm>>
      %dma_start3A_150 = tpu.memref_squeeze %dma_start3A_149 : memref<1x128x128xf32, #tpu.memory_space<hbm>> -> memref<128x128xf32, #tpu.memory_space<hbm>>
      tpu.enqueue_dma source(%arg12 : memref<128x128xf32, #tpu.memory_space<vmem>>) target(%dma_start3A_150 : memref<128x128xf32, #tpu.memory_space<hbm>>) target_semaphore(%arg21 : memref<!tpu.dma_semaphore, #tpu.memory_space<semaphore_mem>>)
      %dma_start3A_151 = arith.constant 0 : i32
      %dma_start3A_152 = arith.constant 0 : i32
      %dma_start3A_153 = tpu.memref_slice %arg7[%min3A_60, %dma_start3A_151, %dma_start3A_152] : memref<1250x128x128xf32, #tpu.memory_space<hbm>> -> memref<1x128x128xf32, #tpu.memory_space<hbm>>
      %dma_start3A_154 = tpu.memref_squeeze %dma_start3A_153 : memref<1x128x128xf32, #tpu.memory_space<hbm>> -> memref<128x128xf32, #tpu.memory_space<hbm>>
      %dma_start3A_155 = arith.constant 0 : i32
      %dma_start3A_156 = arith.constant 0 : i32
      %dma_start3A_157 = tpu.memref_slice %arg7[%min3A_60, %dma_start3A_155, %dma_start3A_156] : memref<1250x128x128xf32, #tpu.memory_space<hbm>> -> memref<1x128x128xf32, #tpu.memory_space<hbm>>
      %dma_start3A_158 = tpu.memref_squeeze %dma_start3A_157 : memref<1x128x128xf32, #tpu.memory_space<hbm>> -> memref<128x128xf32, #tpu.memory_space<hbm>>
      tpu.enqueue_dma source(%arg13 : memref<128x128xf32, #tpu.memory_space<vmem>>) target(%dma_start3A_158 : memref<128x128xf32, #tpu.memory_space<hbm>>) target_semaphore(%arg22 : memref<!tpu.dma_semaphore, #tpu.memory_space<semaphore_mem>>)
    }
    %scan3A_9 = arith.constant 20 : i32
    %dma_wait3A = arith.constant 0 : i32
    %dma_wait3A_10 = arith.constant 0 : i32
    %dma_wait3A_11 = arith.constant 0 : i32
    %dma_wait3A_12 = tpu.memref_slice %arg6[%dma_wait3A, %dma_wait3A_10, %dma_wait3A_11] : memref<1250x128x128xf32, #tpu.memory_space<hbm>> -> memref<1x128x128xf32, #tpu.memory_space<hbm>>
    %dma_wait3A_13 = tpu.memref_squeeze %dma_wait3A_12 : memref<1x128x128xf32, #tpu.memory_space<hbm>> -> memref<128x128xf32, #tpu.memory_space<hbm>>
    %dma_wait3A_14 = arith.constant 0 : i32
    %dma_wait3A_15 = arith.constant 0 : i32
    %dma_wait3A_16 = tpu.memref_slice %arg6[%dma_wait3A, %dma_wait3A_14, %dma_wait3A_15] : memref<1250x128x128xf32, #tpu.memory_space<hbm>> -> memref<1x128x128xf32, #tpu.memory_space<hbm>>
    %dma_wait3A_17 = tpu.memref_squeeze %dma_wait3A_16 : memref<1x128x128xf32, #tpu.memory_space<hbm>> -> memref<128x128xf32, #tpu.memory_space<hbm>>
    tpu.wait_dma2 semaphore(%arg19 : memref<!tpu.dma_semaphore, #tpu.memory_space<semaphore_mem>>) src(%arg10 : memref<128x128xf32, #tpu.memory_space<vmem>>) dst(%dma_wait3A_17 : memref<128x128xf32, #tpu.memory_space<hbm>>)
    %dma_wait3A_18 = arith.constant 0 : i32
    %dma_wait3A_19 = arith.constant 0 : i32
    %dma_wait3A_20 = arith.constant 0 : i32
    %dma_wait3A_21 = tpu.memref_slice %arg7[%dma_wait3A_18, %dma_wait3A_19, %dma_wait3A_20] : memref<1250x128x128xf32, #tpu.memory_space<hbm>> -> memref<1x128x128xf32, #tpu.memory_space<hbm>>
    %dma_wait3A_22 = tpu.memref_squeeze %dma_wait3A_21 : memref<1x128x128xf32, #tpu.memory_space<hbm>> -> memref<128x128xf32, #tpu.memory_space<hbm>>
    %dma_wait3A_23 = arith.constant 0 : i32
    %dma_wait3A_24 = arith.constant 0 : i32
    %dma_wait3A_25 = tpu.memref_slice %arg7[%dma_wait3A_18, %dma_wait3A_23, %dma_wait3A_24] : memref<1250x128x128xf32, #tpu.memory_space<hbm>> -> memref<1x128x128xf32, #tpu.memory_space<hbm>>
    %dma_wait3A_26 = tpu.memref_squeeze %dma_wait3A_25 : memref<1x128x128xf32, #tpu.memory_space<hbm>> -> memref<128x128xf32, #tpu.memory_space<hbm>>
    tpu.wait_dma2 semaphore(%arg20 : memref<!tpu.dma_semaphore, #tpu.memory_space<semaphore_mem>>) src(%arg11 : memref<128x128xf32, #tpu.memory_space<vmem>>) dst(%dma_wait3A_26 : memref<128x128xf32, #tpu.memory_space<hbm>>)
    %dma_wait3A_27 = arith.constant 0 : i32
    %dma_wait3A_28 = arith.constant 0 : i32
    %dma_wait3A_29 = arith.constant 0 : i32
    %dma_wait3A_30 = tpu.memref_slice %arg6[%dma_wait3A_27, %dma_wait3A_28, %dma_wait3A_29] : memref<1250x128x128xf32, #tpu.memory_space<hbm>> -> memref<1x128x128xf32, #tpu.memory_space<hbm>>
    %dma_wait3A_31 = tpu.memref_squeeze %dma_wait3A_30 : memref<1x128x128xf32, #tpu.memory_space<hbm>> -> memref<128x128xf32, #tpu.memory_space<hbm>>
    %dma_wait3A_32 = arith.constant 0 : i32
    %dma_wait3A_33 = arith.constant 0 : i32
    %dma_wait3A_34 = tpu.memref_slice %arg6[%dma_wait3A_27, %dma_wait3A_32, %dma_wait3A_33] : memref<1250x128x128xf32, #tpu.memory_space<hbm>> -> memref<1x128x128xf32, #tpu.memory_space<hbm>>
    %dma_wait3A_35 = tpu.memref_squeeze %dma_wait3A_34 : memref<1x128x128xf32, #tpu.memory_space<hbm>> -> memref<128x128xf32, #tpu.memory_space<hbm>>
    tpu.wait_dma2 semaphore(%arg21 : memref<!tpu.dma_semaphore, #tpu.memory_space<semaphore_mem>>) src(%arg12 : memref<128x128xf32, #tpu.memory_space<vmem>>) dst(%dma_wait3A_35 : memref<128x128xf32, #tpu.memory_space<hbm>>)
    %dma_wait3A_36 = arith.constant 0 : i32
    %dma_wait3A_37 = arith.constant 0 : i32
    %dma_wait3A_38 = arith.constant 0 : i32
    %dma_wait3A_39 = tpu.memref_slice %arg7[%dma_wait3A_36, %dma_wait3A_37, %dma_wait3A_38] : memref<1250x128x128xf32, #tpu.memory_space<hbm>> -> memref<1x128x128xf32, #tpu.memory_space<hbm>>
    %dma_wait3A_40 = tpu.memref_squeeze %dma_wait3A_39 : memref<1x128x128xf32, #tpu.memory_space<hbm>> -> memref<128x128xf32, #tpu.memory_space<hbm>>
    %dma_wait3A_41 = arith.constant 0 : i32
    %dma_wait3A_42 = arith.constant 0 : i32
    %dma_wait3A_43 = tpu.memref_slice %arg7[%dma_wait3A_36, %dma_wait3A_41, %dma_wait3A_42] : memref<1250x128x128xf32, #tpu.memory_space<hbm>> -> memref<1x128x128xf32, #tpu.memory_space<hbm>>
    %dma_wait3A_44 = tpu.memref_squeeze %dma_wait3A_43 : memref<1x128x128xf32, #tpu.memory_space<hbm>> -> memref<128x128xf32, #tpu.memory_space<hbm>>
    tpu.wait_dma2 semaphore(%arg22 : memref<!tpu.dma_semaphore, #tpu.memory_space<semaphore_mem>>) src(%arg13 : memref<128x128xf32, #tpu.memory_space<vmem>>) dst(%dma_wait3A_44 : memref<128x128xf32, #tpu.memory_space<hbm>>)
    return
  }
}

#map = affine_map<(d0, d1) -> (0, 0)>
#map1 = affine_map<(d0, d1) -> (0, 0, 0)>
#map2 = affine_map<(d0, d1) -> (0)>
module attributes {stable_mosaic.version = 14 : i64} {
  func.func @_scatter(%arg0: i32, %arg1: i32, %arg2: memref<160000x128xf32, #tpu.memory_space<hbm>>, %arg3: memref<32x40x128xf32, #tpu.memory_space<hbm>>, %arg4: memref<32x40x128xi32, #tpu.memory_space<hbm>>, %arg5: memref<320x128xf32, #tpu.memory_space<hbm>>, %arg6: memref<320xf32, #tpu.memory_space<hbm>>, %arg7: memref<10240x128xf32, #tpu.memory_space<hbm>>, %arg8: memref<10240xf32, #tpu.memory_space<hbm>>, %arg9: memref<40x128xi32, #tpu.memory_space<vmem>>, %arg10: memref<40x128xf32, #tpu.memory_space<vmem>>, %arg11: memref<128x128xf32, #tpu.memory_space<vmem>>, %arg12: memref<128x128xf32, #tpu.memory_space<vmem>>, %arg13: memref<5120x128xf32, #tpu.memory_space<vmem_shared>>, %arg14: memref<5120xf32, #tpu.memory_space<vmem_shared>>, %arg15: memref<!tpu.dma_semaphore, #tpu.memory_space<semaphore_mem>>, %arg16: memref<!tpu.dma_semaphore, #tpu.memory_space<semaphore_mem>>, %arg17: memref<!tpu.dma_semaphore, #tpu.memory_space<semaphore_mem>>, %arg18: memref<!tpu.dma_semaphore, #tpu.memory_space<semaphore_mem>>) attributes {dimension_semantics = [#tpu.dimension_semantics<core_parallel>, #tpu.dimension_semantics<subcore_parallel>], iteration_bounds = array<i64: 2, 16>, scalar_prefetch = 0 : i64, scratch_operands = 10 : i64, tpu.core_type = #tpu.core_type<sc_vector_subcore>, window_params = [{transform_indices = #map}, {transform_indices = #map1}, {transform_indices = #map1}, {transform_indices = #map}, {transform_indices = #map2}, {transform_indices = #map}, {transform_indices = #map2}]} {
    %mul3A = arith.constant 16 : i32
    %mul3A_0 = arith.muli %arg0, %mul3A : i32
    %add3A = arith.addi %mul3A_0, %arg1 : i32
    "tpu.region"() ({
      %run_scoped3A = tpu.sem_alloc : memref<!tpu.dma_semaphore, #tpu.memory_space<semaphore_mem>>
      %dma_start3A = arith.constant 0 : i32
      %dma_start3A_36 = arith.constant 0 : i32
      %dma_start3A_37 = tpu.memref_slice %arg4[%add3A, %dma_start3A, %dma_start3A_36] : memref<32x40x128xi32, #tpu.memory_space<hbm>> -> memref<1x40x128xi32, #tpu.memory_space<hbm>>
      %dma_start3A_38 = tpu.memref_squeeze %dma_start3A_37 : memref<1x40x128xi32, #tpu.memory_space<hbm>> -> memref<40x128xi32, #tpu.memory_space<hbm>>
      %dma_start3A_39 = arith.constant 0 : i32
      %dma_start3A_40 = arith.constant 0 : i32
      %dma_start3A_41 = tpu.memref_slice %arg4[%add3A, %dma_start3A_39, %dma_start3A_40] : memref<32x40x128xi32, #tpu.memory_space<hbm>> -> memref<1x40x128xi32, #tpu.memory_space<hbm>>
      %dma_start3A_42 = tpu.memref_squeeze %dma_start3A_41 : memref<1x40x128xi32, #tpu.memory_space<hbm>> -> memref<40x128xi32, #tpu.memory_space<hbm>>
      tpu.enqueue_dma source(%dma_start3A_42 : memref<40x128xi32, #tpu.memory_space<hbm>>) target(%arg9 : memref<40x128xi32, #tpu.memory_space<vmem>>) target_semaphore(%run_scoped3A : memref<!tpu.dma_semaphore, #tpu.memory_space<semaphore_mem>>)
      %dma_wait3A = arith.constant 0 : i32
      %dma_wait3A_43 = arith.constant 0 : i32
      %dma_wait3A_44 = tpu.memref_slice %arg4[%add3A, %dma_wait3A, %dma_wait3A_43] : memref<32x40x128xi32, #tpu.memory_space<hbm>> -> memref<1x40x128xi32, #tpu.memory_space<hbm>>
      %dma_wait3A_45 = tpu.memref_squeeze %dma_wait3A_44 : memref<1x40x128xi32, #tpu.memory_space<hbm>> -> memref<40x128xi32, #tpu.memory_space<hbm>>
      %dma_wait3A_46 = arith.constant 0 : i32
      %dma_wait3A_47 = arith.constant 0 : i32
      %dma_wait3A_48 = tpu.memref_slice %arg4[%add3A, %dma_wait3A_46, %dma_wait3A_47] : memref<32x40x128xi32, #tpu.memory_space<hbm>> -> memref<1x40x128xi32, #tpu.memory_space<hbm>>
      %dma_wait3A_49 = tpu.memref_squeeze %dma_wait3A_48 : memref<1x40x128xi32, #tpu.memory_space<hbm>> -> memref<40x128xi32, #tpu.memory_space<hbm>>
      tpu.wait_dma2 semaphore(%run_scoped3A : memref<!tpu.dma_semaphore, #tpu.memory_space<semaphore_mem>>) src(%dma_wait3A_49 : memref<40x128xi32, #tpu.memory_space<hbm>>) dst(%arg9 : memref<40x128xi32, #tpu.memory_space<vmem>>)
      tpu.yield
    }) : () -> ()
    "tpu.region"() ({
      %run_scoped3A = tpu.sem_alloc : memref<!tpu.dma_semaphore, #tpu.memory_space<semaphore_mem>>
      %dma_start3A = arith.constant 0 : i32
      %dma_start3A_36 = arith.constant 0 : i32
      %dma_start3A_37 = tpu.memref_slice %arg3[%add3A, %dma_start3A, %dma_start3A_36] : memref<32x40x128xf32, #tpu.memory_space<hbm>> -> memref<1x40x128xf32, #tpu.memory_space<hbm>>
      %dma_start3A_38 = tpu.memref_squeeze %dma_start3A_37 : memref<1x40x128xf32, #tpu.memory_space<hbm>> -> memref<40x128xf32, #tpu.memory_space<hbm>>
      %dma_start3A_39 = arith.constant 0 : i32
      %dma_start3A_40 = arith.constant 0 : i32
      %dma_start3A_41 = tpu.memref_slice %arg3[%add3A, %dma_start3A_39, %dma_start3A_40] : memref<32x40x128xf32, #tpu.memory_space<hbm>> -> memref<1x40x128xf32, #tpu.memory_space<hbm>>
      %dma_start3A_42 = tpu.memref_squeeze %dma_start3A_41 : memref<1x40x128xf32, #tpu.memory_space<hbm>> -> memref<40x128xf32, #tpu.memory_space<hbm>>
      tpu.enqueue_dma source(%dma_start3A_42 : memref<40x128xf32, #tpu.memory_space<hbm>>) target(%arg10 : memref<40x128xf32, #tpu.memory_space<vmem>>) target_semaphore(%run_scoped3A : memref<!tpu.dma_semaphore, #tpu.memory_space<semaphore_mem>>)
      %dma_wait3A = arith.constant 0 : i32
      %dma_wait3A_43 = arith.constant 0 : i32
      %dma_wait3A_44 = tpu.memref_slice %arg3[%add3A, %dma_wait3A, %dma_wait3A_43] : memref<32x40x128xf32, #tpu.memory_space<hbm>> -> memref<1x40x128xf32, #tpu.memory_space<hbm>>
      %dma_wait3A_45 = tpu.memref_squeeze %dma_wait3A_44 : memref<1x40x128xf32, #tpu.memory_space<hbm>> -> memref<40x128xf32, #tpu.memory_space<hbm>>
      %dma_wait3A_46 = arith.constant 0 : i32
      %dma_wait3A_47 = arith.constant 0 : i32
      %dma_wait3A_48 = tpu.memref_slice %arg3[%add3A, %dma_wait3A_46, %dma_wait3A_47] : memref<32x40x128xf32, #tpu.memory_space<hbm>> -> memref<1x40x128xf32, #tpu.memory_space<hbm>>
      %dma_wait3A_49 = tpu.memref_squeeze %dma_wait3A_48 : memref<1x40x128xf32, #tpu.memory_space<hbm>> -> memref<40x128xf32, #tpu.memory_space<hbm>>
      tpu.wait_dma2 semaphore(%run_scoped3A : memref<!tpu.dma_semaphore, #tpu.memory_space<semaphore_mem>>) src(%dma_wait3A_49 : memref<40x128xf32, #tpu.memory_space<hbm>>) dst(%arg10 : memref<40x128xf32, #tpu.memory_space<vmem>>)
      tpu.yield
    }) : () -> ()
    %mul3A_1 = arith.constant 320 : i32
    %mul3A_2 = arith.muli %arg1, %mul3A_1 : i32
    "tpu.region"() ({
      %run_scoped3A = tpu.sem_alloc : memref<!tpu.dma_semaphore, #tpu.memory_space<semaphore_mem>>
      %dma_start3A = arith.constant 0 : i32
      %dma_start3A_36 = tpu.memref_slice %arg13[%mul3A_2, %dma_start3A] : memref<5120x128xf32, #tpu.memory_space<vmem_shared>> -> memref<320x128xf32, #tpu.memory_space<vmem_shared>>
      tpu.enqueue_dma source(%arg5 : memref<320x128xf32, #tpu.memory_space<hbm>>) target(%dma_start3A_36 : memref<320x128xf32, #tpu.memory_space<vmem_shared>>) target_semaphore(%run_scoped3A : memref<!tpu.dma_semaphore, #tpu.memory_space<semaphore_mem>>)
      %dma_wait3A = arith.constant 0 : i32
      %dma_wait3A_37 = tpu.memref_slice %arg13[%mul3A_2, %dma_wait3A] : memref<5120x128xf32, #tpu.memory_space<vmem_shared>> -> memref<320x128xf32, #tpu.memory_space<vmem_shared>>
      tpu.wait_dma2 semaphore(%run_scoped3A : memref<!tpu.dma_semaphore, #tpu.memory_space<semaphore_mem>>) src(%arg5 : memref<320x128xf32, #tpu.memory_space<hbm>>) dst(%dma_wait3A_37 : memref<320x128xf32, #tpu.memory_space<vmem_shared>>)
      tpu.yield
    }) : () -> ()
    %mul3A_3 = arith.constant 320 : i32
    %mul3A_4 = arith.muli %arg1, %mul3A_3 : i32
    "tpu.region"() ({
      %run_scoped3A = tpu.sem_alloc : memref<!tpu.dma_semaphore, #tpu.memory_space<semaphore_mem>>
      %dma_start3A = tpu.memref_slice %arg14[%mul3A_4] : memref<5120xf32, #tpu.memory_space<vmem_shared>> -> memref<320xf32, #tpu.memory_space<vmem_shared>>
      tpu.enqueue_dma source(%arg6 : memref<320xf32, #tpu.memory_space<hbm>>) target(%dma_start3A : memref<320xf32, #tpu.memory_space<vmem_shared>>) target_semaphore(%run_scoped3A : memref<!tpu.dma_semaphore, #tpu.memory_space<semaphore_mem>>)
      %dma_wait3A = tpu.memref_slice %arg14[%mul3A_4] : memref<5120xf32, #tpu.memory_space<vmem_shared>> -> memref<320xf32, #tpu.memory_space<vmem_shared>>
      tpu.wait_dma2 semaphore(%run_scoped3A : memref<!tpu.dma_semaphore, #tpu.memory_space<semaphore_mem>>) src(%arg6 : memref<320xf32, #tpu.memory_space<hbm>>) dst(%dma_wait3A : memref<320xf32, #tpu.memory_space<vmem_shared>>)
      tpu.yield
    }) : () -> ()
    %barrier3A = arith.constant 0 : index
    tpu.barrier barrier_id(%barrier3A)
    %scan3A = arith.constant 0 : i32
    %scan3A_5 = arith.constant 0 : i32
    %scan3A_6 = arith.constant 20 : i32
    %scan3A_7 = arith.addi %scan3A_5, %scan3A_6 : i32
    %scan3A_8 = arith.constant 1 : i32
    scf.for %scan3A_36 = %scan3A_5 to %scan3A_7 step %scan3A_8  : i32 {
      %mul3A_37 = arith.constant 2 : i32
      %mul3A_38 = arith.muli %mul3A_37, %scan3A_36 : i32
      %add3A_39 = arith.constant 0 : i32
      %add3A_40 = arith.addi %mul3A_38, %add3A_39 : i32
      %mul3A_41 = arith.constant 16 : i32
      %mul3A_42 = arith.muli %add3A_40, %mul3A_41 : i32
      %add3A_43 = arith.addi %mul3A_42, %arg1 : i32
      %gt3A = arith.constant 0 : i32
      %gt3A_44 = arith.cmpi sgt, %scan3A_36, %gt3A : i32
      %sub3A = arith.constant 32 : i32
      %sub3A_45 = arith.subi %add3A_43, %sub3A : i32
      %lt3A_46 = arith.constant 625 : i32
      %lt3A_47 = arith.cmpi slt, %sub3A_45, %lt3A_46 : i32
      %and3A = arith.andi %gt3A_44, %lt3A_47 : i1
      %convert_element_type3A_48 = arith.extui %and3A : i1 to i32
      %cond3A_49 = arith.constant 0 : i32
      %cond3A_50 = arith.cmpi ne, %convert_element_type3A_48, %cond3A_49 : i32
      scf.if %cond3A_50 {
        %sub3A_78 = arith.constant 2 : i32
        %sub3A_79 = arith.subi %add3A_40, %sub3A_78 : i32
        %dma_wait3A = arith.constant 0 : i32
        %dma_wait3A_80 = tpu.memref_slice %arg9[%sub3A_79, %dma_wait3A] : memref<40x128xi32, #tpu.memory_space<vmem>> -> memref<1x128xi32, #tpu.memory_space<vmem>>
        %dma_wait3A_81 = tpu.memref_squeeze %dma_wait3A_80 : memref<1x128xi32, #tpu.memory_space<vmem>> -> memref<128xi32, #tpu.memory_space<vmem>>
        %dma_wait3A_82 = arith.constant 0 : i32
        %dma_wait3A_83 = arith.constant 0 : i32
        %dma_wait3A_84 = tpu.memref_slice %arg13[%dma_wait3A_82, %dma_wait3A_83] : memref<5120x128xf32, #tpu.memory_space<vmem_shared>> -> memref<5120x128xf32, #tpu.memory_space<vmem_shared>>
        tpu.wait_indirect_dma semaphore(%arg15 : memref<!tpu.dma_semaphore, #tpu.memory_space<semaphore_mem>>) src(%arg11 : memref<128x128xf32, #tpu.memory_space<vmem>>) dst(%dma_wait3A_84 : memref<5120x128xf32, #tpu.memory_space<vmem_shared>>)
        %dma_wait3A_85 = arith.constant 0 : i32
        %dma_wait3A_86 = tpu.memref_slice %arg10[%sub3A_79, %dma_wait3A_85] : memref<40x128xf32, #tpu.memory_space<vmem>> -> memref<1x128xf32, #tpu.memory_space<vmem>>
        %dma_wait3A_87 = tpu.memref_squeeze %dma_wait3A_86 : memref<1x128xf32, #tpu.memory_space<vmem>> -> memref<128xf32, #tpu.memory_space<vmem>>
        %dma_wait3A_88 = arith.constant 0 : i32
        %dma_wait3A_89 = tpu.memref_slice %arg9[%sub3A_79, %dma_wait3A_88] : memref<40x128xi32, #tpu.memory_space<vmem>> -> memref<1x128xi32, #tpu.memory_space<vmem>>
        %dma_wait3A_90 = tpu.memref_squeeze %dma_wait3A_89 : memref<1x128xi32, #tpu.memory_space<vmem>> -> memref<128xi32, #tpu.memory_space<vmem>>
        %dma_wait3A_91 = arith.constant 0 : i32
        %dma_wait3A_92 = tpu.memref_slice %arg14[%dma_wait3A_91] : memref<5120xf32, #tpu.memory_space<vmem_shared>> -> memref<5120xf32, #tpu.memory_space<vmem_shared>>
        tpu.wait_indirect_dma semaphore(%arg16 : memref<!tpu.dma_semaphore, #tpu.memory_space<semaphore_mem>>) src(%dma_wait3A_87 : memref<128xf32, #tpu.memory_space<vmem>>) dst(%dma_wait3A_92 : memref<5120xf32, #tpu.memory_space<vmem_shared>>)
      } else {
      }
      %lt3A_51 = arith.constant 625 : i32
      %lt3A_52 = arith.cmpi slt, %add3A_43, %lt3A_51 : i32
      %convert_element_type3A_53 = arith.extui %lt3A_52 : i1 to i32
      %cond3A_54 = arith.constant 0 : i32
      %cond3A_55 = arith.cmpi ne, %convert_element_type3A_53, %cond3A_54 : i32
      scf.if %cond3A_55 {
        %mul3A_78 = arith.constant 625 : i32
        %mul3A_79 = arith.muli %arg0, %mul3A_78 : i32
        %add3A_80 = arith.addi %mul3A_79, %add3A_43 : i32
        %mul3A_81 = arith.constant 128 : i32
        %mul3A_82 = arith.muli %add3A_80, %mul3A_81 : i32
        "tpu.region"() ({
          %run_scoped3A = tpu.sem_alloc : memref<!tpu.dma_semaphore, #tpu.memory_space<semaphore_mem>>
          %dma_start3A_96 = arith.constant 0 : i32
          %dma_start3A_97 = tpu.memref_slice %arg2[%mul3A_82, %dma_start3A_96] : memref<160000x128xf32, #tpu.memory_space<hbm>> -> memref<128x128xf32, #tpu.memory_space<hbm>>
          %dma_start3A_98 = arith.constant 0 : i32
          %dma_start3A_99 = tpu.memref_slice %arg2[%mul3A_82, %dma_start3A_98] : memref<160000x128xf32, #tpu.memory_space<hbm>> -> memref<128x128xf32, #tpu.memory_space<hbm>>
          tpu.enqueue_dma source(%dma_start3A_99 : memref<128x128xf32, #tpu.memory_space<hbm>>) target(%arg11 : memref<128x128xf32, #tpu.memory_space<vmem>>) target_semaphore(%run_scoped3A : memref<!tpu.dma_semaphore, #tpu.memory_space<semaphore_mem>>)
          %dma_wait3A = arith.constant 0 : i32
          %dma_wait3A_100 = tpu.memref_slice %arg2[%mul3A_82, %dma_wait3A] : memref<160000x128xf32, #tpu.memory_space<hbm>> -> memref<128x128xf32, #tpu.memory_space<hbm>>
          %dma_wait3A_101 = arith.constant 0 : i32
          %dma_wait3A_102 = tpu.memref_slice %arg2[%mul3A_82, %dma_wait3A_101] : memref<160000x128xf32, #tpu.memory_space<hbm>> -> memref<128x128xf32, #tpu.memory_space<hbm>>
          tpu.wait_dma2 semaphore(%run_scoped3A : memref<!tpu.dma_semaphore, #tpu.memory_space<semaphore_mem>>) src(%dma_wait3A_102 : memref<128x128xf32, #tpu.memory_space<hbm>>) dst(%arg11 : memref<128x128xf32, #tpu.memory_space<vmem>>)
          tpu.yield
        }) : () -> ()
        %dma_start3A = arith.constant 0 : i32
        %dma_start3A_83 = tpu.memref_slice %arg9[%add3A_40, %dma_start3A] : memref<40x128xi32, #tpu.memory_space<vmem>> -> memref<1x128xi32, #tpu.memory_space<vmem>>
        %dma_start3A_84 = tpu.memref_squeeze %dma_start3A_83 : memref<1x128xi32, #tpu.memory_space<vmem>> -> memref<128xi32, #tpu.memory_space<vmem>>
        %dma_start3A_85 = arith.constant 0 : i32
        %dma_start3A_86 = arith.constant 0 : i32
        %dma_start3A_87 = tpu.memref_slice %arg13[%dma_start3A_85, %dma_start3A_86] : memref<5120x128xf32, #tpu.memory_space<vmem_shared>> -> memref<5120x128xf32, #tpu.memory_space<vmem_shared>>
        tpu.enqueue_indirect_dma source(%arg11 : memref<128x128xf32, #tpu.memory_space<vmem>>) target(%dma_start3A_87 : memref<5120x128xf32, #tpu.memory_space<vmem_shared>>) offsets(%dma_start3A_84 : memref<128xi32, #tpu.memory_space<vmem>>) semaphore(%arg15 : memref<!tpu.dma_semaphore, #tpu.memory_space<semaphore_mem>>) {add = true}
        %dma_start3A_88 = arith.constant 0 : i32
        %dma_start3A_89 = tpu.memref_slice %arg10[%add3A_40, %dma_start3A_88] : memref<40x128xf32, #tpu.memory_space<vmem>> -> memref<1x128xf32, #tpu.memory_space<vmem>>
        %dma_start3A_90 = tpu.memref_squeeze %dma_start3A_89 : memref<1x128xf32, #tpu.memory_space<vmem>> -> memref<128xf32, #tpu.memory_space<vmem>>
        %dma_start3A_91 = arith.constant 0 : i32
        %dma_start3A_92 = tpu.memref_slice %arg9[%add3A_40, %dma_start3A_91] : memref<40x128xi32, #tpu.memory_space<vmem>> -> memref<1x128xi32, #tpu.memory_space<vmem>>
        %dma_start3A_93 = tpu.memref_squeeze %dma_start3A_92 : memref<1x128xi32, #tpu.memory_space<vmem>> -> memref<128xi32, #tpu.memory_space<vmem>>
        %dma_start3A_94 = arith.constant 0 : i32
        %dma_start3A_95 = tpu.memref_slice %arg14[%dma_start3A_94] : memref<5120xf32, #tpu.memory_space<vmem_shared>> -> memref<5120xf32, #tpu.memory_space<vmem_shared>>
        tpu.enqueue_indirect_dma source(%dma_start3A_90 : memref<128xf32, #tpu.memory_space<vmem>>) target(%dma_start3A_95 : memref<5120xf32, #tpu.memory_space<vmem_shared>>) offsets(%dma_start3A_93 : memref<128xi32, #tpu.memory_space<vmem>>) semaphore(%arg16 : memref<!tpu.dma_semaphore, #tpu.memory_space<semaphore_mem>>) {add = true}
      } else {
      }
      %mul3A_56 = arith.constant 2 : i32
      %mul3A_57 = arith.muli %mul3A_56, %scan3A_36 : i32
      %add3A_58 = arith.constant 1 : i32
      %add3A_59 = arith.addi %mul3A_57, %add3A_58 : i32
      %mul3A_60 = arith.constant 16 : i32
      %mul3A_61 = arith.muli %add3A_59, %mul3A_60 : i32
      %add3A_62 = arith.addi %mul3A_61, %arg1 : i32
      %gt3A_63 = arith.constant 0 : i32
      %gt3A_64 = arith.cmpi sgt, %scan3A_36, %gt3A_63 : i32
      %sub3A_65 = arith.constant 32 : i32
      %sub3A_66 = arith.subi %add3A_62, %sub3A_65 : i32
      %lt3A_67 = arith.constant 625 : i32
      %lt3A_68 = arith.cmpi slt, %sub3A_66, %lt3A_67 : i32
      %and3A_69 = arith.andi %gt3A_64, %lt3A_68 : i1
      %convert_element_type3A_70 = arith.extui %and3A_69 : i1 to i32
      %cond3A_71 = arith.constant 0 : i32
      %cond3A_72 = arith.cmpi ne, %convert_element_type3A_70, %cond3A_71 : i32
      scf.if %cond3A_72 {
        %sub3A_78 = arith.constant 2 : i32
        %sub3A_79 = arith.subi %add3A_59, %sub3A_78 : i32
        %dma_wait3A = arith.constant 0 : i32
        %dma_wait3A_80 = tpu.memref_slice %arg9[%sub3A_79, %dma_wait3A] : memref<40x128xi32, #tpu.memory_space<vmem>> -> memref<1x128xi32, #tpu.memory_space<vmem>>
        %dma_wait3A_81 = tpu.memref_squeeze %dma_wait3A_80 : memref<1x128xi32, #tpu.memory_space<vmem>> -> memref<128xi32, #tpu.memory_space<vmem>>
        %dma_wait3A_82 = arith.constant 0 : i32
        %dma_wait3A_83 = arith.constant 0 : i32
        %dma_wait3A_84 = tpu.memref_slice %arg13[%dma_wait3A_82, %dma_wait3A_83] : memref<5120x128xf32, #tpu.memory_space<vmem_shared>> -> memref<5120x128xf32, #tpu.memory_space<vmem_shared>>
        tpu.wait_indirect_dma semaphore(%arg17 : memref<!tpu.dma_semaphore, #tpu.memory_space<semaphore_mem>>) src(%arg12 : memref<128x128xf32, #tpu.memory_space<vmem>>) dst(%dma_wait3A_84 : memref<5120x128xf32, #tpu.memory_space<vmem_shared>>)
        %dma_wait3A_85 = arith.constant 0 : i32
        %dma_wait3A_86 = tpu.memref_slice %arg10[%sub3A_79, %dma_wait3A_85] : memref<40x128xf32, #tpu.memory_space<vmem>> -> memref<1x128xf32, #tpu.memory_space<vmem>>
        %dma_wait3A_87 = tpu.memref_squeeze %dma_wait3A_86 : memref<1x128xf32, #tpu.memory_space<vmem>> -> memref<128xf32, #tpu.memory_space<vmem>>
        %dma_wait3A_88 = arith.constant 0 : i32
        %dma_wait3A_89 = tpu.memref_slice %arg9[%sub3A_79, %dma_wait3A_88] : memref<40x128xi32, #tpu.memory_space<vmem>> -> memref<1x128xi32, #tpu.memory_space<vmem>>
        %dma_wait3A_90 = tpu.memref_squeeze %dma_wait3A_89 : memref<1x128xi32, #tpu.memory_space<vmem>> -> memref<128xi32, #tpu.memory_space<vmem>>
        %dma_wait3A_91 = arith.constant 0 : i32
        %dma_wait3A_92 = tpu.memref_slice %arg14[%dma_wait3A_91] : memref<5120xf32, #tpu.memory_space<vmem_shared>> -> memref<5120xf32, #tpu.memory_space<vmem_shared>>
        tpu.wait_indirect_dma semaphore(%arg18 : memref<!tpu.dma_semaphore, #tpu.memory_space<semaphore_mem>>) src(%dma_wait3A_87 : memref<128xf32, #tpu.memory_space<vmem>>) dst(%dma_wait3A_92 : memref<5120xf32, #tpu.memory_space<vmem_shared>>)
      } else {
      }
      %lt3A_73 = arith.constant 625 : i32
      %lt3A_74 = arith.cmpi slt, %add3A_62, %lt3A_73 : i32
      %convert_element_type3A_75 = arith.extui %lt3A_74 : i1 to i32
      %cond3A_76 = arith.constant 0 : i32
      %cond3A_77 = arith.cmpi ne, %convert_element_type3A_75, %cond3A_76 : i32
      scf.if %cond3A_77 {
        %mul3A_78 = arith.constant 625 : i32
        %mul3A_79 = arith.muli %arg0, %mul3A_78 : i32
        %add3A_80 = arith.addi %mul3A_79, %add3A_62 : i32
        %mul3A_81 = arith.constant 128 : i32
        %mul3A_82 = arith.muli %add3A_80, %mul3A_81 : i32
        "tpu.region"() ({
          %run_scoped3A = tpu.sem_alloc : memref<!tpu.dma_semaphore, #tpu.memory_space<semaphore_mem>>
          %dma_start3A_96 = arith.constant 0 : i32
          %dma_start3A_97 = tpu.memref_slice %arg2[%mul3A_82, %dma_start3A_96] : memref<160000x128xf32, #tpu.memory_space<hbm>> -> memref<128x128xf32, #tpu.memory_space<hbm>>
          %dma_start3A_98 = arith.constant 0 : i32
          %dma_start3A_99 = tpu.memref_slice %arg2[%mul3A_82, %dma_start3A_98] : memref<160000x128xf32, #tpu.memory_space<hbm>> -> memref<128x128xf32, #tpu.memory_space<hbm>>
          tpu.enqueue_dma source(%dma_start3A_99 : memref<128x128xf32, #tpu.memory_space<hbm>>) target(%arg12 : memref<128x128xf32, #tpu.memory_space<vmem>>) target_semaphore(%run_scoped3A : memref<!tpu.dma_semaphore, #tpu.memory_space<semaphore_mem>>)
          %dma_wait3A = arith.constant 0 : i32
          %dma_wait3A_100 = tpu.memref_slice %arg2[%mul3A_82, %dma_wait3A] : memref<160000x128xf32, #tpu.memory_space<hbm>> -> memref<128x128xf32, #tpu.memory_space<hbm>>
          %dma_wait3A_101 = arith.constant 0 : i32
          %dma_wait3A_102 = tpu.memref_slice %arg2[%mul3A_82, %dma_wait3A_101] : memref<160000x128xf32, #tpu.memory_space<hbm>> -> memref<128x128xf32, #tpu.memory_space<hbm>>
          tpu.wait_dma2 semaphore(%run_scoped3A : memref<!tpu.dma_semaphore, #tpu.memory_space<semaphore_mem>>) src(%dma_wait3A_102 : memref<128x128xf32, #tpu.memory_space<hbm>>) dst(%arg12 : memref<128x128xf32, #tpu.memory_space<vmem>>)
          tpu.yield
        }) : () -> ()
        %dma_start3A = arith.constant 0 : i32
        %dma_start3A_83 = tpu.memref_slice %arg9[%add3A_59, %dma_start3A] : memref<40x128xi32, #tpu.memory_space<vmem>> -> memref<1x128xi32, #tpu.memory_space<vmem>>
        %dma_start3A_84 = tpu.memref_squeeze %dma_start3A_83 : memref<1x128xi32, #tpu.memory_space<vmem>> -> memref<128xi32, #tpu.memory_space<vmem>>
        %dma_start3A_85 = arith.constant 0 : i32
        %dma_start3A_86 = arith.constant 0 : i32
        %dma_start3A_87 = tpu.memref_slice %arg13[%dma_start3A_85, %dma_start3A_86] : memref<5120x128xf32, #tpu.memory_space<vmem_shared>> -> memref<5120x128xf32, #tpu.memory_space<vmem_shared>>
        tpu.enqueue_indirect_dma source(%arg12 : memref<128x128xf32, #tpu.memory_space<vmem>>) target(%dma_start3A_87 : memref<5120x128xf32, #tpu.memory_space<vmem_shared>>) offsets(%dma_start3A_84 : memref<128xi32, #tpu.memory_space<vmem>>) semaphore(%arg17 : memref<!tpu.dma_semaphore, #tpu.memory_space<semaphore_mem>>) {add = true}
        %dma_start3A_88 = arith.constant 0 : i32
        %dma_start3A_89 = tpu.memref_slice %arg10[%add3A_59, %dma_start3A_88] : memref<40x128xf32, #tpu.memory_space<vmem>> -> memref<1x128xf32, #tpu.memory_space<vmem>>
        %dma_start3A_90 = tpu.memref_squeeze %dma_start3A_89 : memref<1x128xf32, #tpu.memory_space<vmem>> -> memref<128xf32, #tpu.memory_space<vmem>>
        %dma_start3A_91 = arith.constant 0 : i32
        %dma_start3A_92 = tpu.memref_slice %arg9[%add3A_59, %dma_start3A_91] : memref<40x128xi32, #tpu.memory_space<vmem>> -> memref<1x128xi32, #tpu.memory_space<vmem>>
        %dma_start3A_93 = tpu.memref_squeeze %dma_start3A_92 : memref<1x128xi32, #tpu.memory_space<vmem>> -> memref<128xi32, #tpu.memory_space<vmem>>
        %dma_start3A_94 = arith.constant 0 : i32
        %dma_start3A_95 = tpu.memref_slice %arg14[%dma_start3A_94] : memref<5120xf32, #tpu.memory_space<vmem_shared>> -> memref<5120xf32, #tpu.memory_space<vmem_shared>>
        tpu.enqueue_indirect_dma source(%dma_start3A_90 : memref<128xf32, #tpu.memory_space<vmem>>) target(%dma_start3A_95 : memref<5120xf32, #tpu.memory_space<vmem_shared>>) offsets(%dma_start3A_93 : memref<128xi32, #tpu.memory_space<vmem>>) semaphore(%arg18 : memref<!tpu.dma_semaphore, #tpu.memory_space<semaphore_mem>>) {add = true}
      } else {
      }
    }
    %scan3A_9 = arith.constant 20 : i32
    %add3A_10 = arith.constant 608 : i32
    %add3A_11 = arith.addi %add3A_10, %arg1 : i32
    %lt3A = arith.constant 625 : i32
    %lt3A_12 = arith.cmpi slt, %add3A_11, %lt3A : i32
    %convert_element_type3A = arith.extui %lt3A_12 : i1 to i32
    %cond3A = arith.constant 0 : i32
    %cond3A_13 = arith.cmpi ne, %convert_element_type3A, %cond3A : i32
    scf.if %cond3A_13 {
      %dma_wait3A = arith.constant 38 : i32
      %dma_wait3A_36 = arith.constant 0 : i32
      %dma_wait3A_37 = tpu.memref_slice %arg9[%dma_wait3A, %dma_wait3A_36] : memref<40x128xi32, #tpu.memory_space<vmem>> -> memref<1x128xi32, #tpu.memory_space<vmem>>
      %dma_wait3A_38 = tpu.memref_squeeze %dma_wait3A_37 : memref<1x128xi32, #tpu.memory_space<vmem>> -> memref<128xi32, #tpu.memory_space<vmem>>
      %dma_wait3A_39 = arith.constant 0 : i32
      %dma_wait3A_40 = arith.constant 0 : i32
      %dma_wait3A_41 = tpu.memref_slice %arg13[%dma_wait3A_39, %dma_wait3A_40] : memref<5120x128xf32, #tpu.memory_space<vmem_shared>> -> memref<5120x128xf32, #tpu.memory_space<vmem_shared>>
      tpu.wait_indirect_dma semaphore(%arg15 : memref<!tpu.dma_semaphore, #tpu.memory_space<semaphore_mem>>) src(%arg11 : memref<128x128xf32, #tpu.memory_space<vmem>>) dst(%dma_wait3A_41 : memref<5120x128xf32, #tpu.memory_space<vmem_shared>>)
      %dma_wait3A_42 = arith.constant 38 : i32
      %dma_wait3A_43 = arith.constant 38 : i32
      %dma_wait3A_44 = arith.constant 0 : i32
      %dma_wait3A_45 = tpu.memref_slice %arg10[%dma_wait3A_42, %dma_wait3A_44] : memref<40x128xf32, #tpu.memory_space<vmem>> -> memref<1x128xf32, #tpu.memory_space<vmem>>
      %dma_wait3A_46 = tpu.memref_squeeze %dma_wait3A_45 : memref<1x128xf32, #tpu.memory_space<vmem>> -> memref<128xf32, #tpu.memory_space<vmem>>
      %dma_wait3A_47 = arith.constant 0 : i32
      %dma_wait3A_48 = tpu.memref_slice %arg9[%dma_wait3A_43, %dma_wait3A_47] : memref<40x128xi32, #tpu.memory_space<vmem>> -> memref<1x128xi32, #tpu.memory_space<vmem>>
      %dma_wait3A_49 = tpu.memref_squeeze %dma_wait3A_48 : memref<1x128xi32, #tpu.memory_space<vmem>> -> memref<128xi32, #tpu.memory_space<vmem>>
      %dma_wait3A_50 = arith.constant 0 : i32
      %dma_wait3A_51 = tpu.memref_slice %arg14[%dma_wait3A_50] : memref<5120xf32, #tpu.memory_space<vmem_shared>> -> memref<5120xf32, #tpu.memory_space<vmem_shared>>
      tpu.wait_indirect_dma semaphore(%arg16 : memref<!tpu.dma_semaphore, #tpu.memory_space<semaphore_mem>>) src(%dma_wait3A_46 : memref<128xf32, #tpu.memory_space<vmem>>) dst(%dma_wait3A_51 : memref<5120xf32, #tpu.memory_space<vmem_shared>>)
    } else {
    }
    %add3A_14 = arith.constant 624 : i32
    %add3A_15 = arith.addi %add3A_14, %arg1 : i32
    %lt3A_16 = arith.constant 625 : i32
    %lt3A_17 = arith.cmpi slt, %add3A_15, %lt3A_16 : i32
    %convert_element_type3A_18 = arith.extui %lt3A_17 : i1 to i32
    %cond3A_19 = arith.constant 0 : i32
    %cond3A_20 = arith.cmpi ne, %convert_element_type3A_18, %cond3A_19 : i32
    scf.if %cond3A_20 {
      %dma_wait3A = arith.constant 39 : i32
      %dma_wait3A_36 = arith.constant 0 : i32
      %dma_wait3A_37 = tpu.memref_slice %arg9[%dma_wait3A, %dma_wait3A_36] : memref<40x128xi32, #tpu.memory_space<vmem>> -> memref<1x128xi32, #tpu.memory_space<vmem>>
      %dma_wait3A_38 = tpu.memref_squeeze %dma_wait3A_37 : memref<1x128xi32, #tpu.memory_space<vmem>> -> memref<128xi32, #tpu.memory_space<vmem>>
      %dma_wait3A_39 = arith.constant 0 : i32
      %dma_wait3A_40 = arith.constant 0 : i32
      %dma_wait3A_41 = tpu.memref_slice %arg13[%dma_wait3A_39, %dma_wait3A_40] : memref<5120x128xf32, #tpu.memory_space<vmem_shared>> -> memref<5120x128xf32, #tpu.memory_space<vmem_shared>>
      tpu.wait_indirect_dma semaphore(%arg17 : memref<!tpu.dma_semaphore, #tpu.memory_space<semaphore_mem>>) src(%arg12 : memref<128x128xf32, #tpu.memory_space<vmem>>) dst(%dma_wait3A_41 : memref<5120x128xf32, #tpu.memory_space<vmem_shared>>)
      %dma_wait3A_42 = arith.constant 39 : i32
      %dma_wait3A_43 = arith.constant 39 : i32
      %dma_wait3A_44 = arith.constant 0 : i32
      %dma_wait3A_45 = tpu.memref_slice %arg10[%dma_wait3A_42, %dma_wait3A_44] : memref<40x128xf32, #tpu.memory_space<vmem>> -> memref<1x128xf32, #tpu.memory_space<vmem>>
      %dma_wait3A_46 = tpu.memref_squeeze %dma_wait3A_45 : memref<1x128xf32, #tpu.memory_space<vmem>> -> memref<128xf32, #tpu.memory_space<vmem>>
      %dma_wait3A_47 = arith.constant 0 : i32
      %dma_wait3A_48 = tpu.memref_slice %arg9[%dma_wait3A_43, %dma_wait3A_47] : memref<40x128xi32, #tpu.memory_space<vmem>> -> memref<1x128xi32, #tpu.memory_space<vmem>>
      %dma_wait3A_49 = tpu.memref_squeeze %dma_wait3A_48 : memref<1x128xi32, #tpu.memory_space<vmem>> -> memref<128xi32, #tpu.memory_space<vmem>>
      %dma_wait3A_50 = arith.constant 0 : i32
      %dma_wait3A_51 = tpu.memref_slice %arg14[%dma_wait3A_50] : memref<5120xf32, #tpu.memory_space<vmem_shared>> -> memref<5120xf32, #tpu.memory_space<vmem_shared>>
      tpu.wait_indirect_dma semaphore(%arg18 : memref<!tpu.dma_semaphore, #tpu.memory_space<semaphore_mem>>) src(%dma_wait3A_46 : memref<128xf32, #tpu.memory_space<vmem>>) dst(%dma_wait3A_51 : memref<5120xf32, #tpu.memory_space<vmem_shared>>)
    } else {
    }
    %barrier3A_21 = arith.constant 0 : index
    tpu.barrier barrier_id(%barrier3A_21)
    %mul3A_22 = arith.constant 320 : i32
    %mul3A_23 = arith.muli %arg1, %mul3A_22 : i32
    %mul3A_24 = arith.constant 5120 : i32
    %mul3A_25 = arith.muli %arg0, %mul3A_24 : i32
    %mul3A_26 = arith.constant 320 : i32
    %mul3A_27 = arith.muli %arg1, %mul3A_26 : i32
    %add3A_28 = arith.addi %mul3A_25, %mul3A_27 : i32
    "tpu.region"() ({
      %run_scoped3A = tpu.sem_alloc : memref<!tpu.dma_semaphore, #tpu.memory_space<semaphore_mem>>
      %dma_start3A = arith.constant 0 : i32
      %dma_start3A_36 = tpu.memref_slice %arg7[%add3A_28, %dma_start3A] : memref<10240x128xf32, #tpu.memory_space<hbm>> -> memref<320x128xf32, #tpu.memory_space<hbm>>
      %dma_start3A_37 = arith.constant 0 : i32
      %dma_start3A_38 = tpu.memref_slice %arg13[%mul3A_23, %dma_start3A_37] : memref<5120x128xf32, #tpu.memory_space<vmem_shared>> -> memref<320x128xf32, #tpu.memory_space<vmem_shared>>
      tpu.enqueue_dma source(%dma_start3A_38 : memref<320x128xf32, #tpu.memory_space<vmem_shared>>) target(%dma_start3A_36 : memref<320x128xf32, #tpu.memory_space<hbm>>) target_semaphore(%run_scoped3A : memref<!tpu.dma_semaphore, #tpu.memory_space<semaphore_mem>>)
      %dma_wait3A = arith.constant 0 : i32
      %dma_wait3A_39 = tpu.memref_slice %arg7[%add3A_28, %dma_wait3A] : memref<10240x128xf32, #tpu.memory_space<hbm>> -> memref<320x128xf32, #tpu.memory_space<hbm>>
      %dma_wait3A_40 = arith.constant 0 : i32
      %dma_wait3A_41 = tpu.memref_slice %arg13[%mul3A_23, %dma_wait3A_40] : memref<5120x128xf32, #tpu.memory_space<vmem_shared>> -> memref<320x128xf32, #tpu.memory_space<vmem_shared>>
      tpu.wait_dma2 semaphore(%run_scoped3A : memref<!tpu.dma_semaphore, #tpu.memory_space<semaphore_mem>>) src(%dma_wait3A_41 : memref<320x128xf32, #tpu.memory_space<vmem_shared>>) dst(%dma_wait3A_39 : memref<320x128xf32, #tpu.memory_space<hbm>>)
      tpu.yield
    }) : () -> ()
    %mul3A_29 = arith.constant 320 : i32
    %mul3A_30 = arith.muli %arg1, %mul3A_29 : i32
    %mul3A_31 = arith.constant 5120 : i32
    %mul3A_32 = arith.muli %arg0, %mul3A_31 : i32
    %mul3A_33 = arith.constant 320 : i32
    %mul3A_34 = arith.muli %arg1, %mul3A_33 : i32
    %add3A_35 = arith.addi %mul3A_32, %mul3A_34 : i32
    "tpu.region"() ({
      %run_scoped3A = tpu.sem_alloc : memref<!tpu.dma_semaphore, #tpu.memory_space<semaphore_mem>>
      %dma_start3A = tpu.memref_slice %arg8[%add3A_35] : memref<10240xf32, #tpu.memory_space<hbm>> -> memref<320xf32, #tpu.memory_space<hbm>>
      %dma_start3A_36 = tpu.memref_slice %arg14[%mul3A_30] : memref<5120xf32, #tpu.memory_space<vmem_shared>> -> memref<320xf32, #tpu.memory_space<vmem_shared>>
      tpu.enqueue_dma source(%dma_start3A_36 : memref<320xf32, #tpu.memory_space<vmem_shared>>) target(%dma_start3A : memref<320xf32, #tpu.memory_space<hbm>>) target_semaphore(%run_scoped3A : memref<!tpu.dma_semaphore, #tpu.memory_space<semaphore_mem>>)
      %dma_wait3A = tpu.memref_slice %arg8[%add3A_35] : memref<10240xf32, #tpu.memory_space<hbm>> -> memref<320xf32, #tpu.memory_space<hbm>>
      %dma_wait3A_37 = tpu.memref_slice %arg14[%mul3A_30] : memref<5120xf32, #tpu.memory_space<vmem_shared>> -> memref<320xf32, #tpu.memory_space<vmem_shared>>
      tpu.wait_dma2 semaphore(%run_scoped3A : memref<!tpu.dma_semaphore, #tpu.memory_space<semaphore_mem>>) src(%dma_wait3A_37 : memref<320xf32, #tpu.memory_space<vmem_shared>>) dst(%dma_wait3A : memref<320xf32, #tpu.memory_space<hbm>>)
      tpu.yield
    }) : () -> ()
    return
  }
}

#map = affine_map<(d0, d1) -> (0, 0)>
#map1 = affine_map<(d0, d1) -> (0, 0, 0)>
module attributes {stable_mosaic.version = 14 : i64} {
  func.func @_gather(%arg0: i32, %arg1: i32, %arg2: memref<5120x128xf32, #tpu.memory_space<hbm>>, %arg3: memref<5120x128xf32, #tpu.memory_space<hbm>>, %arg4: memref<32x40x128xi32, #tpu.memory_space<hbm>>, %arg5: memref<32x40x128xi32, #tpu.memory_space<hbm>>, %arg6: memref<1250x128x128xf32, #tpu.memory_space<hbm>>, %arg7: memref<1250x128x128xf32, #tpu.memory_space<hbm>>, %arg8: memref<40x128xi32, #tpu.memory_space<vmem>>, %arg9: memref<40x128xi32, #tpu.memory_space<vmem>>, %arg10: memref<128x128xf32, #tpu.memory_space<vmem>>, %arg11: memref<128x128xf32, #tpu.memory_space<vmem>>, %arg12: memref<128x128xf32, #tpu.memory_space<vmem>>, %arg13: memref<128x128xf32, #tpu.memory_space<vmem>>, %arg14: memref<5120x128xf32, #tpu.memory_space<vmem_shared>>, %arg15: memref<!tpu.dma_semaphore, #tpu.memory_space<semaphore_mem>>, %arg16: memref<!tpu.dma_semaphore, #tpu.memory_space<semaphore_mem>>, %arg17: memref<!tpu.dma_semaphore, #tpu.memory_space<semaphore_mem>>, %arg18: memref<!tpu.dma_semaphore, #tpu.memory_space<semaphore_mem>>, %arg19: memref<!tpu.dma_semaphore, #tpu.memory_space<semaphore_mem>>, %arg20: memref<!tpu.dma_semaphore, #tpu.memory_space<semaphore_mem>>, %arg21: memref<!tpu.dma_semaphore, #tpu.memory_space<semaphore_mem>>, %arg22: memref<!tpu.dma_semaphore, #tpu.memory_space<semaphore_mem>>) attributes {dimension_semantics = [#tpu.dimension_semantics<core_parallel>, #tpu.dimension_semantics<subcore_parallel>], iteration_bounds = array<i64: 2, 16>, scalar_prefetch = 0 : i64, scratch_operands = 15 : i64, tpu.core_type = #tpu.core_type<sc_vector_subcore>, window_params = [{transform_indices = #map}, {transform_indices = #map}, {transform_indices = #map1}, {transform_indices = #map1}, {transform_indices = #map1}, {transform_indices = #map1}]} {
    %mul3A = arith.constant 2 : i32
    %mul3A_0 = arith.muli %arg1, %mul3A : i32
    %add3A = arith.addi %mul3A_0, %arg0 : i32
    %mul3A_1 = arith.constant 320 : i32
    %mul3A_2 = arith.muli %arg1, %mul3A_1 : i32
    %mul3A_3 = arith.constant 320 : i32
    %mul3A_4 = arith.muli %arg1, %mul3A_3 : i32
    "tpu.region"() ({
      %run_scoped3A = tpu.sem_alloc : memref<!tpu.dma_semaphore, #tpu.memory_space<semaphore_mem>>
      %dma_start3A = arith.constant 0 : i32
      %dma_start3A_45 = tpu.memref_slice %arg14[%mul3A_4, %dma_start3A] : memref<5120x128xf32, #tpu.memory_space<vmem_shared>> -> memref<320x128xf32, #tpu.memory_space<vmem_shared>>
      %dma_start3A_46 = arith.constant 0 : i32
      %dma_start3A_47 = tpu.memref_slice %arg2[%mul3A_2, %dma_start3A_46] : memref<5120x128xf32, #tpu.memory_space<hbm>> -> memref<320x128xf32, #tpu.memory_space<hbm>>
      tpu.enqueue_dma source(%dma_start3A_47 : memref<320x128xf32, #tpu.memory_space<hbm>>) target(%dma_start3A_45 : memref<320x128xf32, #tpu.memory_space<vmem_shared>>) target_semaphore(%run_scoped3A : memref<!tpu.dma_semaphore, #tpu.memory_space<semaphore_mem>>)
      %dma_wait3A_48 = arith.constant 0 : i32
      %dma_wait3A_49 = tpu.memref_slice %arg14[%mul3A_4, %dma_wait3A_48] : memref<5120x128xf32, #tpu.memory_space<vmem_shared>> -> memref<320x128xf32, #tpu.memory_space<vmem_shared>>
      %dma_wait3A_50 = arith.constant 0 : i32
      %dma_wait3A_51 = tpu.memref_slice %arg2[%mul3A_2, %dma_wait3A_50] : memref<5120x128xf32, #tpu.memory_space<hbm>> -> memref<320x128xf32, #tpu.memory_space<hbm>>
      tpu.wait_dma2 semaphore(%run_scoped3A : memref<!tpu.dma_semaphore, #tpu.memory_space<semaphore_mem>>) src(%dma_wait3A_51 : memref<320x128xf32, #tpu.memory_space<hbm>>) dst(%dma_wait3A_49 : memref<320x128xf32, #tpu.memory_space<vmem_shared>>)
      tpu.yield
    }) : () -> ()
    "tpu.region"() ({
      %run_scoped3A = tpu.sem_alloc : memref<!tpu.dma_semaphore, #tpu.memory_space<semaphore_mem>>
      %dma_start3A = arith.constant 0 : i32
      %dma_start3A_45 = arith.constant 0 : i32
      %dma_start3A_46 = tpu.memref_slice %arg4[%add3A, %dma_start3A, %dma_start3A_45] : memref<32x40x128xi32, #tpu.memory_space<hbm>> -> memref<1x40x128xi32, #tpu.memory_space<hbm>>
      %dma_start3A_47 = tpu.memref_squeeze %dma_start3A_46 : memref<1x40x128xi32, #tpu.memory_space<hbm>> -> memref<40x128xi32, #tpu.memory_space<hbm>>
      %dma_start3A_48 = arith.constant 0 : i32
      %dma_start3A_49 = arith.constant 0 : i32
      %dma_start3A_50 = tpu.memref_slice %arg4[%add3A, %dma_start3A_48, %dma_start3A_49] : memref<32x40x128xi32, #tpu.memory_space<hbm>> -> memref<1x40x128xi32, #tpu.memory_space<hbm>>
      %dma_start3A_51 = tpu.memref_squeeze %dma_start3A_50 : memref<1x40x128xi32, #tpu.memory_space<hbm>> -> memref<40x128xi32, #tpu.memory_space<hbm>>
      tpu.enqueue_dma source(%dma_start3A_51 : memref<40x128xi32, #tpu.memory_space<hbm>>) target(%arg8 : memref<40x128xi32, #tpu.memory_space<vmem>>) target_semaphore(%run_scoped3A : memref<!tpu.dma_semaphore, #tpu.memory_space<semaphore_mem>>)
      %dma_wait3A_52 = arith.constant 0 : i32
      %dma_wait3A_53 = arith.constant 0 : i32
      %dma_wait3A_54 = tpu.memref_slice %arg4[%add3A, %dma_wait3A_52, %dma_wait3A_53] : memref<32x40x128xi32, #tpu.memory_space<hbm>> -> memref<1x40x128xi32, #tpu.memory_space<hbm>>
      %dma_wait3A_55 = tpu.memref_squeeze %dma_wait3A_54 : memref<1x40x128xi32, #tpu.memory_space<hbm>> -> memref<40x128xi32, #tpu.memory_space<hbm>>
      %dma_wait3A_56 = arith.constant 0 : i32
      %dma_wait3A_57 = arith.constant 0 : i32
      %dma_wait3A_58 = tpu.memref_slice %arg4[%add3A, %dma_wait3A_56, %dma_wait3A_57] : memref<32x40x128xi32, #tpu.memory_space<hbm>> -> memref<1x40x128xi32, #tpu.memory_space<hbm>>
      %dma_wait3A_59 = tpu.memref_squeeze %dma_wait3A_58 : memref<1x40x128xi32, #tpu.memory_space<hbm>> -> memref<40x128xi32, #tpu.memory_space<hbm>>
      tpu.wait_dma2 semaphore(%run_scoped3A : memref<!tpu.dma_semaphore, #tpu.memory_space<semaphore_mem>>) src(%dma_wait3A_59 : memref<40x128xi32, #tpu.memory_space<hbm>>) dst(%arg8 : memref<40x128xi32, #tpu.memory_space<vmem>>)
      tpu.yield
    }) : () -> ()
    "tpu.region"() ({
      %run_scoped3A = tpu.sem_alloc : memref<!tpu.dma_semaphore, #tpu.memory_space<semaphore_mem>>
      %dma_start3A = arith.constant 0 : i32
      %dma_start3A_45 = arith.constant 0 : i32
      %dma_start3A_46 = tpu.memref_slice %arg5[%add3A, %dma_start3A, %dma_start3A_45] : memref<32x40x128xi32, #tpu.memory_space<hbm>> -> memref<1x40x128xi32, #tpu.memory_space<hbm>>
      %dma_start3A_47 = tpu.memref_squeeze %dma_start3A_46 : memref<1x40x128xi32, #tpu.memory_space<hbm>> -> memref<40x128xi32, #tpu.memory_space<hbm>>
      %dma_start3A_48 = arith.constant 0 : i32
      %dma_start3A_49 = arith.constant 0 : i32
      %dma_start3A_50 = tpu.memref_slice %arg5[%add3A, %dma_start3A_48, %dma_start3A_49] : memref<32x40x128xi32, #tpu.memory_space<hbm>> -> memref<1x40x128xi32, #tpu.memory_space<hbm>>
      %dma_start3A_51 = tpu.memref_squeeze %dma_start3A_50 : memref<1x40x128xi32, #tpu.memory_space<hbm>> -> memref<40x128xi32, #tpu.memory_space<hbm>>
      tpu.enqueue_dma source(%dma_start3A_51 : memref<40x128xi32, #tpu.memory_space<hbm>>) target(%arg9 : memref<40x128xi32, #tpu.memory_space<vmem>>) target_semaphore(%run_scoped3A : memref<!tpu.dma_semaphore, #tpu.memory_space<semaphore_mem>>)
      %dma_wait3A_52 = arith.constant 0 : i32
      %dma_wait3A_53 = arith.constant 0 : i32
      %dma_wait3A_54 = tpu.memref_slice %arg5[%add3A, %dma_wait3A_52, %dma_wait3A_53] : memref<32x40x128xi32, #tpu.memory_space<hbm>> -> memref<1x40x128xi32, #tpu.memory_space<hbm>>
      %dma_wait3A_55 = tpu.memref_squeeze %dma_wait3A_54 : memref<1x40x128xi32, #tpu.memory_space<hbm>> -> memref<40x128xi32, #tpu.memory_space<hbm>>
      %dma_wait3A_56 = arith.constant 0 : i32
      %dma_wait3A_57 = arith.constant 0 : i32
      %dma_wait3A_58 = tpu.memref_slice %arg5[%add3A, %dma_wait3A_56, %dma_wait3A_57] : memref<32x40x128xi32, #tpu.memory_space<hbm>> -> memref<1x40x128xi32, #tpu.memory_space<hbm>>
      %dma_wait3A_59 = tpu.memref_squeeze %dma_wait3A_58 : memref<1x40x128xi32, #tpu.memory_space<hbm>> -> memref<40x128xi32, #tpu.memory_space<hbm>>
      tpu.wait_dma2 semaphore(%run_scoped3A : memref<!tpu.dma_semaphore, #tpu.memory_space<semaphore_mem>>) src(%dma_wait3A_59 : memref<40x128xi32, #tpu.memory_space<hbm>>) dst(%arg9 : memref<40x128xi32, #tpu.memory_space<vmem>>)
      tpu.yield
    }) : () -> ()
    %barrier3A = arith.constant 0 : index
    tpu.barrier barrier_id(%barrier3A)
    %scan3A = arith.constant 0 : i32
    %scan3A_5 = arith.constant 0 : i32
    %scan3A_6 = arith.constant 20 : i32
    %scan3A_7 = arith.addi %scan3A_5, %scan3A_6 : i32
    %scan3A_8 = arith.constant 1 : i32
    scf.for %scan3A_45 = %scan3A_5 to %scan3A_7 step %scan3A_8  : i32 {
      %mul3A_46 = arith.constant 2 : i32
      %mul3A_47 = arith.muli %mul3A_46, %scan3A_45 : i32
      %mul3A_48 = arith.constant 32 : i32
      %mul3A_49 = arith.muli %mul3A_47, %mul3A_48 : i32
      %add3A_50 = arith.addi %mul3A_49, %add3A : i32
      %min3A = arith.constant 1249 : i32
      %min3A_51 = arith.minsi %add3A_50, %min3A : i32
      %mul3A_52 = arith.constant 2 : i32
      %mul3A_53 = arith.muli %mul3A_52, %scan3A_45 : i32
      %add3A_54 = arith.constant 1 : i32
      %add3A_55 = arith.addi %mul3A_53, %add3A_54 : i32
      %mul3A_56 = arith.constant 32 : i32
      %mul3A_57 = arith.muli %add3A_55, %mul3A_56 : i32
      %add3A_58 = arith.addi %mul3A_57, %add3A : i32
      %min3A_59 = arith.constant 1249 : i32
      %min3A_60 = arith.minsi %add3A_58, %min3A_59 : i32
      %gt3A = arith.constant 0 : i32
      %gt3A_61 = arith.cmpi sgt, %scan3A_45, %gt3A : i32
      %convert_element_type3A = arith.extui %gt3A_61 : i1 to i32
      %cond3A = arith.constant 0 : i32
      %cond3A_62 = arith.cmpi ne, %convert_element_type3A, %cond3A : i32
      scf.if %cond3A_62 {
        %dma_wait3A_159 = arith.constant 0 : i32
        %dma_wait3A_160 = arith.constant 0 : i32
        %dma_wait3A_161 = tpu.memref_slice %arg6[%min3A_51, %dma_wait3A_159, %dma_wait3A_160] : memref<1250x128x128xf32, #tpu.memory_space<hbm>> -> memref<1x128x128xf32, #tpu.memory_space<hbm>>
        %dma_wait3A_162 = tpu.memref_squeeze %dma_wait3A_161 : memref<1x128x128xf32, #tpu.memory_space<hbm>> -> memref<128x128xf32, #tpu.memory_space<hbm>>
        %dma_wait3A_163 = arith.constant 0 : i32
        %dma_wait3A_164 = arith.constant 0 : i32
        %dma_wait3A_165 = tpu.memref_slice %arg6[%min3A_51, %dma_wait3A_163, %dma_wait3A_164] : memref<1250x128x128xf32, #tpu.memory_space<hbm>> -> memref<1x128x128xf32, #tpu.memory_space<hbm>>
        %dma_wait3A_166 = tpu.memref_squeeze %dma_wait3A_165 : memref<1x128x128xf32, #tpu.memory_space<hbm>> -> memref<128x128xf32, #tpu.memory_space<hbm>>
        tpu.wait_dma2 semaphore(%arg19 : memref<!tpu.dma_semaphore, #tpu.memory_space<semaphore_mem>>) src(%arg10 : memref<128x128xf32, #tpu.memory_space<vmem>>) dst(%dma_wait3A_166 : memref<128x128xf32, #tpu.memory_space<hbm>>)
        %dma_wait3A_167 = arith.constant 0 : i32
        %dma_wait3A_168 = arith.constant 0 : i32
        %dma_wait3A_169 = tpu.memref_slice %arg7[%min3A_51, %dma_wait3A_167, %dma_wait3A_168] : memref<1250x128x128xf32, #tpu.memory_space<hbm>> -> memref<1x128x128xf32, #tpu.memory_space<hbm>>
        %dma_wait3A_170 = tpu.memref_squeeze %dma_wait3A_169 : memref<1x128x128xf32, #tpu.memory_space<hbm>> -> memref<128x128xf32, #tpu.memory_space<hbm>>
        %dma_wait3A_171 = arith.constant 0 : i32
        %dma_wait3A_172 = arith.constant 0 : i32
        %dma_wait3A_173 = tpu.memref_slice %arg7[%min3A_51, %dma_wait3A_171, %dma_wait3A_172] : memref<1250x128x128xf32, #tpu.memory_space<hbm>> -> memref<1x128x128xf32, #tpu.memory_space<hbm>>
        %dma_wait3A_174 = tpu.memref_squeeze %dma_wait3A_173 : memref<1x128x128xf32, #tpu.memory_space<hbm>> -> memref<128x128xf32, #tpu.memory_space<hbm>>
        tpu.wait_dma2 semaphore(%arg20 : memref<!tpu.dma_semaphore, #tpu.memory_space<semaphore_mem>>) src(%arg11 : memref<128x128xf32, #tpu.memory_space<vmem>>) dst(%dma_wait3A_174 : memref<128x128xf32, #tpu.memory_space<hbm>>)
      } else {
      }
      %mul3A_63 = arith.constant 2 : i32
      %mul3A_64 = arith.muli %mul3A_63, %scan3A_45 : i32
      %dma_start3A = arith.constant 0 : i32
      %dma_start3A_65 = tpu.memref_slice %arg8[%mul3A_64, %dma_start3A] : memref<40x128xi32, #tpu.memory_space<vmem>> -> memref<1x128xi32, #tpu.memory_space<vmem>>
      %dma_start3A_66 = tpu.memref_squeeze %dma_start3A_65 : memref<1x128xi32, #tpu.memory_space<vmem>> -> memref<128xi32, #tpu.memory_space<vmem>>
      %dma_start3A_67 = arith.constant 0 : i32
      %dma_start3A_68 = arith.constant 0 : i32
      %dma_start3A_69 = tpu.memref_slice %arg14[%dma_start3A_67, %dma_start3A_68] : memref<5120x128xf32, #tpu.memory_space<vmem_shared>> -> memref<5120x128xf32, #tpu.memory_space<vmem_shared>>
      tpu.enqueue_indirect_dma source(%dma_start3A_69 : memref<5120x128xf32, #tpu.memory_space<vmem_shared>>) target(%arg10 : memref<128x128xf32, #tpu.memory_space<vmem>>) offsets(%dma_start3A_66 : memref<128xi32, #tpu.memory_space<vmem>>) semaphore(%arg15 : memref<!tpu.dma_semaphore, #tpu.memory_space<semaphore_mem>>)
      %mul3A_70 = arith.constant 2 : i32
      %mul3A_71 = arith.muli %mul3A_70, %scan3A_45 : i32
      %dma_start3A_72 = arith.constant 0 : i32
      %dma_start3A_73 = tpu.memref_slice %arg9[%mul3A_71, %dma_start3A_72] : memref<40x128xi32, #tpu.memory_space<vmem>> -> memref<1x128xi32, #tpu.memory_space<vmem>>
      %dma_start3A_74 = tpu.memref_squeeze %dma_start3A_73 : memref<1x128xi32, #tpu.memory_space<vmem>> -> memref<128xi32, #tpu.memory_space<vmem>>
      %dma_start3A_75 = arith.constant 0 : i32
      %dma_start3A_76 = arith.constant 0 : i32
      %dma_start3A_77 = tpu.memref_slice %arg3[%dma_start3A_75, %dma_start3A_76] : memref<5120x128xf32, #tpu.memory_space<hbm>> -> memref<5120x128xf32, #tpu.memory_space<hbm>>
      tpu.enqueue_indirect_dma source(%dma_start3A_77 : memref<5120x128xf32, #tpu.memory_space<hbm>>) target(%arg11 : memref<128x128xf32, #tpu.memory_space<vmem>>) offsets(%dma_start3A_74 : memref<128xi32, #tpu.memory_space<vmem>>) semaphore(%arg16 : memref<!tpu.dma_semaphore, #tpu.memory_space<semaphore_mem>>)
      %gt3A_78 = arith.constant 0 : i32
      %gt3A_79 = arith.cmpi sgt, %scan3A_45, %gt3A_78 : i32
      %convert_element_type3A_80 = arith.extui %gt3A_79 : i1 to i32
      %cond3A_81 = arith.constant 0 : i32
      %cond3A_82 = arith.cmpi ne, %convert_element_type3A_80, %cond3A_81 : i32
      scf.if %cond3A_82 {
        %dma_wait3A_159 = arith.constant 0 : i32
        %dma_wait3A_160 = arith.constant 0 : i32
        %dma_wait3A_161 = tpu.memref_slice %arg6[%min3A_60, %dma_wait3A_159, %dma_wait3A_160] : memref<1250x128x128xf32, #tpu.memory_space<hbm>> -> memref<1x128x128xf32, #tpu.memory_space<hbm>>
        %dma_wait3A_162 = tpu.memref_squeeze %dma_wait3A_161 : memref<1x128x128xf32, #tpu.memory_space<hbm>> -> memref<128x128xf32, #tpu.memory_space<hbm>>
        %dma_wait3A_163 = arith.constant 0 : i32
        %dma_wait3A_164 = arith.constant 0 : i32
        %dma_wait3A_165 = tpu.memref_slice %arg6[%min3A_60, %dma_wait3A_163, %dma_wait3A_164] : memref<1250x128x128xf32, #tpu.memory_space<hbm>> -> memref<1x128x128xf32, #tpu.memory_space<hbm>>
        %dma_wait3A_166 = tpu.memref_squeeze %dma_wait3A_165 : memref<1x128x128xf32, #tpu.memory_space<hbm>> -> memref<128x128xf32, #tpu.memory_space<hbm>>
        tpu.wait_dma2 semaphore(%arg21 : memref<!tpu.dma_semaphore, #tpu.memory_space<semaphore_mem>>) src(%arg12 : memref<128x128xf32, #tpu.memory_space<vmem>>) dst(%dma_wait3A_166 : memref<128x128xf32, #tpu.memory_space<hbm>>)
        %dma_wait3A_167 = arith.constant 0 : i32
        %dma_wait3A_168 = arith.constant 0 : i32
        %dma_wait3A_169 = tpu.memref_slice %arg7[%min3A_60, %dma_wait3A_167, %dma_wait3A_168] : memref<1250x128x128xf32, #tpu.memory_space<hbm>> -> memref<1x128x128xf32, #tpu.memory_space<hbm>>
        %dma_wait3A_170 = tpu.memref_squeeze %dma_wait3A_169 : memref<1x128x128xf32, #tpu.memory_space<hbm>> -> memref<128x128xf32, #tpu.memory_space<hbm>>
        %dma_wait3A_171 = arith.constant 0 : i32
        %dma_wait3A_172 = arith.constant 0 : i32
        %dma_wait3A_173 = tpu.memref_slice %arg7[%min3A_60, %dma_wait3A_171, %dma_wait3A_172] : memref<1250x128x128xf32, #tpu.memory_space<hbm>> -> memref<1x128x128xf32, #tpu.memory_space<hbm>>
        %dma_wait3A_174 = tpu.memref_squeeze %dma_wait3A_173 : memref<1x128x128xf32, #tpu.memory_space<hbm>> -> memref<128x128xf32, #tpu.memory_space<hbm>>
        tpu.wait_dma2 semaphore(%arg22 : memref<!tpu.dma_semaphore, #tpu.memory_space<semaphore_mem>>) src(%arg13 : memref<128x128xf32, #tpu.memory_space<vmem>>) dst(%dma_wait3A_174 : memref<128x128xf32, #tpu.memory_space<hbm>>)
      } else {
      }
      %mul3A_83 = arith.constant 2 : i32
      %mul3A_84 = arith.muli %mul3A_83, %scan3A_45 : i32
      %add3A_85 = arith.constant 1 : i32
      %add3A_86 = arith.addi %mul3A_84, %add3A_85 : i32
      %dma_start3A_87 = arith.constant 0 : i32
      %dma_start3A_88 = tpu.memref_slice %arg8[%add3A_86, %dma_start3A_87] : memref<40x128xi32, #tpu.memory_space<vmem>> -> memref<1x128xi32, #tpu.memory_space<vmem>>
      %dma_start3A_89 = tpu.memref_squeeze %dma_start3A_88 : memref<1x128xi32, #tpu.memory_space<vmem>> -> memref<128xi32, #tpu.memory_space<vmem>>
      %dma_start3A_90 = arith.constant 0 : i32
      %dma_start3A_91 = arith.constant 0 : i32
      %dma_start3A_92 = tpu.memref_slice %arg14[%dma_start3A_90, %dma_start3A_91] : memref<5120x128xf32, #tpu.memory_space<vmem_shared>> -> memref<5120x128xf32, #tpu.memory_space<vmem_shared>>
      tpu.enqueue_indirect_dma source(%dma_start3A_92 : memref<5120x128xf32, #tpu.memory_space<vmem_shared>>) target(%arg12 : memref<128x128xf32, #tpu.memory_space<vmem>>) offsets(%dma_start3A_89 : memref<128xi32, #tpu.memory_space<vmem>>) semaphore(%arg17 : memref<!tpu.dma_semaphore, #tpu.memory_space<semaphore_mem>>)
      %mul3A_93 = arith.constant 2 : i32
      %mul3A_94 = arith.muli %mul3A_93, %scan3A_45 : i32
      %add3A_95 = arith.constant 1 : i32
      %add3A_96 = arith.addi %mul3A_94, %add3A_95 : i32
      %dma_start3A_97 = arith.constant 0 : i32
      %dma_start3A_98 = tpu.memref_slice %arg9[%add3A_96, %dma_start3A_97] : memref<40x128xi32, #tpu.memory_space<vmem>> -> memref<1x128xi32, #tpu.memory_space<vmem>>
      %dma_start3A_99 = tpu.memref_squeeze %dma_start3A_98 : memref<1x128xi32, #tpu.memory_space<vmem>> -> memref<128xi32, #tpu.memory_space<vmem>>
      %dma_start3A_100 = arith.constant 0 : i32
      %dma_start3A_101 = arith.constant 0 : i32
      %dma_start3A_102 = tpu.memref_slice %arg3[%dma_start3A_100, %dma_start3A_101] : memref<5120x128xf32, #tpu.memory_space<hbm>> -> memref<5120x128xf32, #tpu.memory_space<hbm>>
      tpu.enqueue_indirect_dma source(%dma_start3A_102 : memref<5120x128xf32, #tpu.memory_space<hbm>>) target(%arg13 : memref<128x128xf32, #tpu.memory_space<vmem>>) offsets(%dma_start3A_99 : memref<128xi32, #tpu.memory_space<vmem>>) semaphore(%arg18 : memref<!tpu.dma_semaphore, #tpu.memory_space<semaphore_mem>>)
      %dma_wait3A_103 = arith.constant 0 : i32
      %dma_wait3A_104 = tpu.memref_slice %arg8[%mul3A_64, %dma_wait3A_103] : memref<40x128xi32, #tpu.memory_space<vmem>> -> memref<1x128xi32, #tpu.memory_space<vmem>>
      %dma_wait3A_105 = tpu.memref_squeeze %dma_wait3A_104 : memref<1x128xi32, #tpu.memory_space<vmem>> -> memref<128xi32, #tpu.memory_space<vmem>>
      %dma_wait3A_106 = arith.constant 0 : i32
      %dma_wait3A_107 = arith.constant 0 : i32
      %dma_wait3A_108 = tpu.memref_slice %arg14[%dma_wait3A_106, %dma_wait3A_107] : memref<5120x128xf32, #tpu.memory_space<vmem_shared>> -> memref<5120x128xf32, #tpu.memory_space<vmem_shared>>
      tpu.wait_indirect_dma semaphore(%arg15 : memref<!tpu.dma_semaphore, #tpu.memory_space<semaphore_mem>>) src(%dma_wait3A_108 : memref<5120x128xf32, #tpu.memory_space<vmem_shared>>) dst(%arg10 : memref<128x128xf32, #tpu.memory_space<vmem>>)
      %dma_wait3A_109 = arith.constant 0 : i32
      %dma_wait3A_110 = tpu.memref_slice %arg9[%mul3A_71, %dma_wait3A_109] : memref<40x128xi32, #tpu.memory_space<vmem>> -> memref<1x128xi32, #tpu.memory_space<vmem>>
      %dma_wait3A_111 = tpu.memref_squeeze %dma_wait3A_110 : memref<1x128xi32, #tpu.memory_space<vmem>> -> memref<128xi32, #tpu.memory_space<vmem>>
      %dma_wait3A_112 = arith.constant 0 : i32
      %dma_wait3A_113 = arith.constant 0 : i32
      %dma_wait3A_114 = tpu.memref_slice %arg3[%dma_wait3A_112, %dma_wait3A_113] : memref<5120x128xf32, #tpu.memory_space<hbm>> -> memref<5120x128xf32, #tpu.memory_space<hbm>>
      tpu.wait_indirect_dma semaphore(%arg16 : memref<!tpu.dma_semaphore, #tpu.memory_space<semaphore_mem>>) src(%dma_wait3A_114 : memref<5120x128xf32, #tpu.memory_space<hbm>>) dst(%arg11 : memref<128x128xf32, #tpu.memory_space<vmem>>)
      %dma_start3A_115 = arith.constant 0 : i32
      %dma_start3A_116 = arith.constant 0 : i32
      %dma_start3A_117 = tpu.memref_slice %arg6[%min3A_51, %dma_start3A_115, %dma_start3A_116] : memref<1250x128x128xf32, #tpu.memory_space<hbm>> -> memref<1x128x128xf32, #tpu.memory_space<hbm>>
      %dma_start3A_118 = tpu.memref_squeeze %dma_start3A_117 : memref<1x128x128xf32, #tpu.memory_space<hbm>> -> memref<128x128xf32, #tpu.memory_space<hbm>>
      %dma_start3A_119 = arith.constant 0 : i32
      %dma_start3A_120 = arith.constant 0 : i32
      %dma_start3A_121 = tpu.memref_slice %arg6[%min3A_51, %dma_start3A_119, %dma_start3A_120] : memref<1250x128x128xf32, #tpu.memory_space<hbm>> -> memref<1x128x128xf32, #tpu.memory_space<hbm>>
      %dma_start3A_122 = tpu.memref_squeeze %dma_start3A_121 : memref<1x128x128xf32, #tpu.memory_space<hbm>> -> memref<128x128xf32, #tpu.memory_space<hbm>>
      tpu.enqueue_dma source(%arg10 : memref<128x128xf32, #tpu.memory_space<vmem>>) target(%dma_start3A_122 : memref<128x128xf32, #tpu.memory_space<hbm>>) target_semaphore(%arg19 : memref<!tpu.dma_semaphore, #tpu.memory_space<semaphore_mem>>)
      %dma_start3A_123 = arith.constant 0 : i32
      %dma_start3A_124 = arith.constant 0 : i32
      %dma_start3A_125 = tpu.memref_slice %arg7[%min3A_51, %dma_start3A_123, %dma_start3A_124] : memref<1250x128x128xf32, #tpu.memory_space<hbm>> -> memref<1x128x128xf32, #tpu.memory_space<hbm>>
      %dma_start3A_126 = tpu.memref_squeeze %dma_start3A_125 : memref<1x128x128xf32, #tpu.memory_space<hbm>> -> memref<128x128xf32, #tpu.memory_space<hbm>>
      %dma_start3A_127 = arith.constant 0 : i32
      %dma_start3A_128 = arith.constant 0 : i32
      %dma_start3A_129 = tpu.memref_slice %arg7[%min3A_51, %dma_start3A_127, %dma_start3A_128] : memref<1250x128x128xf32, #tpu.memory_space<hbm>> -> memref<1x128x128xf32, #tpu.memory_space<hbm>>
      %dma_start3A_130 = tpu.memref_squeeze %dma_start3A_129 : memref<1x128x128xf32, #tpu.memory_space<hbm>> -> memref<128x128xf32, #tpu.memory_space<hbm>>
      tpu.enqueue_dma source(%arg11 : memref<128x128xf32, #tpu.memory_space<vmem>>) target(%dma_start3A_130 : memref<128x128xf32, #tpu.memory_space<hbm>>) target_semaphore(%arg20 : memref<!tpu.dma_semaphore, #tpu.memory_space<semaphore_mem>>)
      %dma_wait3A_131 = arith.constant 0 : i32
      %dma_wait3A_132 = tpu.memref_slice %arg8[%add3A_86, %dma_wait3A_131] : memref<40x128xi32, #tpu.memory_space<vmem>> -> memref<1x128xi32, #tpu.memory_space<vmem>>
      %dma_wait3A_133 = tpu.memref_squeeze %dma_wait3A_132 : memref<1x128xi32, #tpu.memory_space<vmem>> -> memref<128xi32, #tpu.memory_space<vmem>>
      %dma_wait3A_134 = arith.constant 0 : i32
      %dma_wait3A_135 = arith.constant 0 : i32
      %dma_wait3A_136 = tpu.memref_slice %arg14[%dma_wait3A_134, %dma_wait3A_135] : memref<5120x128xf32, #tpu.memory_space<vmem_shared>> -> memref<5120x128xf32, #tpu.memory_space<vmem_shared>>
      tpu.wait_indirect_dma semaphore(%arg17 : memref<!tpu.dma_semaphore, #tpu.memory_space<semaphore_mem>>) src(%dma_wait3A_136 : memref<5120x128xf32, #tpu.memory_space<vmem_shared>>) dst(%arg12 : memref<128x128xf32, #tpu.memory_space<vmem>>)
      %dma_wait3A_137 = arith.constant 0 : i32
      %dma_wait3A_138 = tpu.memref_slice %arg9[%add3A_96, %dma_wait3A_137] : memref<40x128xi32, #tpu.memory_space<vmem>> -> memref<1x128xi32, #tpu.memory_space<vmem>>
      %dma_wait3A_139 = tpu.memref_squeeze %dma_wait3A_138 : memref<1x128xi32, #tpu.memory_space<vmem>> -> memref<128xi32, #tpu.memory_space<vmem>>
      %dma_wait3A_140 = arith.constant 0 : i32
      %dma_wait3A_141 = arith.constant 0 : i32
      %dma_wait3A_142 = tpu.memref_slice %arg3[%dma_wait3A_140, %dma_wait3A_141] : memref<5120x128xf32, #tpu.memory_space<hbm>> -> memref<5120x128xf32, #tpu.memory_space<hbm>>
      tpu.wait_indirect_dma semaphore(%arg18 : memref<!tpu.dma_semaphore, #tpu.memory_space<semaphore_mem>>) src(%dma_wait3A_142 : memref<5120x128xf32, #tpu.memory_space<hbm>>) dst(%arg13 : memref<128x128xf32, #tpu.memory_space<vmem>>)
      %dma_start3A_143 = arith.constant 0 : i32
      %dma_start3A_144 = arith.constant 0 : i32
      %dma_start3A_145 = tpu.memref_slice %arg6[%min3A_60, %dma_start3A_143, %dma_start3A_144] : memref<1250x128x128xf32, #tpu.memory_space<hbm>> -> memref<1x128x128xf32, #tpu.memory_space<hbm>>
      %dma_start3A_146 = tpu.memref_squeeze %dma_start3A_145 : memref<1x128x128xf32, #tpu.memory_space<hbm>> -> memref<128x128xf32, #tpu.memory_space<hbm>>
      %dma_start3A_147 = arith.constant 0 : i32
      %dma_start3A_148 = arith.constant 0 : i32
      %dma_start3A_149 = tpu.memref_slice %arg6[%min3A_60, %dma_start3A_147, %dma_start3A_148] : memref<1250x128x128xf32, #tpu.memory_space<hbm>> -> memref<1x128x128xf32, #tpu.memory_space<hbm>>
      %dma_start3A_150 = tpu.memref_squeeze %dma_start3A_149 : memref<1x128x128xf32, #tpu.memory_space<hbm>> -> memref<128x128xf32, #tpu.memory_space<hbm>>
      tpu.enqueue_dma source(%arg12 : memref<128x128xf32, #tpu.memory_space<vmem>>) target(%dma_start3A_150 : memref<128x128xf32, #tpu.memory_space<hbm>>) target_semaphore(%arg21 : memref<!tpu.dma_semaphore, #tpu.memory_space<semaphore_mem>>)
      %dma_start3A_151 = arith.constant 0 : i32
      %dma_start3A_152 = arith.constant 0 : i32
      %dma_start3A_153 = tpu.memref_slice %arg7[%min3A_60, %dma_start3A_151, %dma_start3A_152] : memref<1250x128x128xf32, #tpu.memory_space<hbm>> -> memref<1x128x128xf32, #tpu.memory_space<hbm>>
      %dma_start3A_154 = tpu.memref_squeeze %dma_start3A_153 : memref<1x128x128xf32, #tpu.memory_space<hbm>> -> memref<128x128xf32, #tpu.memory_space<hbm>>
      %dma_start3A_155 = arith.constant 0 : i32
      %dma_start3A_156 = arith.constant 0 : i32
      %dma_start3A_157 = tpu.memref_slice %arg7[%min3A_60, %dma_start3A_155, %dma_start3A_156] : memref<1250x128x128xf32, #tpu.memory_space<hbm>> -> memref<1x128x128xf32, #tpu.memory_space<hbm>>
      %dma_start3A_158 = tpu.memref_squeeze %dma_start3A_157 : memref<1x128x128xf32, #tpu.memory_space<hbm>> -> memref<128x128xf32, #tpu.memory_space<hbm>>
      tpu.enqueue_dma source(%arg13 : memref<128x128xf32, #tpu.memory_space<vmem>>) target(%dma_start3A_158 : memref<128x128xf32, #tpu.memory_space<hbm>>) target_semaphore(%arg22 : memref<!tpu.dma_semaphore, #tpu.memory_space<semaphore_mem>>)
    }
    %scan3A_9 = arith.constant 20 : i32
    %dma_wait3A = arith.constant 0 : i32
    %dma_wait3A_10 = arith.constant 0 : i32
    %dma_wait3A_11 = arith.constant 0 : i32
    %dma_wait3A_12 = tpu.memref_slice %arg6[%dma_wait3A, %dma_wait3A_10, %dma_wait3A_11] : memref<1250x128x128xf32, #tpu.memory_space<hbm>> -> memref<1x128x128xf32, #tpu.memory_space<hbm>>
    %dma_wait3A_13 = tpu.memref_squeeze %dma_wait3A_12 : memref<1x128x128xf32, #tpu.memory_space<hbm>> -> memref<128x128xf32, #tpu.memory_space<hbm>>
    %dma_wait3A_14 = arith.constant 0 : i32
    %dma_wait3A_15 = arith.constant 0 : i32
    %dma_wait3A_16 = tpu.memref_slice %arg6[%dma_wait3A, %dma_wait3A_14, %dma_wait3A_15] : memref<1250x128x128xf32, #tpu.memory_space<hbm>> -> memref<1x128x128xf32, #tpu.memory_space<hbm>>
    %dma_wait3A_17 = tpu.memref_squeeze %dma_wait3A_16 : memref<1x128x128xf32, #tpu.memory_space<hbm>> -> memref<128x128xf32, #tpu.memory_space<hbm>>
    tpu.wait_dma2 semaphore(%arg19 : memref<!tpu.dma_semaphore, #tpu.memory_space<semaphore_mem>>) src(%arg10 : memref<128x128xf32, #tpu.memory_space<vmem>>) dst(%dma_wait3A_17 : memref<128x128xf32, #tpu.memory_space<hbm>>)
    %dma_wait3A_18 = arith.constant 0 : i32
    %dma_wait3A_19 = arith.constant 0 : i32
    %dma_wait3A_20 = arith.constant 0 : i32
    %dma_wait3A_21 = tpu.memref_slice %arg7[%dma_wait3A_18, %dma_wait3A_19, %dma_wait3A_20] : memref<1250x128x128xf32, #tpu.memory_space<hbm>> -> memref<1x128x128xf32, #tpu.memory_space<hbm>>
    %dma_wait3A_22 = tpu.memref_squeeze %dma_wait3A_21 : memref<1x128x128xf32, #tpu.memory_space<hbm>> -> memref<128x128xf32, #tpu.memory_space<hbm>>
    %dma_wait3A_23 = arith.constant 0 : i32
    %dma_wait3A_24 = arith.constant 0 : i32
    %dma_wait3A_25 = tpu.memref_slice %arg7[%dma_wait3A_18, %dma_wait3A_23, %dma_wait3A_24] : memref<1250x128x128xf32, #tpu.memory_space<hbm>> -> memref<1x128x128xf32, #tpu.memory_space<hbm>>
    %dma_wait3A_26 = tpu.memref_squeeze %dma_wait3A_25 : memref<1x128x128xf32, #tpu.memory_space<hbm>> -> memref<128x128xf32, #tpu.memory_space<hbm>>
    tpu.wait_dma2 semaphore(%arg20 : memref<!tpu.dma_semaphore, #tpu.memory_space<semaphore_mem>>) src(%arg11 : memref<128x128xf32, #tpu.memory_space<vmem>>) dst(%dma_wait3A_26 : memref<128x128xf32, #tpu.memory_space<hbm>>)
    %dma_wait3A_27 = arith.constant 0 : i32
    %dma_wait3A_28 = arith.constant 0 : i32
    %dma_wait3A_29 = arith.constant 0 : i32
    %dma_wait3A_30 = tpu.memref_slice %arg6[%dma_wait3A_27, %dma_wait3A_28, %dma_wait3A_29] : memref<1250x128x128xf32, #tpu.memory_space<hbm>> -> memref<1x128x128xf32, #tpu.memory_space<hbm>>
    %dma_wait3A_31 = tpu.memref_squeeze %dma_wait3A_30 : memref<1x128x128xf32, #tpu.memory_space<hbm>> -> memref<128x128xf32, #tpu.memory_space<hbm>>
    %dma_wait3A_32 = arith.constant 0 : i32
    %dma_wait3A_33 = arith.constant 0 : i32
    %dma_wait3A_34 = tpu.memref_slice %arg6[%dma_wait3A_27, %dma_wait3A_32, %dma_wait3A_33] : memref<1250x128x128xf32, #tpu.memory_space<hbm>> -> memref<1x128x128xf32, #tpu.memory_space<hbm>>
    %dma_wait3A_35 = tpu.memref_squeeze %dma_wait3A_34 : memref<1x128x128xf32, #tpu.memory_space<hbm>> -> memref<128x128xf32, #tpu.memory_space<hbm>>
    tpu.wait_dma2 semaphore(%arg21 : memref<!tpu.dma_semaphore, #tpu.memory_space<semaphore_mem>>) src(%arg12 : memref<128x128xf32, #tpu.memory_space<vmem>>) dst(%dma_wait3A_35 : memref<128x128xf32, #tpu.memory_space<hbm>>)
    %dma_wait3A_36 = arith.constant 0 : i32
    %dma_wait3A_37 = arith.constant 0 : i32
    %dma_wait3A_38 = arith.constant 0 : i32
    %dma_wait3A_39 = tpu.memref_slice %arg7[%dma_wait3A_36, %dma_wait3A_37, %dma_wait3A_38] : memref<1250x128x128xf32, #tpu.memory_space<hbm>> -> memref<1x128x128xf32, #tpu.memory_space<hbm>>
    %dma_wait3A_40 = tpu.memref_squeeze %dma_wait3A_39 : memref<1x128x128xf32, #tpu.memory_space<hbm>> -> memref<128x128xf32, #tpu.memory_space<hbm>>
    %dma_wait3A_41 = arith.constant 0 : i32
    %dma_wait3A_42 = arith.constant 0 : i32
    %dma_wait3A_43 = tpu.memref_slice %arg7[%dma_wait3A_36, %dma_wait3A_41, %dma_wait3A_42] : memref<1250x128x128xf32, #tpu.memory_space<hbm>> -> memref<1x128x128xf32, #tpu.memory_space<hbm>>
    %dma_wait3A_44 = tpu.memref_squeeze %dma_wait3A_43 : memref<1x128x128xf32, #tpu.memory_space<hbm>> -> memref<128x128xf32, #tpu.memory_space<hbm>>
    tpu.wait_dma2 semaphore(%arg22 : memref<!tpu.dma_semaphore, #tpu.memory_space<semaphore_mem>>) src(%arg13 : memref<128x128xf32, #tpu.memory_space<vmem>>) dst(%dma_wait3A_44 : memref<128x128xf32, #tpu.memory_space<hbm>>)
    return
  }
}

module attributes {stable_mosaic.version = 14 : i64} {
  func.func @_proj_body(%arg0: i32, %arg1: memref<1000x128xf32, #tpu.memory_space<vmem>>, %arg2: memref<128x128xf32, #tpu.memory_space<vmem>>, %arg3: memref<1000x128xf32, #tpu.memory_space<vmem>>, %arg4: memref<128x128xf32, #tpu.memory_space<vmem>>, %arg5: memref<1x128xf32, #tpu.memory_space<vmem>>, %arg6: memref<5x128xf32, #tpu.memory_space<vmem>>, %arg7: memref<128x128xf32, #tpu.memory_space<vmem>>, %arg8: memref<1x128xf32, #tpu.memory_space<vmem>>, %arg9: memref<1000x128xf32, #tpu.memory_space<vmem>>, %arg10: memref<1000x128xf32, #tpu.memory_space<vmem>>, %arg11: memref<5x128xf32, #tpu.memory_space<vmem>>) attributes {dimension_semantics = [#tpu.dimension_semantics<arbitrary>], iteration_bounds = array<i64: 5>, scalar_prefetch = 0 : i64, scratch_operands = 0 : i64, tpu.core_type = #tpu.core_type<tc>, window_params = [{transform_indices = @transform_0, window_bounds = array<i64: 1000, 128>}, {pipeline_mode = #tpu.pipeline_mode<synchronous>, transform_indices = @transform_1, window_bounds = array<i64: 128, 128>}, {transform_indices = @transform_2, window_bounds = array<i64: 1000, 128>}, {pipeline_mode = #tpu.pipeline_mode<synchronous>, transform_indices = @transform_3, window_bounds = array<i64: 128, 128>}, {pipeline_mode = #tpu.pipeline_mode<synchronous>, transform_indices = @transform_4, window_bounds = array<i64: 1, 128>}, {pipeline_mode = #tpu.pipeline_mode<synchronous>, transform_indices = @transform_5, window_bounds = array<i64: 5, 128>}, {pipeline_mode = #tpu.pipeline_mode<synchronous>, transform_indices = @transform_6, window_bounds = array<i64: 128, 128>}, {pipeline_mode = #tpu.pipeline_mode<synchronous>, transform_indices = @transform_7, window_bounds = array<i64: 1, 128>}, {transform_indices = @transform_8, window_bounds = array<i64: 1000, 128>}, {transform_indices = @transform_9, window_bounds = array<i64: 1000, 128>}, {pipeline_mode = #tpu.pipeline_mode<synchronous>, transform_indices = @transform_10, window_bounds = array<i64: 5, 128>}]} {
    %get3A = arith.constant 0 : index
    %get3A_0 = arith.constant 0 : index
    %get3A_1 = vector.load %arg1[%get3A, %get3A_0] : memref<1000x128xf32, #tpu.memory_space<vmem>>, vector<1000x128xf32>
    %get3A_2 = arith.constant 0 : index
    %get3A_3 = arith.constant 0 : index
    %get3A_4 = vector.load %arg2[%get3A_2, %get3A_3] : memref<128x128xf32, #tpu.memory_space<vmem>>, vector<128x128xf32>
    %dot_general3A = arith.constant dense<0.000000e+00> : vector<1000x128xf32>
    %dot_general3A_5 = tpu.matmul %get3A_1, %get3A_4, %dot_general3A {dimension_numbers = #tpu.dot_dimension_numbers<[1], [0], [0], [1], [0, 0, 1, 1], [], []>, transpose_lhs_hint = false} : vector<1000x128xf32>, vector<128x128xf32>, vector<1000x128xf32> -> vector<1000x128xf32>
    %swap3A = arith.constant 0 : index
    %swap3A_6 = arith.constant 0 : index
    %swap3A_7 = vector.load %arg9[%swap3A, %swap3A_6] : memref<1000x128xf32, #tpu.memory_space<vmem>>, vector<1000x128xf32>
    tpu.vector_store %arg9[%swap3A, %swap3A_6], %dot_general3A_5 {strides = array<i32>} : memref<1000x128xf32, #tpu.memory_space<vmem>>, vector<1000x128xf32>,
    %get3A_8 = arith.constant 0 : index
    %get3A_9 = arith.constant 0 : index
    %get3A_10 = vector.load %arg3[%get3A_8, %get3A_9] : memref<1000x128xf32, #tpu.memory_space<vmem>>, vector<1000x128xf32>
    %get3A_11 = arith.constant 0 : index
    %get3A_12 = arith.constant 0 : index
    %get3A_13 = vector.load %arg4[%get3A_11, %get3A_12] : memref<128x128xf32, #tpu.memory_space<vmem>>, vector<128x128xf32>
    %dot_general3A_14 = arith.constant dense<0.000000e+00> : vector<1000x128xf32>
    %dot_general3A_15 = tpu.matmul %get3A_10, %get3A_13, %dot_general3A_14 {dimension_numbers = #tpu.dot_dimension_numbers<[1], [0], [0], [1], [0, 0, 1, 1], [], []>, transpose_lhs_hint = false} : vector<1000x128xf32>, vector<128x128xf32>, vector<1000x128xf32> -> vector<1000x128xf32>
    %get3A_16 = arith.constant 0 : index
    %get3A_17 = arith.constant 0 : index
    %get3A_18 = vector.load %arg5[%get3A_16, %get3A_17] : memref<1x128xf32, #tpu.memory_space<vmem>>, vector<1x128xf32>
    %add3A = vector.broadcast %get3A_18 : vector<1x128xf32> to vector<1000x128xf32>
    %add3A_19 = arith.addf %dot_general3A_15, %add3A : vector<1000x128xf32>
    %swap3A_20 = arith.constant 0 : index
    %swap3A_21 = arith.constant 0 : index
    %swap3A_22 = vector.load %arg10[%swap3A_20, %swap3A_21] : memref<1000x128xf32, #tpu.memory_space<vmem>>, vector<1000x128xf32>
    tpu.vector_store %arg10[%swap3A_20, %swap3A_21], %add3A_19 {strides = array<i32>} : memref<1000x128xf32, #tpu.memory_space<vmem>>, vector<1000x128xf32>,
    %eq3A = arith.constant 0 : i32
    %eq3A_23 = arith.cmpi eq, %arg0, %eq3A : i32
    %convert_element_type3A = arith.extui %eq3A_23 : i1 to i32
    %cond3A = arith.constant 0 : i32
    %cond3A_24 = arith.cmpi ne, %convert_element_type3A, %cond3A : i32
    scf.if %cond3A_24 {
      %get3A_25 = arith.constant 0 : index
      %get3A_26 = arith.constant 0 : index
      %get3A_27 = vector.load %arg6[%get3A_25, %get3A_26] : memref<5x128xf32, #tpu.memory_space<vmem>>, vector<5x128xf32>
      %get3A_28 = arith.constant 0 : index
      %get3A_29 = arith.constant 0 : index
      %get3A_30 = vector.load %arg7[%get3A_28, %get3A_29] : memref<128x128xf32, #tpu.memory_space<vmem>>, vector<128x128xf32>
      %dot_general3A_31 = arith.constant dense<0.000000e+00> : vector<5x128xf32>
      %dot_general3A_32 = tpu.matmul %get3A_27, %get3A_30, %dot_general3A_31 {dimension_numbers = #tpu.dot_dimension_numbers<[1], [0], [0], [1], [0, 0, 1, 1], [], []>, transpose_lhs_hint = false} : vector<5x128xf32>, vector<128x128xf32>, vector<5x128xf32> -> vector<5x128xf32>
      %get3A_33 = arith.constant 0 : index
      %get3A_34 = arith.constant 0 : index
      %get3A_35 = vector.load %arg8[%get3A_33, %get3A_34] : memref<1x128xf32, #tpu.memory_space<vmem>>, vector<1x128xf32>
      %add3A_36 = vector.broadcast %get3A_35 : vector<1x128xf32> to vector<5x128xf32>
      %add3A_37 = arith.addf %dot_general3A_32, %add3A_36 : vector<5x128xf32>
      %swap3A_38 = arith.constant 0 : index
      %swap3A_39 = arith.constant 0 : index
      %swap3A_40 = vector.load %arg11[%swap3A_38, %swap3A_39] : memref<5x128xf32, #tpu.memory_space<vmem>>, vector<5x128xf32>
      tpu.vector_store %arg11[%swap3A_38, %swap3A_39], %add3A_37 {strides = array<i32>} : memref<5x128xf32, #tpu.memory_space<vmem>>, vector<5x128xf32>,
    } else {
    }
    return
  }
  func.func @transform_0(%arg0: i32) -> (i32, i32) {
    %c0_i32 = arith.constant 0 : i32
    %c0_i32_0 = arith.constant 0 : i32
    return %arg0, %c0_i32 : i32, i32
  }
  func.func @transform_1(%arg0: i32) -> (i32, i32) {
    %c0_i32 = arith.constant 0 : i32
    %c0_i32_0 = arith.constant 0 : i32
    %c0_i32_1 = arith.constant 0 : i32
    return %c0_i32, %c0_i32_0 : i32, i32
  }
  func.func @transform_2(%arg0: i32) -> (i32, i32) {
    %c0_i32 = arith.constant 0 : i32
    %c0_i32_0 = arith.constant 0 : i32
    return %arg0, %c0_i32 : i32, i32
  }
  func.func @transform_3(%arg0: i32) -> (i32, i32) {
    %c0_i32 = arith.constant 0 : i32
    %c0_i32_0 = arith.constant 0 : i32
    %c0_i32_1 = arith.constant 0 : i32
    return %c0_i32, %c0_i32_0 : i32, i32
  }
  func.func @transform_4(%arg0: i32) -> (i32, i32) {
    %c0_i32 = arith.constant 0 : i32
    %c0_i32_0 = arith.constant 0 : i32
    %c0_i32_1 = arith.constant 0 : i32
    return %c0_i32, %c0_i32_0 : i32, i32
  }
  func.func @transform_5(%arg0: i32) -> (i32, i32) {
    %c0_i32 = arith.constant 0 : i32
    %c0_i32_0 = arith.constant 0 : i32
    %c0_i32_1 = arith.constant 0 : i32
    return %c0_i32, %c0_i32_0 : i32, i32
  }
  func.func @transform_6(%arg0: i32) -> (i32, i32) {
    %c0_i32 = arith.constant 0 : i32
    %c0_i32_0 = arith.constant 0 : i32
    %c0_i32_1 = arith.constant 0 : i32
    return %c0_i32, %c0_i32_0 : i32, i32
  }
  func.func @transform_7(%arg0: i32) -> (i32, i32) {
    %c0_i32 = arith.constant 0 : i32
    %c0_i32_0 = arith.constant 0 : i32
    %c0_i32_1 = arith.constant 0 : i32
    return %c0_i32, %c0_i32_0 : i32, i32
  }
  func.func @transform_8(%arg0: i32) -> (i32, i32) {
    %c0_i32 = arith.constant 0 : i32
    %c0_i32_0 = arith.constant 0 : i32
    return %arg0, %c0_i32 : i32, i32
  }
  func.func @transform_9(%arg0: i32) -> (i32, i32) {
    %c0_i32 = arith.constant 0 : i32
    %c0_i32_0 = arith.constant 0 : i32
    return %arg0, %c0_i32 : i32, i32
  }
  func.func @transform_10(%arg0: i32) -> (i32, i32) {
    %c0_i32 = arith.constant 0 : i32
    %c0_i32_0 = arith.constant 0 : i32
    %c0_i32_1 = arith.constant 0 : i32
    return %c0_i32, %c0_i32_0 : i32, i32
  }
}

module attributes {stable_mosaic.version = 14 : i64} {
  func.func @_edge_body(%arg0: i32, %arg1: memref<2000x128xf32, #tpu.memory_space<vmem>>, %arg2: memref<2000x128xf32, #tpu.memory_space<vmem>>, %arg3: memref<1x1x2000xi32, #tpu.memory_space<vmem>>, %arg4: memref<8x128xf32, #tpu.memory_space<vmem>>, %arg5: memref<128x128xf32, #tpu.memory_space<vmem>>, %arg6: memref<1x128xf32, #tpu.memory_space<vmem>>, %arg7: memref<128x128xf32, #tpu.memory_space<vmem>>, %arg8: memref<128x128xf32, #tpu.memory_space<vmem>>, %arg9: memref<1x128xf32, #tpu.memory_space<vmem>>, %arg10: memref<128x1xf32, #tpu.memory_space<vmem>>, %arg11: memref<1x1xf32, #tpu.memory_space<vmem>>, %arg12: memref<2000x128xf32, #tpu.memory_space<vmem>>, %arg13: memref<1x1x2000xf32, #tpu.memory_space<vmem>>) attributes {dimension_semantics = [#tpu.dimension_semantics<arbitrary>], iteration_bounds = array<i64: 80>, scalar_prefetch = 0 : i64, scratch_operands = 0 : i64, tpu.core_type = #tpu.core_type<tc>, window_params = [{transform_indices = @transform_0, window_bounds = array<i64: 2000, 128>}, {transform_indices = @transform_1, window_bounds = array<i64: 2000, 128>}, {transform_indices = @transform_2, window_bounds = array<i64: 1, 1, 2000>}, {pipeline_mode = #tpu.pipeline_mode<synchronous>, transform_indices = @transform_3, window_bounds = array<i64: 8, 128>}, {pipeline_mode = #tpu.pipeline_mode<synchronous>, transform_indices = @transform_4, window_bounds = array<i64: 128, 128>}, {pipeline_mode = #tpu.pipeline_mode<synchronous>, transform_indices = @transform_5, window_bounds = array<i64: 1, 128>}, {pipeline_mode = #tpu.pipeline_mode<synchronous>, transform_indices = @transform_6, window_bounds = array<i64: 128, 128>}, {pipeline_mode = #tpu.pipeline_mode<synchronous>, transform_indices = @transform_7, window_bounds = array<i64: 128, 128>}, {pipeline_mode = #tpu.pipeline_mode<synchronous>, transform_indices = @transform_8, window_bounds = array<i64: 1, 128>}, {pipeline_mode = #tpu.pipeline_mode<synchronous>, transform_indices = @transform_9, window_bounds = array<i64: 128, 1>}, {pipeline_mode = #tpu.pipeline_mode<synchronous>, transform_indices = @transform_10, window_bounds = array<i64: 1, 1>}, {transform_indices = @transform_11, window_bounds = array<i64: 2000, 128>}, {transform_indices = @transform_12, window_bounds = array<i64: 1, 1, 2000>}]} {
    %get3A = arith.constant 0 : index
    %get3A_0 = arith.constant 0 : index
    %get3A_1 = arith.constant 0 : index
    %get3A_2 = vector.load %arg3[%get3A, %get3A_0, %get3A_1] : memref<1x1x2000xi32, #tpu.memory_space<vmem>>, vector<1x1x2000xi32>
    %get3A_3 = vector.shape_cast %get3A_2 : vector<1x1x2000xi32> to vector<1x2000xi32>
    %iota3A = tpu.iota {dimensions = array<i32: 0>} : vector<8x2000xi32>
    %eq3A = vector.broadcast %get3A_3 : vector<1x2000xi32> to vector<8x2000xi32>
    %eq3A_4 = arith.cmpi eq, %iota3A, %eq3A : vector<8x2000xi32>
    %convert_element_type3A = arith.extui %eq3A_4 : vector<8x2000xi1> to vector<8x2000xi32>
    %convert_element_type3A_5 = arith.sitofp %convert_element_type3A : vector<8x2000xi32> to vector<8x2000xf32>
    %get3A_6 = arith.constant 0 : index
    %get3A_7 = arith.constant 0 : index
    %get3A_8 = vector.load %arg4[%get3A_6, %get3A_7] : memref<8x128xf32, #tpu.memory_space<vmem>>, vector<8x128xf32>
    %dot_general3A = arith.constant dense<0.000000e+00> : vector<2000x128xf32>
    %dot_general3A_9 = tpu.matmul %convert_element_type3A_5, %get3A_8, %dot_general3A {dimension_numbers = #tpu.dot_dimension_numbers<[0], [0], [1], [1], [0, 1, 1, 1], [], []>, transpose_lhs_hint = false} : vector<8x2000xf32>, vector<8x128xf32>, vector<2000x128xf32> -> vector<2000x128xf32>
    %get3A_10 = arith.constant 0 : index
    %get3A_11 = arith.constant 0 : index
    %get3A_12 = vector.load %arg1[%get3A_10, %get3A_11] : memref<2000x128xf32, #tpu.memory_space<vmem>>, vector<2000x128xf32>
    %add3A = arith.addf %get3A_12, %dot_general3A_9 : vector<2000x128xf32>
    %max3A = arith.constant 0.000000e+00 : f32
    %max3A_13 = vector.broadcast %max3A : f32 to vector<2000x128xf32>
    %max3A_14 = arith.maximumf %add3A, %max3A_13 : vector<2000x128xf32>
    %get3A_15 = arith.constant 0 : index
    %get3A_16 = arith.constant 0 : index
    %get3A_17 = vector.load %arg5[%get3A_15, %get3A_16] : memref<128x128xf32, #tpu.memory_space<vmem>>, vector<128x128xf32>
    %dot_general3A_18 = arith.constant dense<0.000000e+00> : vector<2000x128xf32>
    %dot_general3A_19 = tpu.matmul %max3A_14, %get3A_17, %dot_general3A_18 {dimension_numbers = #tpu.dot_dimension_numbers<[1], [0], [0], [1], [0, 0, 1, 1], [], []>, transpose_lhs_hint = false} : vector<2000x128xf32>, vector<128x128xf32>, vector<2000x128xf32> -> vector<2000x128xf32>
    %get3A_20 = arith.constant 0 : index
    %get3A_21 = arith.constant 0 : index
    %get3A_22 = vector.load %arg6[%get3A_20, %get3A_21] : memref<1x128xf32, #tpu.memory_space<vmem>>, vector<1x128xf32>
    %add3A_23 = vector.broadcast %get3A_22 : vector<1x128xf32> to vector<2000x128xf32>
    %add3A_24 = arith.addf %dot_general3A_19, %add3A_23 : vector<2000x128xf32>
    %max3A_25 = arith.constant 0.000000e+00 : f32
    %max3A_26 = vector.broadcast %max3A_25 : f32 to vector<2000x128xf32>
    %max3A_27 = arith.maximumf %add3A_24, %max3A_26 : vector<2000x128xf32>
    %get3A_28 = arith.constant 0 : index
    %get3A_29 = arith.constant 0 : index
    %get3A_30 = vector.load %arg7[%get3A_28, %get3A_29] : memref<128x128xf32, #tpu.memory_space<vmem>>, vector<128x128xf32>
    %dot_general3A_31 = arith.constant dense<0.000000e+00> : vector<2000x128xf32>
    %dot_general3A_32 = tpu.matmul %max3A_27, %get3A_30, %dot_general3A_31 {dimension_numbers = #tpu.dot_dimension_numbers<[1], [0], [0], [1], [0, 0, 1, 1], [], []>, transpose_lhs_hint = false} : vector<2000x128xf32>, vector<128x128xf32>, vector<2000x128xf32> -> vector<2000x128xf32>
    %get3A_33 = arith.constant 0 : index
    %get3A_34 = arith.constant 0 : index
    %get3A_35 = vector.load %arg2[%get3A_33, %get3A_34] : memref<2000x128xf32, #tpu.memory_space<vmem>>, vector<2000x128xf32>
    %add3A_36 = arith.addf %dot_general3A_32, %get3A_35 : vector<2000x128xf32>
    %max3A_37 = arith.constant 0.000000e+00 : f32
    %max3A_38 = vector.broadcast %max3A_37 : f32 to vector<2000x128xf32>
    %max3A_39 = arith.maximumf %add3A_36, %max3A_38 : vector<2000x128xf32>
    %get3A_40 = arith.constant 0 : index
    %get3A_41 = arith.constant 0 : index
    %get3A_42 = vector.load %arg8[%get3A_40, %get3A_41] : memref<128x128xf32, #tpu.memory_space<vmem>>, vector<128x128xf32>
    %dot_general3A_43 = arith.constant dense<0.000000e+00> : vector<2000x128xf32>
    %dot_general3A_44 = tpu.matmul %max3A_39, %get3A_42, %dot_general3A_43 {dimension_numbers = #tpu.dot_dimension_numbers<[1], [0], [0], [1], [0, 0, 1, 1], [], []>, transpose_lhs_hint = false} : vector<2000x128xf32>, vector<128x128xf32>, vector<2000x128xf32> -> vector<2000x128xf32>
    %get3A_45 = arith.constant 0 : index
    %get3A_46 = arith.constant 0 : index
    %get3A_47 = vector.load %arg9[%get3A_45, %get3A_46] : memref<1x128xf32, #tpu.memory_space<vmem>>, vector<1x128xf32>
    %add3A_48 = vector.broadcast %get3A_47 : vector<1x128xf32> to vector<2000x128xf32>
    %add3A_49 = arith.addf %dot_general3A_44, %add3A_48 : vector<2000x128xf32>
    %max3A_50 = arith.constant 0.000000e+00 : f32
    %max3A_51 = vector.broadcast %max3A_50 : f32 to vector<2000x128xf32>
    %max3A_52 = arith.maximumf %add3A_49, %max3A_51 : vector<2000x128xf32>
    %get3A_53 = arith.constant 0 : index
    %get3A_54 = arith.constant 0 : index
    %get3A_55 = vector.load %arg10[%get3A_53, %get3A_54] : memref<128x1xf32, #tpu.memory_space<vmem>>, vector<128x1xf32>
    %dot_general3A_56 = arith.constant dense<0.000000e+00> : vector<2000x1xf32>
    %dot_general3A_57 = tpu.matmul %max3A_52, %get3A_55, %dot_general3A_56 {dimension_numbers = #tpu.dot_dimension_numbers<[1], [0], [0], [1], [0, 0, 1, 1], [], []>, transpose_lhs_hint = false} : vector<2000x128xf32>, vector<128x1xf32>, vector<2000x1xf32> -> vector<2000x1xf32>
    %get3A_58 = arith.constant 0 : index
    %get3A_59 = arith.constant 0 : index
    %get3A_60 = vector.load %arg11[%get3A_58, %get3A_59] : memref<1x1xf32, #tpu.memory_space<vmem>>, vector<1x1xf32>
    %get3A_61 = vector.extract %get3A_60[0, 0] : f32 from vector<1x1xf32>
    %add3A_62 = vector.broadcast %get3A_61 : f32 to vector<2000x1xf32>
    %add3A_63 = arith.addf %dot_general3A_57, %add3A_62 : vector<2000x1xf32>
    %jit3A = arith.constant -6.000000e+01 : f32
    %jit3A_64 = arith.constant 6.000000e+01 : f32
    %max3A_65 = vector.broadcast %jit3A : f32 to vector<2000x1xf32>
    %max3A_66 = arith.maximumf %max3A_65, %add3A_63 : vector<2000x1xf32>
    %min3A = vector.broadcast %jit3A_64 : f32 to vector<2000x1xf32>
    %min3A_67 = arith.minimumf %min3A, %max3A_66 : vector<2000x1xf32>
    %exp3A = math.exp %min3A_67 : vector<2000x1xf32>
    %mul3A = vector.broadcast %exp3A : vector<2000x1xf32> to vector<2000x128xf32>
    %mul3A_68 = arith.mulf %max3A_27, %mul3A : vector<2000x128xf32>
    %swap3A = arith.constant 0 : index
    %swap3A_69 = arith.constant 0 : index
    %swap3A_70 = vector.load %arg12[%swap3A, %swap3A_69] : memref<2000x128xf32, #tpu.memory_space<vmem>>, vector<2000x128xf32>
    tpu.vector_store %arg12[%swap3A, %swap3A_69], %mul3A_68 {strides = array<i32>} : memref<2000x128xf32, #tpu.memory_space<vmem>>, vector<2000x128xf32>,
    %transpose3A = tpu.transpose %exp3A, [1, 0] : vector<2000x1xf32> -> vector<1x2000xf32>
    %reshape3A = vector.shape_cast %transpose3A : vector<1x2000xf32> to vector<1x1x2000xf32>
    %swap3A_71 = arith.constant 0 : index
    %swap3A_72 = arith.constant 0 : index
    %swap3A_73 = arith.constant 0 : index
    %swap3A_74 = vector.load %arg13[%swap3A_71, %swap3A_72, %swap3A_73] : memref<1x1x2000xf32, #tpu.memory_space<vmem>>, vector<1x1x2000xf32>
    tpu.vector_store %arg13[%swap3A_71, %swap3A_72, %swap3A_73], %reshape3A {strides = array<i32>} : memref<1x1x2000xf32, #tpu.memory_space<vmem>>, vector<1x1x2000xf32>,
    return
  }
  func.func @transform_0(%arg0: i32) -> (i32, i32) {
    %c0_i32 = arith.constant 0 : i32
    %c0_i32_0 = arith.constant 0 : i32
    return %arg0, %c0_i32 : i32, i32
  }
  func.func @transform_1(%arg0: i32) -> (i32, i32) {
    %c0_i32 = arith.constant 0 : i32
    %c0_i32_0 = arith.constant 0 : i32
    return %arg0, %c0_i32 : i32, i32
  }
  func.func @transform_2(%arg0: i32) -> (i32, i32, i32) {
    %c0_i32 = arith.constant 0 : i32
    %c0_i32_0 = arith.constant 0 : i32
    %c0_i32_1 = arith.constant 0 : i32
    return %arg0, %c0_i32, %c0_i32_0 : i32, i32, i32
  }
  func.func @transform_3(%arg0: i32) -> (i32, i32) {
    %c0_i32 = arith.constant 0 : i32
    %c0_i32_0 = arith.constant 0 : i32
    %c0_i32_1 = arith.constant 0 : i32
    return %c0_i32, %c0_i32_0 : i32, i32
  }
  func.func @transform_4(%arg0: i32) -> (i32, i32) {
    %c0_i32 = arith.constant 0 : i32
    %c0_i32_0 = arith.constant 0 : i32
    %c0_i32_1 = arith.constant 0 : i32
    return %c0_i32, %c0_i32_0 : i32, i32
  }
  func.func @transform_5(%arg0: i32) -> (i32, i32) {
    %c0_i32 = arith.constant 0 : i32
    %c0_i32_0 = arith.constant 0 : i32
    %c0_i32_1 = arith.constant 0 : i32
    return %c0_i32, %c0_i32_0 : i32, i32
  }
  func.func @transform_6(%arg0: i32) -> (i32, i32) {
    %c0_i32 = arith.constant 0 : i32
    %c0_i32_0 = arith.constant 0 : i32
    %c0_i32_1 = arith.constant 0 : i32
    return %c0_i32, %c0_i32_0 : i32, i32
  }
  func.func @transform_7(%arg0: i32) -> (i32, i32) {
    %c0_i32 = arith.constant 0 : i32
    %c0_i32_0 = arith.constant 0 : i32
    %c0_i32_1 = arith.constant 0 : i32
    return %c0_i32, %c0_i32_0 : i32, i32
  }
  func.func @transform_8(%arg0: i32) -> (i32, i32) {
    %c0_i32 = arith.constant 0 : i32
    %c0_i32_0 = arith.constant 0 : i32
    %c0_i32_1 = arith.constant 0 : i32
    return %c0_i32, %c0_i32_0 : i32, i32
  }
  func.func @transform_9(%arg0: i32) -> (i32, i32) {
    %c0_i32 = arith.constant 0 : i32
    %c0_i32_0 = arith.constant 0 : i32
    %c0_i32_1 = arith.constant 0 : i32
    return %c0_i32, %c0_i32_0 : i32, i32
  }
  func.func @transform_10(%arg0: i32) -> (i32, i32) {
    %c0_i32 = arith.constant 0 : i32
    %c0_i32_0 = arith.constant 0 : i32
    %c0_i32_1 = arith.constant 0 : i32
    return %c0_i32, %c0_i32_0 : i32, i32
  }
  func.func @transform_11(%arg0: i32) -> (i32, i32) {
    %c0_i32 = arith.constant 0 : i32
    %c0_i32_0 = arith.constant 0 : i32
    return %arg0, %c0_i32 : i32, i32
  }
  func.func @transform_12(%arg0: i32) -> (i32, i32, i32) {
    %c0_i32 = arith.constant 0 : i32
    %c0_i32_0 = arith.constant 0 : i32
    %c0_i32_1 = arith.constant 0 : i32
    return %arg0, %c0_i32, %c0_i32_0 : i32, i32, i32
  }
}

module attributes {stable_mosaic.version = 14 : i64} {
  func.func @_final_body(%arg0: i32, %arg1: memref<4x1024x128xf32, #tpu.memory_space<vmem>>, %arg2: memref<4x1024xf32, #tpu.memory_space<vmem>>, %arg3: memref<128x128xf32, #tpu.memory_space<vmem>>, %arg4: memref<1x128xf32, #tpu.memory_space<vmem>>, %arg5: memref<1024x128xf32, #tpu.memory_space<vmem>>) attributes {dimension_semantics = [#tpu.dimension_semantics<arbitrary>], iteration_bounds = array<i64: 5>, scalar_prefetch = 0 : i64, scratch_operands = 0 : i64, tpu.core_type = #tpu.core_type<tc>, window_params = [{transform_indices = @transform_0, window_bounds = array<i64: 4, 1024, 128>}, {transform_indices = @transform_1, window_bounds = array<i64: 4, 1024>}, {pipeline_mode = #tpu.pipeline_mode<synchronous>, transform_indices = @transform_2, window_bounds = array<i64: 128, 128>}, {pipeline_mode = #tpu.pipeline_mode<synchronous>, transform_indices = @transform_3, window_bounds = array<i64: 1, 128>}, {transform_indices = @transform_4, window_bounds = array<i64: 1024, 128>}]} {
    %get3A = arith.constant 0 : index
    %get3A_0 = arith.constant 0 : index
    %get3A_1 = arith.constant 0 : index
    %get3A_2 = vector.load %arg1[%get3A, %get3A_0, %get3A_1] : memref<4x1024x128xf32, #tpu.memory_space<vmem>>, vector<1x1024x128xf32>
    %get3A_3 = vector.shape_cast %get3A_2 : vector<1x1024x128xf32> to vector<1024x128xf32>
    %get3A_4 = arith.constant 0 : index
    %get3A_5 = arith.constant 0 : index
    %get3A_6 = vector.load %arg2[%get3A_4, %get3A_5] : memref<4x1024xf32, #tpu.memory_space<vmem>>, vector<1x1024xf32>
    %get3A_7 = arith.constant 1 : index
    %get3A_8 = arith.constant 0 : index
    %get3A_9 = arith.constant 0 : index
    %get3A_10 = vector.load %arg1[%get3A_7, %get3A_8, %get3A_9] : memref<4x1024x128xf32, #tpu.memory_space<vmem>>, vector<1x1024x128xf32>
    %get3A_11 = vector.shape_cast %get3A_10 : vector<1x1024x128xf32> to vector<1024x128xf32>
    %add3A = arith.addf %get3A_3, %get3A_11 : vector<1024x128xf32>
    %get3A_12 = arith.constant 1 : index
    %get3A_13 = arith.constant 0 : index
    %get3A_14 = vector.load %arg2[%get3A_12, %get3A_13] : memref<4x1024xf32, #tpu.memory_space<vmem>>, vector<1x1024xf32>
    %add3A_15 = arith.addf %get3A_6, %get3A_14 : vector<1x1024xf32>
    %get3A_16 = arith.constant 2 : index
    %get3A_17 = arith.constant 0 : index
    %get3A_18 = arith.constant 0 : index
    %get3A_19 = vector.load %arg1[%get3A_16, %get3A_17, %get3A_18] : memref<4x1024x128xf32, #tpu.memory_space<vmem>>, vector<1x1024x128xf32>
    %get3A_20 = vector.shape_cast %get3A_19 : vector<1x1024x128xf32> to vector<1024x128xf32>
    %add3A_21 = arith.addf %add3A, %get3A_20 : vector<1024x128xf32>
    %get3A_22 = arith.constant 2 : index
    %get3A_23 = arith.constant 0 : index
    %get3A_24 = vector.load %arg2[%get3A_22, %get3A_23] : memref<4x1024xf32, #tpu.memory_space<vmem>>, vector<1x1024xf32>
    %add3A_25 = arith.addf %add3A_15, %get3A_24 : vector<1x1024xf32>
    %get3A_26 = arith.constant 3 : index
    %get3A_27 = arith.constant 0 : index
    %get3A_28 = arith.constant 0 : index
    %get3A_29 = vector.load %arg1[%get3A_26, %get3A_27, %get3A_28] : memref<4x1024x128xf32, #tpu.memory_space<vmem>>, vector<1x1024x128xf32>
    %get3A_30 = vector.shape_cast %get3A_29 : vector<1x1024x128xf32> to vector<1024x128xf32>
    %add3A_31 = arith.addf %add3A_21, %get3A_30 : vector<1024x128xf32>
    %get3A_32 = arith.constant 3 : index
    %get3A_33 = arith.constant 0 : index
    %get3A_34 = vector.load %arg2[%get3A_32, %get3A_33] : memref<4x1024xf32, #tpu.memory_space<vmem>>, vector<1x1024xf32>
    %add3A_35 = arith.addf %add3A_25, %get3A_34 : vector<1x1024xf32>
    %gt3A = arith.constant 0.000000e+00 : f32
    %gt3A_36 = vector.broadcast %gt3A : f32 to vector<1x1024xf32>
    %gt3A_37 = arith.cmpf ogt, %add3A_35, %gt3A_36 : vector<1x1024xf32>
    %div3A = arith.constant 1.000000e+00 : f32
    %div3A_38 = vector.broadcast %div3A : f32 to vector<1x1024xf32>
    %div3A_39 = arith.divf %div3A_38, %add3A_35 : vector<1x1024xf32>
    %jit3A = arith.constant 0.000000e+00 : f32
    %broadcast_in_dim3A = vector.broadcast %jit3A : f32 to vector<1x1024xf32>
    %select_n3A = arith.select %gt3A_37, %div3A_39, %broadcast_in_dim3A : vector<1x1024xi1>, vector<1x1024xf32>
    %transpose3A = tpu.transpose %select_n3A, [1, 0] : vector<1x1024xf32> -> vector<1024x1xf32>
    %mul3A = vector.broadcast %transpose3A : vector<1024x1xf32> to vector<1024x128xf32>
    %mul3A_40 = arith.mulf %add3A_31, %mul3A : vector<1024x128xf32>
    %get3A_41 = arith.constant 0 : index
    %get3A_42 = arith.constant 0 : index
    %get3A_43 = vector.load %arg3[%get3A_41, %get3A_42] : memref<128x128xf32, #tpu.memory_space<vmem>>, vector<128x128xf32>
    %dot_general3A = arith.constant dense<0.000000e+00> : vector<1024x128xf32>
    %dot_general3A_44 = tpu.matmul %mul3A_40, %get3A_43, %dot_general3A {dimension_numbers = #tpu.dot_dimension_numbers<[1], [0], [0], [1], [0, 0, 1, 1], [], []>, transpose_lhs_hint = false} : vector<1024x128xf32>, vector<128x128xf32>, vector<1024x128xf32> -> vector<1024x128xf32>
    %get3A_45 = arith.constant 0 : index
    %get3A_46 = arith.constant 0 : index
    %get3A_47 = vector.load %arg4[%get3A_45, %get3A_46] : memref<1x128xf32, #tpu.memory_space<vmem>>, vector<1x128xf32>
    %add3A_48 = vector.broadcast %get3A_47 : vector<1x128xf32> to vector<1024x128xf32>
    %add3A_49 = arith.addf %dot_general3A_44, %add3A_48 : vector<1024x128xf32>
    %swap3A = arith.constant 0 : index
    %swap3A_50 = arith.constant 0 : index
    %swap3A_51 = vector.load %arg5[%swap3A, %swap3A_50] : memref<1024x128xf32, #tpu.memory_space<vmem>>, vector<1024x128xf32>
    tpu.vector_store %arg5[%swap3A, %swap3A_50], %add3A_49 {strides = array<i32>} : memref<1024x128xf32, #tpu.memory_space<vmem>>, vector<1024x128xf32>,
    return
  }
  func.func @transform_0(%arg0: i32) -> (i32, i32, i32) {
    %c0_i32 = arith.constant 0 : i32
    %c0_i32_0 = arith.constant 0 : i32
    %c0_i32_1 = arith.constant 0 : i32
    return %c0_i32, %arg0, %c0_i32_0 : i32, i32, i32
  }
  func.func @transform_1(%arg0: i32) -> (i32, i32) {
    %c0_i32 = arith.constant 0 : i32
    %c0_i32_0 = arith.constant 0 : i32
    return %c0_i32, %arg0 : i32, i32
  }
  func.func @transform_2(%arg0: i32) -> (i32, i32) {
    %c0_i32 = arith.constant 0 : i32
    %c0_i32_0 = arith.constant 0 : i32
    %c0_i32_1 = arith.constant 0 : i32
    return %c0_i32, %c0_i32_0 : i32, i32
  }
  func.func @transform_3(%arg0: i32) -> (i32, i32) {
    %c0_i32 = arith.constant 0 : i32
    %c0_i32_0 = arith.constant 0 : i32
    %c0_i32_1 = arith.constant 0 : i32
    return %c0_i32, %c0_i32_0 : i32, i32
  }
  func.func @transform_4(%arg0: i32) -> (i32, i32) {
    %c0_i32 = arith.constant 0 : i32
    %c0_i32_0 = arith.constant 0 : i32
    return %arg0, %c0_i32 : i32, i32
  }
}

</mosaic_0001>

<sc_bundles>
// kernel: kernel.10.cloned.1.call-start
scs
__scs_entry_jumppad:
0x0: {  	(pc) =	sbr.rel $0x88, $3  }
0x1: {  	(tag) =	ssettag $0x0;
	lr =	simm.s32 $0x1  }
0x2: {  	[smem:$0x3F8F] =	sst lr;
	_ =	strace $0xD0000000  }
0x3: {  	_ = 	snop  }
0x4: {  	_ = 	snop  }
0x5: {  	_ = 	snop  }
0x6: {  	_ = 	snop  }
0x7: {  	_ = 	snop  }
__scs_overlays_trampoline_lowered:
0x8: {  	[smem:$0x3F9E] =	sst s0  }
0x9: {  	[smem:$0x3F9F] =	sst s1  }
0xa: {  	[smem:$0x3FA0] =	sst s2  }
0xb: {  	[smem:$0x3FA1] =	sst s3  }
0xc: {  	[smem:$0x3FA2] =	sst s4  }
0xd: {  	[smem:$0x3FA3] =	sst s5  }
0xe: {  	[smem:$0x3FA4] =	sst s6  }
0xf: {  	[smem:$0x3FA5] =	sst s7  }
0x10: {  	[smem:$0x3FA6] =	sst s8  }
0x11: {  	[smem:$0x3FA7] =	sst s9;
	s0 =	simm.s32 @!p0 $0x0  }
0x12: {  	s1 =	sld [smem:$0x3F8D];
	s0 =	simm.s32 @p0 $0x1  }
0x13: {  	[smem:$0x3FA8] =	sst s0;
	s0 =	simm.s32 @!p1 $0x0  }
0x14: {  	s2 =	sld [smem:$0x3F8C];
	s0 =	simm.s32 @p1 $0x1  }
0x15: {  	[smem:$0x3FA9] =	sst s0;
	s0 =	simm.s32 @!p2 $0x0  }
0x16: {  	s3 =	sld [smem:$0x3FDB];
	s0 =	simm.s32 @p2 $0x1  }
0x17: {  	s4 =	simm.s32 $0x1BF5;
	[smem:$0x3FAB] =	sst s0  }
0x18: {  	s0 =	sld [smem:$0x3F8E];
	_ =	swait.ge [sflag:s4], $0x0  }
0x19: {  	s7 =	sld [smem:$0x3F8F]  }
0x1a: {  	s8 =	sadd.s32 $0xFFFFE003, lr  }
0x1b: {  	s9 =	sadd.s32 $0xFFFFFEF7, lr;
	s5 =	simm.s32 $0xFFFFFFFF;
	p2 =	slt.u32 s8, $0xFFFFF086  }
0x1c: {  	p1 =	slt.u32 s9, $0xF7A;
	s5 =	simm.s32 @!p2 $0x0  }
0x1d: {  	s5 =	simm.s32 @p1 $0x1;
	p0 =	seq.s32 s7, s2  }
0x1e: {  	s7 =	smul.u32 @!p0 $0xF7A, s2;
	p2 =	seq.s32 @!p0 s5, $0x0  }
0x1f: {  	s9 =	smul.u32 $0xF7A, s1;
	s8 =	simm.s32 @!p0 $0x1BF5;
	p2 =	por !p2, p0  }
0x20: {  	[sflag:s8] =	ssyncset.s32 @!p0 $0xFFFFF086;
	s6 =	sadd.s32 @!p0 s3, s7;
	s7 =	simm.s32 @!p0 $0x108  }
0x21: {  	s3 =	sadd.s32 s3, s9;
	s6 =	sadd.s32 @!p0 $0x88, s6;
	s7 =	simm.s32 @p2 $0x1082  }
0x22: {  	[simem:s7], [sflag:s8] =	dma.local @!p0 [hbm:s6], $0xF7A  }
0x23: {  	s9 =	sor.u32 $0xD0000000, s2;
	s6 =	simm.s32 $0x108;
	_ =	swait.ge @!p0 [sflag:s8], $0x0  }
0x24: {  	s3 =	sadd.s32 $0x88, s3;
	s6 =	simm.s32 @!p1 $0x1082;
	[sflag:s4] =	ssyncset.s32 $0xFFFFF086  }
0x25: {  	[simem:s6], [sflag:s4] =	dma.local [hbm:s3], $0xF7A  }
0x26: {  	[smem:$0x3F8F] =	sst s1;
	(tag) =	ssettag s2;
	_ =	strace s9  }
0x27: {  	s1 =	sld [smem:$0x3F9F]  }
0x28: {  	s2 =	sld [smem:$0x3FA0]  }
0x29: {  	s4 =	sld [smem:$0x3FA2]  }
0x2a: {  	p0 =	seq.s32 s5, $0x0;
	s5 =	sld [smem:$0x3FA3]  }
0x2b: {  	s6 =	sld [smem:$0x3FA4]  }
0x2c: {  	s7 =	sld [smem:$0x3FA5]  }
0x2d: {  	s3 =	simm.s32 $0x108;
	s8 =	sld [smem:$0x3FA6]  }
0x2e: {  	s3 =	simm.s32 @!p0 $0x1082;
	s9 =	sld [smem:$0x3FA7]  }
0x2f: {  	lr =	sadd.s32 s0, s3;
	s0 =	sld [smem:$0x3F9E]  }
0x30: {  	s3 =	sld [smem:$0x3FA1]  }
0x31: {  	[smem:$0x3FAA] =	sst s10  }
0x32: {  	s10 =	sld [smem:$0x3FA8];
	_ =	sdelay $0x3  }
0x33: {  	p0 =	seq.s32 s10, $0x1;
	s10 =	sld [smem:$0x3FAA];
	_ =	sdelay $0x3  }
0x34: {  	[smem:$0x3FAA] =	sst s10  }
0x35: {  	s10 =	sld [smem:$0x3FA9];
	_ =	sdelay $0x3  }
0x36: {  	p1 =	seq.s32 s10, $0x1;
	s10 =	sld [smem:$0x3FAA];
	_ =	sdelay $0x3  }
0x37: {  	[smem:$0x3FAA] =	sst s10  }
0x38: {  	s10 =	sld [smem:$0x3FAB]  }
0x39: {  	_ = 	snop;
	(pc) =	sbr.ind lr, $3  }
0x3a: {  	_ = 	snop  }
0x3b: {  	_ = 	snop  }
0x3c: {  	p2 =	seq.s32 s10, $0x1;
	s10 =	sld [smem:$0x3FAA]  }
0x3d: {  	_ =	shalt  }
0x3e: {  	_ =	shalt  }
0x3f: {  	_ =	shalt  }
0x40: {  	_ =	shalt  }
0x41: {  	_ =	shalt  }
0x42: {  	_ =	shalt  }
0x43: {  	_ =	shalt  }
0x44: {  	_ =	shalt  }
0x45: {  	_ =	shalt  }
0x46: {  	_ =	shalt  }
0x47: {  	_ =	shalt  }
0x48: {  	_ =	shalt  }
0x49: {  	_ =	shalt  }
0x4a: {  	_ =	shalt  }
0x4b: {  	_ =	shalt  }
0x4c: {  	_ =	shalt  }
0x4d: {  	_ =	shalt  }
0x4e: {  	_ =	shalt  }
0x4f: {  	_ =	shalt  }
0x50: {  	_ =	shalt  }
0x51: {  	_ =	shalt  }
0x52: {  	_ =	shalt  }
0x53: {  	_ =	shalt  }
0x54: {  	_ =	shalt  }
0x55: {  	_ =	shalt  }
0x56: {  	_ =	shalt  }
0x57: {  	_ =	shalt  }
0x58: {  	_ =	shalt  }
0x59: {  	_ =	shalt  }
0x5a: {  	_ =	shalt  }
0x5b: {  	_ =	shalt  }
0x5c: {  	_ =	shalt  }
0x5d: {  	_ =	shalt  }
0x5e: {  	_ =	shalt  }
0x5f: {  	_ =	shalt  }
0x60: {  	_ =	shalt  }
0x61: {  	_ =	shalt  }
0x62: {  	_ =	shalt  }
0x63: {  	_ =	shalt  }
0x64: {  	_ =	shalt  }
0x65: {  	_ =	shalt  }
0x66: {  	_ =	shalt  }
0x67: {  	_ =	shalt  }
0x68: {  	_ =	shalt  }
0x69: {  	_ =	shalt  }
0x6a: {  	_ =	shalt  }
0x6b: {  	_ =	shalt  }
0x6c: {  	_ =	shalt  }
0x6d: {  	_ =	shalt  }
0x6e: {  	_ =	shalt  }
0x6f: {  	_ =	shalt  }
0x70: {  	_ =	shalt  }
0x71: {  	_ =	shalt  }
0x72: {  	_ =	shalt  }
0x73: {  	_ =	shalt  }
0x74: {  	_ =	shalt  }
0x75: {  	_ =	shalt  }
0x76: {  	_ =	shalt  }
0x77: {  	_ =	shalt  }
0x78: {  	_ =	shalt  }
0x79: {  	_ =	shalt  }
0x7a: {  	_ =	shalt  }
0x7b: {  	_ =	shalt  }
0x7c: {  	_ =	shalt  }
0x7d: {  	_ =	shalt  }
0x7e: {  	_ =	shalt  }
0x7f: {  	_ =	shalt  }
0x80: {  	_ =	shalt  }
0x81: {  	_ =	shalt  }
0x82: {  	_ =	shalt  }
0x83: {  	_ =	shalt  }
0x84: {  	_ =	shalt  }
0x85: {  	_ =	shalt  }
0x86: {  	_ =	shalt  }
0x87: {  	_ =	shalt  }
.Lfunc_end0:
.L_simem_size_0:
called_computation_lowered:
.L_overlay_start_0:
0x88: {  	s2 =	sld [smem:$0x3FD9]  }
0x89: {  	s3 =	sld [smem:$0x3FFE];
	_ =	sdelay $0x1  }
0x8a: {  	s1 =	srdreg.scid  }
0x8b: {  	s0 =	sand.u32 $0x1, s1  }
0x8c: {  	s16 =	sshll.u32 s0, $0xA;
	s2 =	sadd.s32 s3, s2  }
0x8d: {  	s2 =	sadd.s32 s2, s16  }
0x8e: {  	[smem:$0x3FB6] =	sst s2  }
0x8f: {  	_ = 	snop  }
0x90: {  	(tm) =	ssettm $0x1  }
0x91: {  	s17 =	sld [smem:$0x3FFB];
	_ =	sdelay $0x3  }
0x92: {  	_ =	strace s17  }
0x93: {  	s2 =	sld [smem:$0x3FFC];
	_ =	sdelay $0x3  }
0x94: {  	_ =	strace s2  }
0x95: {  	s2 =	sld [smem:$0x3FFD];
	_ =	sdelay $0x3  }
0x96: {  	_ =	strace s2  }
0x97: {  	_ =	strace $0x8FFFFFFF  }
0x98: {  	s18 =	sld [smem:$0x3FDB];
	_ =	sdelay $0x1  }
0x99: {  	s19 =	simm.s32 $_scs_section_size  }
0x9a: {  	s4 =	simm.s32 $_size__tile_overlayer_lowered;
	s5 =	simm.s32 $_tile_overlayer_lowered  }
0x9b: {  	s22 =	simm.s32 $0x1BFF;
	s21 =	sshll.u32 s5, $0x1;
	s2 =	sadd.s32 s19, s18  }
0x9c: {  	s6 =	simm.s32 $0x0;
	s20 =	sshll.u32 s4, $0x1;
	s4 =	sadd.s32 s21, s2  }
0x9d: {  	[timem:s6], [sflag:s22] =	dma.local [hbm:s4], s20  }
0x9e: {  	_ =	swait.ge [sflag:s22], s20  }
0x9f: {  	s3 =	ssub.s32 $0x0, s20;
	[sflag:s22] =	ssyncset.done $0x0  }
0xa0: {  	[sflag:s22] =	ssyncadd.s32 s3;
	_ =	sdelay $0x1  }
0xa1: {  	s23 =	simm.s32 $0x1B8B  }
0xa2: {  	_ =	swait.ge [sflag:s23], $0x1  }
0xa3: {  	[sflag:s23] =	ssyncset.done $0x0  }
0xa4: {  	s25 =	simm.s32 $0x1B8E;
	s24 =	sld [smem:$0x3FFE];
	[sflag:s23] =	ssyncadd.s32 $0xFFFFFFFF  }
0xa5: {  	s26 =	simm.s32 $execute0_lowered;
	[smem:$0x3FD2] =	sst s25  }
0xa6: {  	s4 =	sshll.u32 s26, $0x1;
	_ =	strace $0x80000046;
	[dreg:$0x1] =	wrdreg $0xFFFFFFFF  }
0xa7: {  	s28 =	simm.s32 $_size_execute0_lowered;
	s2 =	sadd.s32 s2, s4;
	[dreg:$0x0] =	wrdreg $0x0  }
0xa8: {  	s4 =	sshll.u32 s28, $0x1;
	[dreg:$0x2] =	wrdreg s2  }
0xa9: {  	[dreg:$0x3] =	wrdreg s4  }
0xaa: {  	[dreg:$0x4] =	wrdreg $0xC0  }
0xab: {  	_ =	task [dreg:s6], $0x5FFFF  }
0xac: {  	[dreg:$0x1] =	wrdreg $0xFFFFFFFF  }
0xad: {  	[dreg:$0x0] =	wrdreg $0x60  }
0xae: {  	[dreg:$0x2] =	wrdreg s24  }
0xaf: {  	[dreg:$0x3] =	wrdreg $0x128000  }
0xb0: {  	[dreg:$0x4] =	wrdreg $0x9  }
0xb1: {  	_ =	task.clear_ibuf [dreg:s6], $0x5FFFF;
	_ =	strace $0x90000046  }
0xb2: {  	s29 =	simm.s32 $0x9;
	_ =	strace $0x80000048  }
0xb3: {  	_ =	swait.ge [sflag:s29], $0x1  }
0xb4: {  	[sflag:s29] =	ssyncadd.s32 $0xFFFFFFFF  }
0xb5: {  	_ =	strace $0x90000048  }
0xb6: {  	_ =	sfence  }
0xb7: {  	s30 =	sld [smem:$0x0];
	_ =	sdelay $0x2  }
0xb8: {  	s31 =	sshll.u32 s1, $0xD;
	s1 =	sshrl.u32 s1, $0x2  }
0xb9: {  	s3 =	sand.u32 $0x4000, s31;
	s1 =	sadd.s32 s1, s30  }
0xba: {  	s0 =	sor.u32 s3, s0;
	s1 =	sshll.u32 s1, $0x11  }
0xbb: {  	s0 =	sor.u32 s1, s0  }
0xbc: {  	s0 =	sadd.s32 $0x8F2B, s0  }
0xbd: {  	[sflag:s0] =	ssyncadd.remote.s32 $0x1  }
0xbe: {  	_ =	sfence.sel $0xFFFF  }
0xbf: {  	[dreg:$0x0] =	wrdreg $0xFFFFFFFF;
	(pc) =	sbr.abs _section_cstart, $3  }
0xc0: {  	[dreg:$0x1] =	wrdreg $0xFFFFFFFF  }
0xc1: {  	_ =	task.clear_ibuf [dreg:s6], $0x2FFFF;
	_ =	strace $0x9FFFFFFF  }
0xc2: {  	(tm) =	ssettm $0x7FFFFFFF  }
0xc3: {  	_ =	shalt  }
tec
execute0_lowered:
.L_overlay_start_1:
0x0: {  	(tag) =	ssettag $0x1  }
0x1: {  	s0 =	rddreg [dreg:$0x0]  }
0x2: {  	s2 =	rddreg [dreg:$0x1]  }
0x3: {  	s12 =	stileid.u32;
	s1 =	srdreg.scid  }
0x4: {  	s3 =	simm.s32 $0x0;
	s28 =	simm.s32 $0xE800;
	s29 =	simm.s32 $0x1  }
0x5: {  	s30 =	simm.s32 $0x2;
	s31 =	simm.s32 $0x3;
	s1 =	sand.u32 $0x1, s1  }
0x6: {  	s4 =	sshll.u32 s12, $0x1;
	s5 =	smul.u32 $0x1400, s12;
	[smem:$0x7FF] =	sst s3  }
0x7: {  	s11 =	smul.u32 $0x28000, s12;
	s16 =	sshll.u32 s12, $0x6;
	s24 =	sshll.u32 s12, $0xC  }
0x8: {  	s7 =	sor.u32 s1, s4;
	_ =	strace $0x80000047;
	s4 =	sadd.s32 $0x18600, s0  }
0x9: {  	s10 =	ssub.s32 $0x2, s1;
	s17 =	sor.u32 $0x1C09, s16;
	s1 =	sshll.u32 s1, $0xB  }
0xa: {  	s6 =	smul.u32 $0x280, s7;
	s8 =	sadd.s32 s5, s0;
	s5 =	sadd.s32 $0x36600, s0  }
0xb: {  	s14 =	sshrl.u32 s10, $0x1;
	s15 =	sshrl.u32 s11, $0x2;
	s20 =	sshll.u32 s7, $0xB  }
0xc: {  	[dreg:$0x4] =	wrdreg s17;
	s8 =	sadd.s32 $0x4600, s8;
	s21 =	sadd.s32 s5, s20  }
0xd: {  	s22 =	sor.u32 $0x10000, s20;
	s25 =	sadd.s32 s24, s5;
	s9 =	sadd.s32 s6, s0  }
0xe: {  	s6 =	sadd.s32 $0x2A7600, s0;
	s0 =	ssub.s32 s10, s14;
	[dreg:$0x3] =	wrdreg s8  }
0xf: {  	s10 =	sadd.s32 s15, s2;
	[dreg:$0x8] =	wrdreg s21;
	s23 =	sadd.s32 s5, s22  }
0x10: {  	s26 =	sadd.s32 s1, s25;
	s21 =	simm.s32 $0x1400;
	s25 =	simm.s32 $0xA800  }
0x11: {  	s18 =	sadd.s32 $0x31600, s9;
	s19 =	sadd.s32 $0x2C600, s9;
	[dreg:$0xa] =	wrdreg s23  }
0x12: {  	s0 =	smax.u32 s0, $0x1;
	s8 =	sadd.s32 s6, s20;
	[dreg:$0x5] =	wrdreg s18  }
0x13: {  	s16 =	sadd.s32 $0x20000, s26;
	s20 =	simm.s32 $0x9;
	[dreg:$0x6] =	wrdreg s19  }
0x14: {  	s23 =	simm.s32 $0x2800;
	s26 =	simm.s32 $0x6;
	[dreg:$0x7] =	wrdreg s0  }
0x15: {  	s9 =	simm.s32 $0x0;
	[dreg:$0x9] =	wrdreg s8;
	s8 =	sadd.s32 s24, s6  }
0x16: {  	s0 =	sadd.s32 s6, s22;
	s18 =	sor.u32 $0x60, s7;
	s19 =	sshrl.u32 s10, $0x3  }
0x17: {  	s22 =	simm.s32 $0x80;
	s24 =	simm.s32 $0x6800;
	s7 =	simm.s32 $0x7  }
0x18: {  	[dreg:$0xb] =	wrdreg s0;
	s1 =	sadd.s32 s1, s8;
	s0 =	simm.s32 $0x4  }
0x19: {  	s8 =	simm.s32 $0x8;
	s17 =	sadd.s32 $0x20000, s1;
	s1 =	simm.s32 $0x5  }
.LBB2_1:
0x1a: {  	s10 =	rddreg [dreg:$0x3]  }
0x1b: {  	s11 =	rddreg [dreg:$0x4]  }
0x1c: {  	[spmem:s19], [sflag:s11] =	dma.local [hbm:s10], $0x1400  }
0x1d: {  	_ =	swait.ge [sflag:s20], $0x1400  }
0x1e: {  	[sflag:s20] =	ssyncset.done $0x0  }
0x1f: {  	s15 =	rddreg [dreg:$0x5];
	[sflag:s20] =	ssyncadd.s32 $0xFFFFEC00  }
0x20: {  	[tilespmem:s3], [sflag:$0x9] =	stream.linear.gather [hbm4b:s15+s3], $0x1400, $0x38;
	[tilespmem:$0x1C800] =	vst v63  }
0x21: {  	_ =	swait.ge [sflag:s20], $0x1400  }
0x22: {  	[sflag:s20] =	ssyncset.done $0x0  }
0x23: {  	s11 =	rddreg [dreg:$0x6];
	[sflag:s20] =	ssyncadd.s32 $0xFFFFEC00  }
0x24: {  	[tilespmem:s21], [sflag:$0x9] =	stream.linear.gather [hbm4b:s11+s3], $0x1400, $0x38;
	[tilespmem:$0x1C800] =	vst v63  }
0x25: {  	_ =	swait.ge [sflag:s20], $0x1400  }
0x26: {  	[sflag:s20] =	ssyncset.done $0x0  }
0x27: {  	[sflag:s20] =	ssyncadd.s32 $0xFFFFEC00  }
0x28: {  	[bflag:$0x0] =	sbarrier.arrive $0xFFFF  }
0x29: {  	[tilespmem:s23], [sflag:$0x1] =	stream.indirect.gather [spmem:s2], $0x80, s3, s22, $0xb8;
	[tilespmem:$0x1C800] =	vst v63  }
0x2a: {  	_ = 	snop  }
0x2b: {  	[tilespmem:s24], [sflag:$0x2] =	stream.indirect.gather [hbm4b:s4+s22], $0x80, s21, s22, $0xb8;
	[tilespmem:$0x1C800] =	vst v63  }
0x2c: {  	_ = 	snop  }
0x2d: {  	[tilespmem:s25], [sflag:$0x3] =	stream.indirect.gather [spmem:s2], $0x80, s22, s22, $0xb8;
	[tilespmem:$0x1C800] =	vst v63  }
0x2e: {  	s12 =	simm.s32 $0x1480  }
0x2f: {  	[tilespmem:s28], [sflag:$0x4] =	stream.indirect.gather [hbm4b:s4+s22], $0x80, s12, s22, $0xb8;
	[tilespmem:$0x1C800] =	vst v63  }
0x30: {  	_ =	swait.ge [sflag:s29], $0x4000  }
0x31: {  	[sflag:s29] =	ssyncset.done $0x0  }
0x32: {  	[sflag:s29] =	ssyncadd.s32 $0xFFFFC000  }
0x33: {  	_ =	swait.ge [sflag:s30], $0x4000  }
0x34: {  	[sflag:s30] =	ssyncset.done $0x0  }
0x35: {  	s13 =	rddreg [dreg:$0x8];
	[sflag:s30] =	ssyncadd.s32 $0xFFFFC000  }
0x36: {  	[hbm4b:s13+s3] =	stream.linear.scatter [tilespmem:s23], [sflag:$0x5], $0x4000, $0x38;
	[tilespmem:$0x1C800] =	vst v63  }
0x37: {  	s14 =	rddreg [dreg:$0x9]  }
0x38: {  	[hbm4b:s14+s3] =	stream.linear.scatter [tilespmem:s24], [sflag:$0x6], $0x4000, $0x38;
	[tilespmem:$0x1C800] =	vst v63  }
0x39: {  	_ =	swait.ge [sflag:s31], $0x4000  }
0x3a: {  	[sflag:s31] =	ssyncset.done $0x0  }
0x3b: {  	[sflag:s31] =	ssyncadd.s32 $0xFFFFC000  }
0x3c: {  	_ =	swait.ge [sflag:s0], $0x4000  }
0x3d: {  	[sflag:s0] =	ssyncset.done $0x0  }
0x3e: {  	s15 =	rddreg [dreg:$0xa];
	[sflag:s0] =	ssyncadd.s32 $0xFFFFC000  }
0x3f: {  	[hbm4b:s15+s3] =	stream.linear.scatter [tilespmem:s25], [sflag:$0x7], $0x4000, $0x38;
	[tilespmem:$0x1C800] =	vst v63  }
0x40: {  	s11 =	rddreg [dreg:$0xb]  }
0x41: {  	[hbm4b:s11+s3] =	stream.linear.scatter [tilespmem:s28], [sflag:$0x8], $0x4000, $0x38;
	[tilespmem:$0x1C800] =	vst v63  }
0x42: {  	_ =	swait.ge [sflag:s1], $0x4000  }
0x43: {  	[sflag:s1] =	ssyncset.done $0x0  }
0x44: {  	[sflag:s1] =	ssyncadd.s32 $0xFFFFC000  }
0x45: {  	_ =	swait.ge [sflag:s26], $0x4000  }
0x46: {  	[sflag:s26] =	ssyncset.done $0x0  }
0x47: {  	s12 =	simm.s32 $0x100;
	[sflag:s26] =	ssyncadd.s32 $0xFFFFC000  }
0x48: {  	[tilespmem:s23], [sflag:$0x1] =	stream.indirect.gather [spmem:s2], $0x80, s12, s22, $0xb8;
	[tilespmem:$0x1C800] =	vst v63  }
0x49: {  	s13 =	simm.s32 $0x1500  }
0x4a: {  	[tilespmem:s24], [sflag:$0x2] =	stream.indirect.gather [hbm4b:s4+s22], $0x80, s13, s22, $0xb8;
	[tilespmem:$0x1C800] =	vst v63  }
0x4b: {  	_ =	swait.ge [sflag:s7], $0x4000  }
0x4c: {  	[sflag:s7] =	ssyncset.done $0x0  }
0x4d: {  	[sflag:s7] =	ssyncadd.s32 $0xFFFFC000  }
0x4e: {  	_ =	swait.ge [sflag:s8], $0x4000  }
0x4f: {  	[sflag:s8] =	ssyncset.done $0x0  }
0x50: {  	s14 =	simm.s32 $0x180;
	[sflag:s8] =	ssyncadd.s32 $0xFFFFC000  }
0x51: {  	[tilespmem:s25], [sflag:$0x3] =	stream.indirect.gather [spmem:s2], $0x80, s14, s22, $0xb8;
	[tilespmem:$0x1C800] =	vst v63  }
0x52: {  	s15 =	simm.s32 $0x1580  }
0x53: {  	[tilespmem:s28], [sflag:$0x4] =	stream.indirect.gather [hbm4b:s4+s22], $0x80, s15, s22, $0xb8;
	[tilespmem:$0x1C800] =	vst v63  }
0x54: {  	_ =	swait.ge [sflag:s29], $0x4000  }
0x55: {  	[sflag:s29] =	ssyncset.done $0x0  }
0x56: {  	[sflag:s29] =	ssyncadd.s32 $0xFFFFC000  }
0x57: {  	_ =	swait.ge [sflag:s30], $0x4000  }
0x58: {  	[sflag:s30] =	ssyncset.done $0x0  }
0x59: {  	[sflag:s30] =	ssyncadd.s32 $0xFFFFC000  }
0x5a: {  	[hbm4b:s16+s3] =	stream.linear.scatter [tilespmem:s23], [sflag:$0x5], $0x4000, $0x38;
	[tilespmem:$0x1C800] =	vst v63  }
0x5b: {  	_ = 	snop  }
0x5c: {  	[hbm4b:s17+s3] =	stream.linear.scatter [tilespmem:s24], [sflag:$0x6], $0x4000, $0x38;
	[tilespmem:$0x1C800] =	vst v63  }
0x5d: {  	_ =	swait.ge [sflag:s31], $0x4000  }
0x5e: {  	[sflag:s31] =	ssyncset.done $0x0  }
0x5f: {  	p0 =	slt.s32 s18, $0x4E1;
	s10 =	smov.u32 s18;
	[sflag:s31] =	ssyncadd.s32 $0xFFFFC000  }
0x60: {  	s10 =	simm.s32 @!p0 $0x4E1;
	_ =	swait.ge [sflag:s0], $0x4000  }
0x61: {  	s11 =	sadd.s32 $0x40, s18;
	s12 =	sshll.u32 s10, $0xB;
	[sflag:s0] =	ssyncset.done $0x0  }
0x62: {  	s10 =	sadd.s32 s5, s12;
	s13 =	sadd.s32 $0x20000, s17;
	[sflag:s0] =	ssyncadd.s32 $0xFFFFC000  }
0x63: {  	[hbm4b:s10+s3] =	stream.linear.scatter [tilespmem:s25], [sflag:$0x7], $0x4000, $0x38;
	[tilespmem:$0x1C800] =	vst v63  }
0x64: {  	s14 =	sadd.s32 s6, s12;
	s12 =	sadd.s32 $0x20000, s16;
	s10 =	simm.s32 $0x400  }
.LBB2_2:
0x65: {  	[hbm4b:s14+s3] =	stream.linear.scatter [tilespmem:s28], [sflag:$0x8], $0x4000, $0x38;
	[tilespmem:$0x1C800] =	vst v63  }
0x66: {  	s14 =	smov.u32 s10  }
0x67: {  	p0 =	sne.s32 s10, $0x4800;
	s10 =	sadd.s32 $0x400, s10;
	_ =	swait.ge [sflag:s1], $0x4000  }
0x68: {  	[sflag:s1] =	ssyncset.done $0x0  }
0x69: {  	[sflag:s1] =	ssyncadd.s32 $0xFFFFC000  }
0x6a: {  	_ =	swait.ge [sflag:s26], $0x4000  }
0x6b: {  	s14 =	sshra.s32 s14, $0x2;
	[sflag:s26] =	ssyncset.done $0x0  }
0x6c: {  	s15 =	sadd.s32 $0x100, s14;
	[sflag:s26] =	ssyncadd.s32 $0xFFFFC000  }
0x6d: {  	[tilespmem:s23], [sflag:$0x1] =	stream.indirect.gather [spmem:s2], $0x80, s15, s22, $0xb8;
	[tilespmem:$0x1C800] =	vst v63  }
0x6e: {  	s15 =	sadd.s32 $0x1500, s14  }
0x6f: {  	[tilespmem:s24], [sflag:$0x2] =	stream.indirect.gather [hbm4b:s4+s22], $0x80, s15, s22, $0xb8;
	[tilespmem:$0x1C800] =	vst v63  }
0x70: {  	_ =	swait.ge [sflag:s7], $0x4000  }
0x71: {  	[sflag:s7] =	ssyncset.done $0x0  }
0x72: {  	[sflag:s7] =	ssyncadd.s32 $0xFFFFC000  }
0x73: {  	_ =	swait.ge [sflag:s8], $0x4000  }
0x74: {  	[sflag:s8] =	ssyncset.done $0x0  }
0x75: {  	s15 =	sadd.s32 $0x180, s14;
	[sflag:s8] =	ssyncadd.s32 $0xFFFFC000  }
0x76: {  	[tilespmem:s25], [sflag:$0x3] =	stream.indirect.gather [spmem:s2], $0x80, s15, s22, $0xb8;
	[tilespmem:$0x1C800] =	vst v63  }
0x77: {  	s14 =	sadd.s32 $0x1580, s14  }
0x78: {  	[tilespmem:s28], [sflag:$0x4] =	stream.indirect.gather [hbm4b:s4+s22], $0x80, s14, s22, $0xb8;
	[tilespmem:$0x1C800] =	vst v63  }
0x79: {  	_ =	swait.ge [sflag:s29], $0x4000  }
0x7a: {  	[sflag:s29] =	ssyncset.done $0x0  }
0x7b: {  	[sflag:s29] =	ssyncadd.s32 $0xFFFFC000  }
0x7c: {  	_ =	swait.ge [sflag:s30], $0x4000  }
0x7d: {  	[sflag:s30] =	ssyncset.done $0x0  }
0x7e: {  	[sflag:s30] =	ssyncadd.s32 $0xFFFFC000  }
0x7f: {  	[hbm4b:s12+s3] =	stream.linear.scatter [tilespmem:s23], [sflag:$0x5], $0x4000, $0x38;
	[tilespmem:$0x1C800] =	vst v63  }
0x80: {  	_ = 	snop  }
0x81: {  	[hbm4b:s13+s3] =	stream.linear.scatter [tilespmem:s24], [sflag:$0x6], $0x4000, $0x38;
	[tilespmem:$0x1C800] =	vst v63  }
0x82: {  	_ =	swait.ge [sflag:s31], $0x4000  }
0x83: {  	[sflag:s31] =	ssyncset.done $0x0  }
0x84: {  	p1 =	slt.s32 s11, $0x4E1;
	s14 =	smov.u32 s11;
	[sflag:s31] =	ssyncadd.s32 $0xFFFFC000  }
.Ltmp0:
0x85: {  	s14 =	simm.s32 @!p1 $0x4E1;
	_ =	swait.ge [sflag:s0], $0x4000;
	(pc) =	sbr.rel @p0 .LBB2_2-.Ltmp0, $4  }
0x86: {  	s14 =	sshll.u32 s14, $0xB;
	[sflag:s0] =	ssyncset.done $0x0  }
0x87: {  	s11 =	sadd.s32 $0x40, s11;
	s15 =	sadd.s32 s5, s14;
	[sflag:s0] =	ssyncadd.s32 $0xFFFFC000  }
0x88: {  	[hbm4b:s15+s3] =	stream.linear.scatter [tilespmem:s25], [sflag:$0x7], $0x4000, $0x38;
	[tilespmem:$0x1C800] =	vst v63  }
0x89: {  	s14 =	sadd.s32 s6, s14;
	s12 =	sadd.s32 $0x20000, s12;
	s13 =	sadd.s32 $0x20000, s13  }
0x8a: {  	[hbm4b:s14+s3] =	stream.linear.scatter [tilespmem:s28], [sflag:$0x8], $0x4000, $0x38;
	[tilespmem:$0x1C800] =	vst v63  }
0x8b: {  	_ =	swait.ge [sflag:s1], $0x4000  }
0x8c: {  	[sflag:s1] =	ssyncset.done $0x0  }
0x8d: {  	[sflag:s1] =	ssyncadd.s32 $0xFFFFC000  }
0x8e: {  	_ =	swait.ge [sflag:s26], $0x4000  }
0x8f: {  	[sflag:s26] =	ssyncset.done $0x0  }
0x90: {  	[sflag:s26] =	ssyncadd.s32 $0xFFFFC000  }
0x91: {  	_ =	swait.ge [sflag:s7], $0x4000  }
0x92: {  	[sflag:s7] =	ssyncset.done $0x0  }
0x93: {  	[sflag:s7] =	ssyncadd.s32 $0xFFFFC000  }
0x94: {  	_ =	swait.ge [sflag:s8], $0x4000  }
0x95: {  	s9 =	sadd.s32 $0x1, s9;
	s10 =	rddreg [dreg:$0x7]  }
0x96: {  	p0 =	sne.s32 s9, s10  }
.Ltmp1:
0x97: {  	_ = 	snop;
	(pc) =	sbr.rel @p0 .LBB2_1-.Ltmp1, $3  }
0x98: {  	_ =	sdelay $0x1  }
0x99: {  	[sflag:s8] =	ssyncset.done $0x0  }
0x9a: {  	[sflag:s8] =	ssyncadd.s32 $0xFFFFC000  }
0x9b: {  	_ =	sfence.sel $0x180000  }
0x9c: {  	[bflag:$0x0] =	sbarrier.arrive $0xFFFF  }
0x9d: {  	_ =	strace $0x90000047  }
0x9e: {  	s0 =	stileid.u32;
	[bflag:$0x2] =	sbarrier.arrive $0xFFFF  }
0x9f: {  	p0 =	sne.s32 s0, $0x0;
	s0 =	rddreg [dreg:$0x2]  }
0xa0: {  	s0 =	sadd.s32 @!p0 $0x100000, s0  }
0xa1: {  	[sflag:s0] =	ssyncadd.tile.s32 @!p0 $0x1;
	_ =	shalt  }
.Lfunc_end2:
_tile_overlayer_lowered:
.L_overlay_start_2:
0xa2: {  	(tag) =	ssettag $0x2  }
0xa3: {  	s0 =	rddreg [dreg:$0x0];
	s2 =	stileid.u32  }
0xa4: {  	s1 =	rddreg [dreg:$0x1];
	p0 =	sne.s32 s2, $0x0  }
0xa5: {  	s3 =	rddreg [dreg:$0x2];
	[bflag:$0x3] =	sbarrier.arrive $0xFFFF;
	s2 =	simm.s32 @!p0 $0x1C09  }
0xa6: {  	[timem:s3], [sflag:s2] =	dma.local @!p0 [hbm:s0], s1  }
0xa7: {  	s0 =	simm.s32 @!p0 $0x9  }
0xa8: {  	_ =	swait.ge @!p0 [sflag:s0], s1  }
0xa9: {  	s1 =	ssub.s32 @!p0 $0x0, s1;
	[sflag:s0] =	ssyncset.done @!p0 $0x0  }
0xaa: {  	[sflag:s0] =	ssyncadd.s32 @!p0 s1  }
0xab: {  	[bflag:$0x3] =	sbarrier.arrive $0xFFFF  }
0xac: {  	_ =	shalt  }

// kernel: kernel.13.cloned.1.call-start
scs
__scs_entry_jumppad:
0x0: {  	(pc) =	sbr.rel $0x88, $3  }
0x1: {  	(tag) =	ssettag $0x0;
	lr =	simm.s32 $0x1  }
0x2: {  	[smem:$0x3F8F] =	sst lr;
	_ =	strace $0xD0000000  }
0x3: {  	_ = 	snop  }
0x4: {  	_ = 	snop  }
0x5: {  	_ = 	snop  }
0x6: {  	_ = 	snop  }
0x7: {  	_ = 	snop  }
__scs_overlays_trampoline_lowered:
0x8: {  	[smem:$0x3F9E] =	sst s0  }
0x9: {  	[smem:$0x3F9F] =	sst s1  }
0xa: {  	[smem:$0x3FA0] =	sst s2  }
0xb: {  	[smem:$0x3FA1] =	sst s3  }
0xc: {  	[smem:$0x3FA2] =	sst s4  }
0xd: {  	[smem:$0x3FA3] =	sst s5  }
0xe: {  	[smem:$0x3FA4] =	sst s6  }
0xf: {  	[smem:$0x3FA5] =	sst s7  }
0x10: {  	[smem:$0x3FA6] =	sst s8  }
0x11: {  	[smem:$0x3FA7] =	sst s9;
	s0 =	simm.s32 @!p0 $0x0  }
0x12: {  	s1 =	sld [smem:$0x3F8D];
	s0 =	simm.s32 @p0 $0x1  }
0x13: {  	[smem:$0x3FA8] =	sst s0;
	s0 =	simm.s32 @!p1 $0x0  }
0x14: {  	s2 =	sld [smem:$0x3F8C];
	s0 =	simm.s32 @p1 $0x1  }
0x15: {  	[smem:$0x3FA9] =	sst s0;
	s0 =	simm.s32 @!p2 $0x0  }
0x16: {  	s3 =	sld [smem:$0x3FDB];
	s0 =	simm.s32 @p2 $0x1  }
0x17: {  	s4 =	simm.s32 $0x1BF5;
	[smem:$0x3FAB] =	sst s0  }
0x18: {  	s0 =	sld [smem:$0x3F8E];
	_ =	swait.ge [sflag:s4], $0x0  }
0x19: {  	s7 =	sld [smem:$0x3F8F]  }
0x1a: {  	s8 =	sadd.s32 $0xFFFFE003, lr  }
0x1b: {  	s9 =	sadd.s32 $0xFFFFFEF7, lr;
	s5 =	simm.s32 $0xFFFFFFFF;
	p2 =	slt.u32 s8, $0xFFFFF086  }
0x1c: {  	p1 =	slt.u32 s9, $0xF7A;
	s5 =	simm.s32 @!p2 $0x0  }
0x1d: {  	s5 =	simm.s32 @p1 $0x1;
	p0 =	seq.s32 s7, s2  }
0x1e: {  	s7 =	smul.u32 @!p0 $0xF7A, s2;
	p2 =	seq.s32 @!p0 s5, $0x0  }
0x1f: {  	s9 =	smul.u32 $0xF7A, s1;
	s8 =	simm.s32 @!p0 $0x1BF5;
	p2 =	por !p2, p0  }
0x20: {  	[sflag:s8] =	ssyncset.s32 @!p0 $0xFFFFF086;
	s6 =	sadd.s32 @!p0 s3, s7;
	s7 =	simm.s32 @!p0 $0x108  }
0x21: {  	s3 =	sadd.s32 s3, s9;
	s6 =	sadd.s32 @!p0 $0x88, s6;
	s7 =	simm.s32 @p2 $0x1082  }
0x22: {  	[simem:s7], [sflag:s8] =	dma.local @!p0 [hbm:s6], $0xF7A  }
0x23: {  	s9 =	sor.u32 $0xD0000000, s2;
	s6 =	simm.s32 $0x108;
	_ =	swait.ge @!p0 [sflag:s8], $0x0  }
0x24: {  	s3 =	sadd.s32 $0x88, s3;
	s6 =	simm.s32 @!p1 $0x1082;
	[sflag:s4] =	ssyncset.s32 $0xFFFFF086  }
0x25: {  	[simem:s6], [sflag:s4] =	dma.local [hbm:s3], $0xF7A  }
0x26: {  	[smem:$0x3F8F] =	sst s1;
	(tag) =	ssettag s2;
	_ =	strace s9  }
0x27: {  	s1 =	sld [smem:$0x3F9F]  }
0x28: {  	s2 =	sld [smem:$0x3FA0]  }
0x29: {  	s4 =	sld [smem:$0x3FA2]  }
0x2a: {  	p0 =	seq.s32 s5, $0x0;
	s5 =	sld [smem:$0x3FA3]  }
0x2b: {  	s6 =	sld [smem:$0x3FA4]  }
0x2c: {  	s7 =	sld [smem:$0x3FA5]  }
0x2d: {  	s3 =	simm.s32 $0x108;
	s8 =	sld [smem:$0x3FA6]  }
0x2e: {  	s3 =	simm.s32 @!p0 $0x1082;
	s9 =	sld [smem:$0x3FA7]  }
0x2f: {  	lr =	sadd.s32 s0, s3;
	s0 =	sld [smem:$0x3F9E]  }
0x30: {  	s3 =	sld [smem:$0x3FA1]  }
0x31: {  	[smem:$0x3FAA] =	sst s10  }
0x32: {  	s10 =	sld [smem:$0x3FA8];
	_ =	sdelay $0x3  }
0x33: {  	p0 =	seq.s32 s10, $0x1;
	s10 =	sld [smem:$0x3FAA];
	_ =	sdelay $0x3  }
0x34: {  	[smem:$0x3FAA] =	sst s10  }
0x35: {  	s10 =	sld [smem:$0x3FA9];
	_ =	sdelay $0x3  }
0x36: {  	p1 =	seq.s32 s10, $0x1;
	s10 =	sld [smem:$0x3FAA];
	_ =	sdelay $0x3  }
0x37: {  	[smem:$0x3FAA] =	sst s10  }
0x38: {  	s10 =	sld [smem:$0x3FAB]  }
0x39: {  	_ = 	snop;
	(pc) =	sbr.ind lr, $3  }
0x3a: {  	_ = 	snop  }
0x3b: {  	_ = 	snop  }
0x3c: {  	p2 =	seq.s32 s10, $0x1;
	s10 =	sld [smem:$0x3FAA]  }
0x3d: {  	_ =	shalt  }
0x3e: {  	_ =	shalt  }
0x3f: {  	_ =	shalt  }
0x40: {  	_ =	shalt  }
0x41: {  	_ =	shalt  }
0x42: {  	_ =	shalt  }
0x43: {  	_ =	shalt  }
0x44: {  	_ =	shalt  }
0x45: {  	_ =	shalt  }
0x46: {  	_ =	shalt  }
0x47: {  	_ =	shalt  }
0x48: {  	_ =	shalt  }
0x49: {  	_ =	shalt  }
0x4a: {  	_ =	shalt  }
0x4b: {  	_ =	shalt  }
0x4c: {  	_ =	shalt  }
0x4d: {  	_ =	shalt  }
0x4e: {  	_ =	shalt  }
0x4f: {  	_ =	shalt  }
0x50: {  	_ =	shalt  }
0x51: {  	_ =	shalt  }
0x52: {  	_ =	shalt  }
0x53: {  	_ =	shalt  }
0x54: {  	_ =	shalt  }
0x55: {  	_ =	shalt  }
0x56: {  	_ =	shalt  }
0x57: {  	_ =	shalt  }
0x58: {  	_ =	shalt  }
0x59: {  	_ =	shalt  }
0x5a: {  	_ =	shalt  }
0x5b: {  	_ =	shalt  }
0x5c: {  	_ =	shalt  }
0x5d: {  	_ =	shalt  }
0x5e: {  	_ =	shalt  }
0x5f: {  	_ =	shalt  }
0x60: {  	_ =	shalt  }
0x61: {  	_ =	shalt  }
0x62: {  	_ =	shalt  }
0x63: {  	_ =	shalt  }
0x64: {  	_ =	shalt  }
0x65: {  	_ =	shalt  }
0x66: {  	_ =	shalt  }
0x67: {  	_ =	shalt  }
0x68: {  	_ =	shalt  }
0x69: {  	_ =	shalt  }
0x6a: {  	_ =	shalt  }
0x6b: {  	_ =	shalt  }
0x6c: {  	_ =	shalt  }
0x6d: {  	_ =	shalt  }
0x6e: {  	_ =	shalt  }
0x6f: {  	_ =	shalt  }
0x70: {  	_ =	shalt  }
0x71: {  	_ =	shalt  }
0x72: {  	_ =	shalt  }
0x73: {  	_ =	shalt  }
0x74: {  	_ =	shalt  }
0x75: {  	_ =	shalt  }
0x76: {  	_ =	shalt  }
0x77: {  	_ =	shalt  }
0x78: {  	_ =	shalt  }
0x79: {  	_ =	shalt  }
0x7a: {  	_ =	shalt  }
0x7b: {  	_ =	shalt  }
0x7c: {  	_ =	shalt  }
0x7d: {  	_ =	shalt  }
0x7e: {  	_ =	shalt  }
0x7f: {  	_ =	shalt  }
0x80: {  	_ =	shalt  }
0x81: {  	_ =	shalt  }
0x82: {  	_ =	shalt  }
0x83: {  	_ =	shalt  }
0x84: {  	_ =	shalt  }
0x85: {  	_ =	shalt  }
0x86: {  	_ =	shalt  }
0x87: {  	_ =	shalt  }
.Lfunc_end0:
.L_simem_size_0:
called_computation.1_lowered:
.L_overlay_start_0:
0x88: {  	s2 =	sld [smem:$0x3FD9]  }
0x89: {  	s3 =	sld [smem:$0x3FFE];
	_ =	sdelay $0x1  }
0x8a: {  	s1 =	srdreg.scid  }
0x8b: {  	s0 =	sand.u32 $0x1, s1  }
0x8c: {  	s17 =	sshll.u32 s0, $0xA;
	s2 =	sadd.s32 s3, s2  }
0x8d: {  	s2 =	sadd.s32 s2, s17  }
0x8e: {  	[smem:$0x3FB6] =	sst s2  }
0x8f: {  	_ = 	snop  }
0x90: {  	(tm) =	ssettm $0x1  }
0x91: {  	s18 =	sld [smem:$0x3FFB];
	_ =	sdelay $0x3  }
0x92: {  	_ =	strace s18  }
0x93: {  	s2 =	sld [smem:$0x3FFC];
	_ =	sdelay $0x3  }
0x94: {  	_ =	strace s2  }
0x95: {  	s2 =	sld [smem:$0x3FFD];
	_ =	sdelay $0x3  }
0x96: {  	_ =	strace s2  }
0x97: {  	_ =	strace $0x8FFFFFFF  }
0x98: {  	s19 =	sld [smem:$0x3FDB];
	_ =	sdelay $0x1  }
0x99: {  	s20 =	simm.s32 $_scs_section_size  }
0x9a: {  	s4 =	simm.s32 $_size__tile_overlayer_lowered;
	s5 =	simm.s32 $_tile_overlayer_lowered  }
0x9b: {  	s6 =	simm.s32 $0x1BFF;
	s21 =	sshll.u32 s5, $0x1;
	s3 =	sadd.s32 s20, s19  }
0x9c: {  	s22 =	simm.s32 $0x0;
	s4 =	sshll.u32 s4, $0x1;
	s5 =	sadd.s32 s21, s3  }
0x9d: {  	[timem:s22], [sflag:s6] =	dma.local [hbm:s5], s4  }
0x9e: {  	_ =	swait.ge [sflag:s6], s4  }
0x9f: {  	s4 =	ssub.s32 $0x0, s4;
	[sflag:s6] =	ssyncset.done $0x0  }
0xa0: {  	[sflag:s6] =	ssyncadd.s32 s4;
	_ =	sdelay $0x1  }
0xa1: {  	s23 =	simm.s32 $0x1B8B  }
0xa2: {  	_ =	swait.ge [sflag:s23], $0x1  }
0xa3: {  	[sflag:s23] =	ssyncset.done $0x0  }
0xa4: {  	[sflag:s23] =	ssyncadd.s32 $0xFFFFFFFF  }
0xa5: {  	s4 =	sld [smem:$0x0]  }
0xa6: {  	s5 =	sand.u32 $0xFFFFFFFE, s1  }
0xa7: {  	p0 =	sne.s32 s1, s5  }
0xa8: {  	s5 =	sshll.u32 @p0 s5, $0xE  }
0xa9: {  	s5 =	sadd.s32 @p0 $0x11B8D, s5;
	s6 =	sshll.u32 @p0 s4, $0x11  }
0xaa: {  	s5 =	sor.u32 @p0 s6, s5  }
0xab: {  	[sflag:s5] =	ssyncadd.remote.s32 @p0 $0x1;
	_ =	sdelay $0x1  }
0xac: {  	s5 =	simm.s32 @p0 $0x1B8D  }
0xad: {  	_ =	swait.eq @p0 [sflag:s5], $0x1  }
0xae: {  	[sflag:s5] =	ssyncadd.s32 @p0 $0xFFFFFFFF  }
0xaf: {  	s6 =	sshll.u32 @!p0 s1, $0xE  }
0xb0: {  	s6 =	sor.u32 @!p0 $0x4000, s6;
	s5 =	simm.s32 @!p0 $0x1B8D  }
0xb1: {  	s4 =	sshll.u32 @!p0 s4, $0x11;
	s6 =	sadd.s32 @!p0 $0x11B8D, s6;
	_ =	swait.eq @!p0 [sflag:s5], $0x1  }
0xb2: {  	s4 =	sor.u32 @!p0 s4, s6;
	[sflag:s5] =	ssyncadd.s32 @!p0 $0xFFFFFFFF  }
0xb3: {  	s25 =	simm.s32 $0x1B8E;
	s24 =	sld [smem:$0x3FFE];
	[sflag:s4] =	ssyncadd.remote.s32 @!p0 $0x1  }
0xb4: {  	s26 =	simm.s32 $execute0_lowered;
	[smem:$0x3FD2] =	sst s25  }
0xb5: {  	s5 =	sshll.u32 s26, $0x1;
	_ =	strace $0x8000004C;
	[dreg:$0x1] =	wrdreg $0xFFFFFFFF  }
0xb6: {  	s28 =	simm.s32 $_size_execute0_lowered;
	s3 =	sadd.s32 s3, s5;
	[dreg:$0x0] =	wrdreg $0x0  }
0xb7: {  	s5 =	sshll.u32 s28, $0x1;
	[dreg:$0x2] =	wrdreg s3  }
0xb8: {  	[dreg:$0x3] =	wrdreg s5  }
0xb9: {  	[dreg:$0x4] =	wrdreg $0xC0  }
0xba: {  	_ =	task [dreg:s22], $0x5FFFF  }
0xbb: {  	[dreg:$0x1] =	wrdreg $0xFFFFFFFF  }
0xbc: {  	[dreg:$0x0] =	wrdreg $0x60  }
0xbd: {  	[dreg:$0x2] =	wrdreg s24  }
0xbe: {  	[dreg:$0x3] =	wrdreg $0xA8000  }
0xbf: {  	[dreg:$0x4] =	wrdreg $0x148000  }
0xc0: {  	[dreg:$0x5] =	wrdreg $0x9  }
0xc1: {  	_ =	task.clear_ibuf [dreg:s22], $0x6FFFF;
	_ =	strace $0x9000004C  }
0xc2: {  	s29 =	simm.s32 $0x9;
	_ =	strace $0x8000004E  }
0xc3: {  	_ =	swait.ge [sflag:s29], $0x1  }
0xc4: {  	[sflag:s29] =	ssyncadd.s32 $0xFFFFFFFF  }
0xc5: {  	_ =	strace $0x9000004E  }
0xc6: {  	_ =	sfence  }
0xc7: {  	s30 =	sld [smem:$0x0];
	_ =	sdelay $0x2  }
0xc8: {  	s31 =	sshll.u32 s1, $0xD;
	s1 =	sshrl.u32 s1, $0x2  }
0xc9: {  	s4 =	sand.u32 $0x4000, s31;
	s1 =	sadd.s32 s1, s30  }
0xca: {  	s0 =	sor.u32 s4, s0;
	s1 =	sshll.u32 s1, $0x11  }
0xcb: {  	s0 =	sor.u32 s1, s0  }
0xcc: {  	s0 =	sadd.s32 $0x8F2B, s0  }
0xcd: {  	[sflag:s0] =	ssyncadd.remote.s32 $0x1  }
0xce: {  	_ =	sfence.sel $0xFFFF  }
0xcf: {  	[dreg:$0x0] =	wrdreg $0xFFFFFFFF;
	(pc) =	sbr.abs _section_cstart, $3  }
0xd0: {  	[dreg:$0x1] =	wrdreg $0xFFFFFFFF  }
0xd1: {  	_ =	task.clear_ibuf [dreg:s22], $0x2FFFF;
	_ =	strace $0x9FFFFFFF  }
0xd2: {  	(tm) =	ssettm $0x7FFFFFFF  }
0xd3: {  	_ =	shalt  }
tec
execute0_lowered:
.L_overlay_start_1:
0x0: {  	(tag) =	ssettag $0x1  }
0x1: {  	s0 =	srdreg.scid  }
0x2: {  	s4 =	rddreg [dreg:$0x0];
	s5 =	stileid.u32  }
0x3: {  	s1 =	rddreg [dreg:$0x1];
	s28 =	simm.s32 $0x4;
	s29 =	simm.s32 $0x0  }
0x4: {  	s0 =	sand.u32 $0x1, s0;
	s8 =	smul.u32 $0x140, s5;
	s11 =	sadd.s32 $0xA04800, s4  }
0x5: {  	s16 =	sadd.s32 $0x31600, s4;
	s17 =	sadd.s32 $0x32A00, s4;
	s12 =	smul.u32 $0x28000, s5  }
0x6: {  	s30 =	sshll.u32 s5, $0xB;
	s31 =	sshll.u32 s5, $0x6;
	s7 =	smul.u32 $0x1400, s0  }
0x7: {  	p0 =	sne.s32 s5, $0x0;
	s2 =	sshll.u32 s0, $0x4;
	s21 =	smul.u32 $0x271, s0  }
0x8: {  	s10 =	ssub.s32 $0x2, s0;
	s0 =	smul.u32 $0x138800, s0;
	s3 =	sor.u32 s5, s2  }
0x9: {  	s2 =	rddreg [dreg:$0x2];
	s19 =	sshrl.u32 s10, $0x1;
	s20 =	sshrl.u32 s12, $0x2  }
0xa: {  	s6 =	smul.u32 $0x280, s3;
	s3 =	simm.s32 $0x0;
	s15 =	sadd.s32 s8, s7  }
0xb: {  	s14 =	ssub.s32 s10, s19;
	s19 =	sadd.s32 s8, s2;
	s24 =	sadd.s32 s21, s5  }
0xc: {  	s0 =	sadd.s32 s0, s11;
	s21 =	simm.s32 $0x80;
	[smem:$0x7FF] =	sst s3  }
0xd: {  	s18 =	sshll.u32 s15, $0x4;
	s26 =	sshll.u32 s24, $0xB;
	s0 =	sadd.s32 s30, s0  }
0xe: {  	s19 =	sshrl.u32 s19, $0x3;
	_ =	strace $0x8000004D;
	[dreg:$0x4] =	wrdreg s16  }
0xf: {  	s24 =	simm.s32 $0x1;
	s9 =	sadd.s32 s6, s4;
	[dreg:$0x5] =	wrdreg s17  }
0x10: {  	s6 =	sshrl.u32 s15, $0x3;
	s13 =	sadd.s32 s18, s4;
	s18 =	sadd.s32 s20, s1  }
0x11: {  	s10 =	sadd.s32 s11, s26;
	s11 =	smax.u32 s14, $0x1;
	s15 =	simm.s32 $0x5  }
0x12: {  	s16 =	simm.s32 $0x1400;
	s17 =	sor.u32 $0x1C05, s31;
	s20 =	simm.s32 $0x2800  }
0x13: {  	s26 =	simm.s32 $0x3;
	s4 =	sadd.s32 s6, s4;
	s22 =	sadd.s32 $0x9FF800, s9  }
0x14: {  	s23 =	sadd.s32 $0x2C600, s9;
	s25 =	sadd.s32 $0x33200, s13;
	[dreg:$0x6] =	wrdreg s22  }
0x15: {  	s12 =	sadd.s32 $0x8000, s10;
	s13 =	sadd.s32 $0x10000, s0;
	[dreg:$0x7] =	wrdreg s23  }
0x16: {  	s0 =	sor.u32 $0x30, s5;
	s18 =	sshrl.u32 s18, $0x3;
	[dreg:$0x8] =	wrdreg s25  }
0x17: {  	s9 =	sadd.s32 $0x32C00, s4;
	s22 =	simm.s32 $0x6800;
	s25 =	simm.s32 $0x2  }
.LBB2_1:
0x18: {  	s4 =	rddreg [dreg:$0x6]  }
0x19: {  	[tilespmem:s3], [sflag:$0x5] =	stream.linear.gather [hbm4b:s4+s3], $0x1400, $0x38;
	[tilespmem:$0x14940] =	vst v63  }
0x1a: {  	_ =	swait.ge [sflag:s15], $0x1400  }
0x1b: {  	[sflag:s15] =	ssyncset.done $0x0  }
0x1c: {  	s6 =	rddreg [dreg:$0x7];
	[sflag:s15] =	ssyncadd.s32 $0xFFFFEC00  }
0x1d: {  	[tilespmem:s16], [sflag:$0x5] =	stream.linear.gather [hbm4b:s6+s3], $0x1400, $0x38;
	[tilespmem:$0x14940] =	vst v63  }
0x1e: {  	_ =	swait.ge [sflag:s15], $0x1400  }
0x1f: {  	[sflag:s15] =	ssyncset.done $0x0  }
0x20: {  	s7 =	rddreg [dreg:$0x4];
	[sflag:s15] =	ssyncadd.s32 $0xFFFFEC00  }
0x21: {  	[spmem:s18], [sflag:s17] =	dma.local [hbm:s7], $0x1400  }
0x22: {  	_ =	swait.ge [sflag:s15], $0x1400  }
0x23: {  	[sflag:s15] =	ssyncset.done $0x0  }
0x24: {  	s8 =	rddreg [dreg:$0x5];
	[sflag:s15] =	ssyncadd.s32 $0xFFFFEC00  }
0x25: {  	[spmem:s19], [sflag:s17] =	dma.local [hbm:s8], $0x28  }
0x26: {  	_ =	swait.ge [sflag:s15], $0x28  }
0x27: {  	[sflag:s15] =	ssyncset.done $0x0  }
0x28: {  	[sflag:s15] =	ssyncadd.s32 $0xFFFFFFD8  }
0x29: {  	[bflag:$0x0] =	sbarrier.arrive $0xFFFF  }
0x2a: {  	[tilespmem:s20], [sflag:$0x5] =	stream.linear.gather [hbm4b:s10+s3], $0x4000, $0x38;
	[tilespmem:$0x14940] =	vst v63  }
0x2b: {  	_ =	swait.ge [sflag:s15], $0x4000  }
0x2c: {  	[sflag:s15] =	ssyncset.done $0x0  }
0x2d: {  	[sflag:s15] =	ssyncadd.s32 $0xFFFFC000  }
0x2e: {  	[spmem:s1] =	stream.indirect.scatter.add.f32 [tilespmem:s20], [sflag:$0x1], $0x80, s3, s21, $0xb8;
	[tilespmem:$0x14940] =	vst v63  }
0x2f: {  	_ = 	snop  }
0x30: {  	[spmem:s2] =	stream.indirect.scatter.add.f32 [tilespmem:s16], [sflag:$0x2], $0x1, s3, s21, $0xb8;
	[tilespmem:$0x14940] =	vst v63  }
0x31: {  	_ = 	snop  }
0x32: {  	[tilespmem:s22], [sflag:$0x5] =	stream.linear.gather [hbm4b:s12+s3], $0x4000, $0x38;
	[tilespmem:$0x14940] =	vst v63  }
0x33: {  	_ =	swait.ge [sflag:s15], $0x4000  }
0x34: {  	[sflag:s15] =	ssyncset.done $0x0  }
0x35: {  	[sflag:s15] =	ssyncadd.s32 $0xFFFFC000  }
0x36: {  	[spmem:s1] =	stream.indirect.scatter.add.f32 [tilespmem:s22], [sflag:$0x3], $0x80, s21, s21, $0xb8;
	[tilespmem:$0x14940] =	vst v63  }
0x37: {  	s14 =	simm.s32 $0x1480  }
0x38: {  	[spmem:s2] =	stream.indirect.scatter.add.f32 [tilespmem:s14], [sflag:$0x4], $0x1, s21, s21, $0xb8;
	[tilespmem:$0x14940] =	vst v63  }
0x39: {  	_ =	swait.ge [sflag:s24], $0x4000  }
0x3a: {  	[sflag:s24] =	ssyncset.done $0x0  }
0x3b: {  	[sflag:s24] =	ssyncadd.s32 $0xFFFFC000  }
0x3c: {  	_ =	swait.ge [sflag:s25], $0x80  }
0x3d: {  	[sflag:s25] =	ssyncset.done $0x0  }
0x3e: {  	[sflag:s25] =	ssyncadd.s32 $0xFFFFFF80  }
0x3f: {  	[tilespmem:s20], [sflag:$0x5] =	stream.linear.gather [hbm4b:s13+s3], $0x4000, $0x38;
	[tilespmem:$0x14940] =	vst v63  }
0x40: {  	_ =	swait.ge [sflag:s15], $0x4000  }
0x41: {  	[sflag:s15] =	ssyncset.done $0x0  }
0x42: {  	s23 =	simm.s32 $0x100;
	[sflag:s15] =	ssyncadd.s32 $0xFFFFC000  }
0x43: {  	[spmem:s1] =	stream.indirect.scatter.add.f32 [tilespmem:s20], [sflag:$0x1], $0x80, s23, s21, $0xb8;
	[tilespmem:$0x14940] =	vst v63  }
0x44: {  	s5 =	simm.s32 $0x1500  }
0x45: {  	[spmem:s2] =	stream.indirect.scatter.add.f32 [tilespmem:s5], [sflag:$0x2], $0x1, s23, s21, $0xb8;
	[tilespmem:$0x14940] =	vst v63  }
0x46: {  	_ =	swait.ge [sflag:s26], $0x4000  }
0x47: {  	[sflag:s26] =	ssyncset.done $0x0  }
0x48: {  	[sflag:s26] =	ssyncadd.s32 $0xFFFFC000  }
0x49: {  	p2 =	sgt.u32 s0, $0x270;
	_ =	swait.ge [sflag:s28], $0x80  }
0x4a: {  	s4 =	sadd.s32 @!p2 $0x8000, s13;
	s30 =	simm.s32 @!p2 $0x5;
	[sflag:s28] =	ssyncset.done $0x0  }
0x4b: {  	s14 =	simm.s32 @!p2 $0x6800;
	s5 =	simm.s32 @!p2 $0x0;
	[sflag:s28] =	ssyncadd.s32 $0xFFFFFF80  }
0x4c: {  	[tilespmem:s14], [sflag:$0x5] =	stream.linear.gather @!p2 [hbm4b:s4+s5], $0x4000, $0x38;
	[tilespmem:$0x14940] =	vst v63  }
0x4d: {  	_ =	swait.ge @!p2 [sflag:s30], $0x4000  }
0x4e: {  	s31 =	smov.u32 s13;
	[sflag:s30] =	ssyncset.done @!p2 $0x0  }
0x4f: {  	s23 =	simm.s32 @!p2 $0x180;
	s5 =	simm.s32 @!p2 $0x80;
	[sflag:s30] =	ssyncadd.s32 @!p2 $0xFFFFC000  }
0x50: {  	[spmem:s1] =	stream.indirect.scatter.add.f32 @!p2 [tilespmem:s14], [sflag:$0x3], $0x80, s23, s5, $0xb8;
	[tilespmem:$0x14940] =	vst v63  }
0x51: {  	s4 =	simm.s32 @!p2 $0x1580;
	s30 =	simm.s32 $0x400;
	s14 =	smov.u32 s0  }
.LBB2_2:
0x52: {  	s31 =	sadd.s32 $0x10000, s31  }
0x53: {  	s14 =	sadd.s32 $0x20, s14;
	s6 =	smov.u32 s30;
	s30 =	sadd.s32 $0x400, s30  }
0x54: {  	[spmem:s2] =	stream.indirect.scatter.add.f32 @!p2 [tilespmem:s4], [sflag:$0x4], $0x1, s23, s5, $0xb8;
	[tilespmem:$0x14940] =	vst v63  }
0x55: {  	p1 =	sne.s32 s30, $0x4C00;
	_ =	swait.ge [sflag:s24], $0x4000  }
0x56: {  	[sflag:s24] =	ssyncset.done $0x0  }
0x57: {  	[sflag:s24] =	ssyncadd.s32 $0xFFFFC000  }
0x58: {  	_ =	swait.ge [sflag:s25], $0x80  }
0x59: {  	[sflag:s25] =	ssyncset.done $0x0  }
0x5a: {  	[sflag:s25] =	ssyncadd.s32 $0xFFFFFF80  }
0x5b: {  	[tilespmem:s20], [sflag:$0x5] =	stream.linear.gather [hbm4b:s31+s3], $0x4000, $0x38;
	[tilespmem:$0x14940] =	vst v63  }
0x5c: {  	_ =	swait.ge [sflag:s15], $0x4000  }
0x5d: {  	s4 =	sshra.s32 s6, $0x2;
	[sflag:s15] =	ssyncset.done $0x0  }
0x5e: {  	s5 =	sadd.s32 $0x100, s4;
	[sflag:s15] =	ssyncadd.s32 $0xFFFFC000  }
0x5f: {  	[spmem:s1] =	stream.indirect.scatter.add.f32 [tilespmem:s20], [sflag:$0x1], $0x80, s5, s21, $0xb8;
	[tilespmem:$0x14940] =	vst v63  }
0x60: {  	s4 =	sadd.s32 $0x1500, s4  }
0x61: {  	[spmem:s2] =	stream.indirect.scatter.add.f32 [tilespmem:s4], [sflag:$0x2], $0x1, s5, s21, $0xb8;
	[tilespmem:$0x14940] =	vst v63  }
0x62: {  	_ =	swait.ge [sflag:s26], $0x4000  }
0x63: {  	[sflag:s26] =	ssyncset.done $0x0  }
0x64: {  	[sflag:s26] =	ssyncadd.s32 $0xFFFFC000  }
0x65: {  	_ =	swait.ge [sflag:s28], $0x80  }
0x66: {  	p2 =	sgt.u32 s14, $0x270;
	[sflag:s28] =	ssyncset.done $0x0  }
0x67: {  	s4 =	sadd.s32 @!p2 $0x8000, s31;
	s5 =	simm.s32 @!p2 $0x0;
	[sflag:s28] =	ssyncadd.s32 $0xFFFFFF80  }
0x68: {  	s7 =	simm.s32 @!p2 $0x6800;
	s8 =	simm.s32 @!p2 $0x5;
	s6 =	sshra.s32 @!p2 s6, $0x2  }
0x69: {  	[tilespmem:s7], [sflag:$0x5] =	stream.linear.gather @!p2 [hbm4b:s4+s5], $0x4000, $0x38;
	[tilespmem:$0x14940] =	vst v63  }
.Ltmp0:
0x6a: {  	_ = 	snop;
	(pc) =	sbr.rel @p1 .LBB2_2-.Ltmp0, $4  }
0x6b: {  	s4 =	sadd.s32 @!p2 $0x1580, s6;
	_ =	swait.ge @!p2 [sflag:s8], $0x4000  }
0x6c: {  	s23 =	sadd.s32 @!p2 $0x180, s6;
	s5 =	simm.s32 @!p2 $0x80;
	[sflag:s8] =	ssyncset.done @!p2 $0x0  }
0x6d: {  	[sflag:s8] =	ssyncadd.s32 @!p2 $0xFFFFC000  }
0x6e: {  	[spmem:s1] =	stream.indirect.scatter.add.f32 @!p2 [tilespmem:s7], [sflag:$0x3], $0x80, s23, s5, $0xb8;
	[tilespmem:$0x14940] =	vst v63  }
0x6f: {  	[spmem:s2] =	stream.indirect.scatter.add.f32 @!p2 [tilespmem:s4], [sflag:$0x4], $0x1, s23, s5, $0xb8;
	[tilespmem:$0x14940] =	vst v63  }
0x70: {  	_ =	swait.ge [sflag:s24], $0x4000  }
0x71: {  	[sflag:s24] =	ssyncset.done $0x0  }
0x72: {  	[sflag:s24] =	ssyncadd.s32 $0xFFFFC000  }
0x73: {  	_ =	swait.ge [sflag:s25], $0x80  }
0x74: {  	[sflag:s25] =	ssyncset.done $0x0  }
0x75: {  	s4 =	simm.s32 @!p0 $0x3;
	[sflag:s25] =	ssyncadd.s32 $0xFFFFFF80  }
0x76: {  	_ =	swait.ge @!p0 [sflag:s4], $0x4000  }
0x77: {  	[sflag:s4] =	ssyncset.done @!p0 $0x0  }
0x78: {  	[sflag:s4] =	ssyncadd.s32 @!p0 $0xFFFFC000;
	s4 =	simm.s32 @!p0 $0x4  }
0x79: {  	_ =	swait.ge @!p0 [sflag:s4], $0x80  }
0x7a: {  	[sflag:s4] =	ssyncset.done @!p0 $0x0  }
0x7b: {  	[sflag:s4] =	ssyncadd.s32 @!p0 $0xFFFFFF80  }
0x7c: {  	[bflag:$0x0] =	sbarrier.arrive $0xFFFF  }
0x7d: {  	s31 =	rddreg [dreg:$0x8]  }
0x7e: {  	[hbm:s31], [sflag:s17] =	dma.local [spmem:s18], $0x1400  }
0x7f: {  	s29 =	sadd.s32 $0x1, s29;
	_ =	swait.ge [sflag:s15], $0x1400  }
0x80: {  	p1 =	sne.s32 s29, s11;
	[sflag:s15] =	ssyncset.done $0x0  }
.Ltmp1:
0x81: {  	[sflag:s15] =	ssyncadd.s32 $0xFFFFEC00;
	(pc) =	sbr.rel @p1 .LBB2_1-.Ltmp1, $4  }
0x82: {  	[hbm:s9], [sflag:s17] =	dma.local [spmem:s19], $0x28  }
0x83: {  	_ =	swait.ge [sflag:s15], $0x28  }
0x84: {  	[sflag:s15] =	ssyncset.done $0x0  }
0x85: {  	[sflag:s15] =	ssyncadd.s32 $0xFFFFFFD8  }
0x86: {  	_ =	sfence.sel $0x180000  }
0x87: {  	[bflag:$0x0] =	sbarrier.arrive $0xFFFF  }
0x88: {  	_ =	strace $0x9000004D  }
0x89: {  	[bflag:$0x2] =	sbarrier.arrive $0xFFFF  }
0x8a: {  	s0 =	rddreg [dreg:$0x3]  }
0x8b: {  	s0 =	sadd.s32 @!p0 $0x100000, s0  }
0x8c: {  	[sflag:s0] =	ssyncadd.tile.s32 @!p0 $0x1;
	_ =	shalt  }
.Lfunc_end2:
_tile_overlayer_lowered:
.L_overlay_start_2:
0x8d: {  	(tag) =	ssettag $0x2  }
0x8e: {  	s0 =	rddreg [dreg:$0x0];
	s2 =	stileid.u32  }
0x8f: {  	s1 =	rddreg [dreg:$0x1];
	p0 =	sne.s32 s2, $0x0  }
0x90: {  	s3 =	rddreg [dreg:$0x2];
	[bflag:$0x3] =	sbarrier.arrive $0xFFFF;
	s2 =	simm.s32 @!p0 $0x1C05  }
0x91: {  	[timem:s3], [sflag:s2] =	dma.local @!p0 [hbm:s0], s1  }
0x92: {  	s0 =	simm.s32 @!p0 $0x5  }
0x93: {  	_ =	swait.ge @!p0 [sflag:s0], s1  }
0x94: {  	s1 =	ssub.s32 @!p0 $0x0, s1;
	[sflag:s0] =	ssyncset.done @!p0 $0x0  }
0x95: {  	[sflag:s0] =	ssyncadd.s32 @!p0 s1  }
0x96: {  	[bflag:$0x3] =	sbarrier.arrive $0xFFFF  }
0x97: {  	_ =	shalt  }

// kernel: kernel.16.cloned.1.call-start
scs
__scs_entry_jumppad:
0x0: {  	(pc) =	sbr.rel $0x88, $3  }
0x1: {  	(tag) =	ssettag $0x0;
	lr =	simm.s32 $0x1  }
0x2: {  	[smem:$0x3F8F] =	sst lr;
	_ =	strace $0xD0000000  }
0x3: {  	_ = 	snop  }
0x4: {  	_ = 	snop  }
0x5: {  	_ = 	snop  }
0x6: {  	_ = 	snop  }
0x7: {  	_ = 	snop  }
__scs_overlays_trampoline_lowered:
0x8: {  	[smem:$0x3F9E] =	sst s0  }
0x9: {  	[smem:$0x3F9F] =	sst s1  }
0xa: {  	[smem:$0x3FA0] =	sst s2  }
0xb: {  	[smem:$0x3FA1] =	sst s3  }
0xc: {  	[smem:$0x3FA2] =	sst s4  }
0xd: {  	[smem:$0x3FA3] =	sst s5  }
0xe: {  	[smem:$0x3FA4] =	sst s6  }
0xf: {  	[smem:$0x3FA5] =	sst s7  }
0x10: {  	[smem:$0x3FA6] =	sst s8  }
0x11: {  	[smem:$0x3FA7] =	sst s9;
	s0 =	simm.s32 @!p0 $0x0  }
0x12: {  	s1 =	sld [smem:$0x3F8D];
	s0 =	simm.s32 @p0 $0x1  }
0x13: {  	[smem:$0x3FA8] =	sst s0;
	s0 =	simm.s32 @!p1 $0x0  }
0x14: {  	s2 =	sld [smem:$0x3F8C];
	s0 =	simm.s32 @p1 $0x1  }
0x15: {  	[smem:$0x3FA9] =	sst s0;
	s0 =	simm.s32 @!p2 $0x0  }
0x16: {  	s3 =	sld [smem:$0x3FDB];
	s0 =	simm.s32 @p2 $0x1  }
0x17: {  	s4 =	simm.s32 $0x1BF5;
	[smem:$0x3FAB] =	sst s0  }
0x18: {  	s0 =	sld [smem:$0x3F8E];
	_ =	swait.ge [sflag:s4], $0x0  }
0x19: {  	s7 =	sld [smem:$0x3F8F]  }
0x1a: {  	s8 =	sadd.s32 $0xFFFFE003, lr  }
0x1b: {  	s9 =	sadd.s32 $0xFFFFFEF7, lr;
	s5 =	simm.s32 $0xFFFFFFFF;
	p2 =	slt.u32 s8, $0xFFFFF086  }
0x1c: {  	p1 =	slt.u32 s9, $0xF7A;
	s5 =	simm.s32 @!p2 $0x0  }
0x1d: {  	s5 =	simm.s32 @p1 $0x1;
	p0 =	seq.s32 s7, s2  }
0x1e: {  	s7 =	smul.u32 @!p0 $0xF7A, s2;
	p2 =	seq.s32 @!p0 s5, $0x0  }
0x1f: {  	s9 =	smul.u32 $0xF7A, s1;
	s8 =	simm.s32 @!p0 $0x1BF5;
	p2 =	por !p2, p0  }
0x20: {  	[sflag:s8] =	ssyncset.s32 @!p0 $0xFFFFF086;
	s6 =	sadd.s32 @!p0 s3, s7;
	s7 =	simm.s32 @!p0 $0x108  }
0x21: {  	s3 =	sadd.s32 s3, s9;
	s6 =	sadd.s32 @!p0 $0x88, s6;
	s7 =	simm.s32 @p2 $0x1082  }
0x22: {  	[simem:s7], [sflag:s8] =	dma.local @!p0 [hbm:s6], $0xF7A  }
0x23: {  	s9 =	sor.u32 $0xD0000000, s2;
	s6 =	simm.s32 $0x108;
	_ =	swait.ge @!p0 [sflag:s8], $0x0  }
0x24: {  	s3 =	sadd.s32 $0x88, s3;
	s6 =	simm.s32 @!p1 $0x1082;
	[sflag:s4] =	ssyncset.s32 $0xFFFFF086  }
0x25: {  	[simem:s6], [sflag:s4] =	dma.local [hbm:s3], $0xF7A  }
0x26: {  	[smem:$0x3F8F] =	sst s1;
	(tag) =	ssettag s2;
	_ =	strace s9  }
0x27: {  	s1 =	sld [smem:$0x3F9F]  }
0x28: {  	s2 =	sld [smem:$0x3FA0]  }
0x29: {  	s4 =	sld [smem:$0x3FA2]  }
0x2a: {  	p0 =	seq.s32 s5, $0x0;
	s5 =	sld [smem:$0x3FA3]  }
0x2b: {  	s6 =	sld [smem:$0x3FA4]  }
0x2c: {  	s7 =	sld [smem:$0x3FA5]  }
0x2d: {  	s3 =	simm.s32 $0x108;
	s8 =	sld [smem:$0x3FA6]  }
0x2e: {  	s3 =	simm.s32 @!p0 $0x1082;
	s9 =	sld [smem:$0x3FA7]  }
0x2f: {  	lr =	sadd.s32 s0, s3;
	s0 =	sld [smem:$0x3F9E]  }
0x30: {  	s3 =	sld [smem:$0x3FA1]  }
0x31: {  	[smem:$0x3FAA] =	sst s10  }
0x32: {  	s10 =	sld [smem:$0x3FA8];
	_ =	sdelay $0x3  }
0x33: {  	p0 =	seq.s32 s10, $0x1;
	s10 =	sld [smem:$0x3FAA];
	_ =	sdelay $0x3  }
0x34: {  	[smem:$0x3FAA] =	sst s10  }
0x35: {  	s10 =	sld [smem:$0x3FA9];
	_ =	sdelay $0x3  }
0x36: {  	p1 =	seq.s32 s10, $0x1;
	s10 =	sld [smem:$0x3FAA];
	_ =	sdelay $0x3  }
0x37: {  	[smem:$0x3FAA] =	sst s10  }
0x38: {  	s10 =	sld [smem:$0x3FAB]  }
0x39: {  	_ = 	snop;
	(pc) =	sbr.ind lr, $3  }
0x3a: {  	_ = 	snop  }
0x3b: {  	_ = 	snop  }
0x3c: {  	p2 =	seq.s32 s10, $0x1;
	s10 =	sld [smem:$0x3FAA]  }
0x3d: {  	_ =	shalt  }
0x3e: {  	_ =	shalt  }
0x3f: {  	_ =	shalt  }
0x40: {  	_ =	shalt  }
0x41: {  	_ =	shalt  }
0x42: {  	_ =	shalt  }
0x43: {  	_ =	shalt  }
0x44: {  	_ =	shalt  }
0x45: {  	_ =	shalt  }
0x46: {  	_ =	shalt  }
0x47: {  	_ =	shalt  }
0x48: {  	_ =	shalt  }
0x49: {  	_ =	shalt  }
0x4a: {  	_ =	shalt  }
0x4b: {  	_ =	shalt  }
0x4c: {  	_ =	shalt  }
0x4d: {  	_ =	shalt  }
0x4e: {  	_ =	shalt  }
0x4f: {  	_ =	shalt  }
0x50: {  	_ =	shalt  }
0x51: {  	_ =	shalt  }
0x52: {  	_ =	shalt  }
0x53: {  	_ =	shalt  }
0x54: {  	_ =	shalt  }
0x55: {  	_ =	shalt  }
0x56: {  	_ =	shalt  }
0x57: {  	_ =	shalt  }
0x58: {  	_ =	shalt  }
0x59: {  	_ =	shalt  }
0x5a: {  	_ =	shalt  }
0x5b: {  	_ =	shalt  }
0x5c: {  	_ =	shalt  }
0x5d: {  	_ =	shalt  }
0x5e: {  	_ =	shalt  }
0x5f: {  	_ =	shalt  }
0x60: {  	_ =	shalt  }
0x61: {  	_ =	shalt  }
0x62: {  	_ =	shalt  }
0x63: {  	_ =	shalt  }
0x64: {  	_ =	shalt  }
0x65: {  	_ =	shalt  }
0x66: {  	_ =	shalt  }
0x67: {  	_ =	shalt  }
0x68: {  	_ =	shalt  }
0x69: {  	_ =	shalt  }
0x6a: {  	_ =	shalt  }
0x6b: {  	_ =	shalt  }
0x6c: {  	_ =	shalt  }
0x6d: {  	_ =	shalt  }
0x6e: {  	_ =	shalt  }
0x6f: {  	_ =	shalt  }
0x70: {  	_ =	shalt  }
0x71: {  	_ =	shalt  }
0x72: {  	_ =	shalt  }
0x73: {  	_ =	shalt  }
0x74: {  	_ =	shalt  }
0x75: {  	_ =	shalt  }
0x76: {  	_ =	shalt  }
0x77: {  	_ =	shalt  }
0x78: {  	_ =	shalt  }
0x79: {  	_ =	shalt  }
0x7a: {  	_ =	shalt  }
0x7b: {  	_ =	shalt  }
0x7c: {  	_ =	shalt  }
0x7d: {  	_ =	shalt  }
0x7e: {  	_ =	shalt  }
0x7f: {  	_ =	shalt  }
0x80: {  	_ =	shalt  }
0x81: {  	_ =	shalt  }
0x82: {  	_ =	shalt  }
0x83: {  	_ =	shalt  }
0x84: {  	_ =	shalt  }
0x85: {  	_ =	shalt  }
0x86: {  	_ =	shalt  }
0x87: {  	_ =	shalt  }
.Lfunc_end0:
.L_simem_size_0:
called_computation.2_lowered:
.L_overlay_start_0:
0x88: {  	s2 =	sld [smem:$0x3FD9]  }
0x89: {  	s3 =	sld [smem:$0x3FFE];
	_ =	sdelay $0x1  }
0x8a: {  	s1 =	srdreg.scid  }
0x8b: {  	s0 =	sand.u32 $0x1, s1  }
0x8c: {  	s17 =	sshll.u32 s0, $0xA;
	s2 =	sadd.s32 s3, s2  }
0x8d: {  	s2 =	sadd.s32 s2, s17  }
0x8e: {  	[smem:$0x3FB6] =	sst s2  }
0x8f: {  	_ = 	snop  }
0x90: {  	s18 =	sld [smem:$0x3FD0];
	(tm) =	ssettm $0x1  }
0x91: {  	s19 =	sld [smem:$0x3FFB];
	_ =	sdelay $0x3  }
0x92: {  	_ =	strace s19  }
0x93: {  	s2 =	sld [smem:$0x3FFC];
	_ =	sdelay $0x3  }
0x94: {  	_ =	strace s2  }
0x95: {  	s2 =	sld [smem:$0x3FFD];
	_ =	sdelay $0x3  }
0x96: {  	_ =	strace s2  }
0x97: {  	_ =	strace $0x8FFFFFFF  }
0x98: {  	s20 =	sld [smem:$0x3FDB];
	_ =	sdelay $0x1  }
0x99: {  	s4 =	simm.s32 $_scs_section_size  }
0x9a: {  	s5 =	simm.s32 $_size__tile_overlayer_lowered;
	s6 =	simm.s32 $_tile_overlayer_lowered  }
0x9b: {  	s7 =	simm.s32 $0x1BFF;
	s21 =	sshll.u32 s6, $0x1;
	s4 =	sadd.s32 s4, s20  }
0x9c: {  	s22 =	simm.s32 $0x0;
	s5 =	sshll.u32 s5, $0x1;
	s6 =	sadd.s32 s21, s4  }
0x9d: {  	[timem:s22], [sflag:s7] =	dma.local [hbm:s6], s5  }
0x9e: {  	_ =	swait.ge [sflag:s7], s5  }
0x9f: {  	s5 =	ssub.s32 $0x0, s5;
	[sflag:s7] =	ssyncset.done $0x0  }
0xa0: {  	[sflag:s7] =	ssyncadd.s32 s5;
	_ =	sdelay $0x1  }
0xa1: {  	s23 =	simm.s32 $0x1B8B  }
0xa2: {  	_ =	swait.ge [sflag:s23], $0x1  }
0xa3: {  	[sflag:s23] =	ssyncset.done $0x0  }
0xa4: {  	[sflag:s23] =	ssyncadd.s32 $0xFFFFFFFF  }
0xa5: {  	s5 =	sld [smem:$0x0]  }
0xa6: {  	s6 =	sand.u32 $0xFFFFFFFE, s1  }
0xa7: {  	p0 =	sne.s32 s1, s6  }
0xa8: {  	s6 =	sshll.u32 @p0 s6, $0xE  }
0xa9: {  	s6 =	sadd.s32 @p0 $0x11B8D, s6;
	s7 =	sshll.u32 @p0 s5, $0x11  }
0xaa: {  	s6 =	sor.u32 @p0 s7, s6  }
0xab: {  	[sflag:s6] =	ssyncadd.remote.s32 @p0 $0x1;
	_ =	sdelay $0x1  }
0xac: {  	s6 =	simm.s32 @p0 $0x1B8D  }
0xad: {  	_ =	swait.eq @p0 [sflag:s6], $0x1  }
0xae: {  	[sflag:s6] =	ssyncadd.s32 @p0 $0xFFFFFFFF  }
0xaf: {  	s7 =	sshll.u32 @!p0 s1, $0xE  }
0xb0: {  	s7 =	sor.u32 @!p0 $0x4000, s7;
	s6 =	simm.s32 @!p0 $0x1B8D  }
0xb1: {  	s5 =	sshll.u32 @!p0 s5, $0x11;
	s7 =	sadd.s32 @!p0 $0x11B8D, s7;
	_ =	swait.eq @!p0 [sflag:s6], $0x1  }
0xb2: {  	s5 =	sor.u32 @!p0 s5, s7;
	[sflag:s6] =	ssyncadd.s32 @!p0 $0xFFFFFFFF  }
0xb3: {  	s25 =	simm.s32 $0x1B8E;
	s24 =	sld [smem:$0x3FFE];
	[sflag:s5] =	ssyncadd.remote.s32 @!p0 $0x1  }
0xb4: {  	s26 =	simm.s32 $execute0_lowered;
	[smem:$0x3FD2] =	sst s25  }
0xb5: {  	s6 =	sshll.u32 s26, $0x1;
	_ =	strace $0x80000049;
	[dreg:$0x1] =	wrdreg $0xFFFFFFFF  }
0xb6: {  	s28 =	simm.s32 $_size_execute0_lowered;
	s4 =	sadd.s32 s4, s6;
	[dreg:$0x0] =	wrdreg $0x0  }
0xb7: {  	s6 =	sshll.u32 s28, $0x1;
	[dreg:$0x2] =	wrdreg s4  }
0xb8: {  	[dreg:$0x3] =	wrdreg s6  }
0xb9: {  	[dreg:$0x4] =	wrdreg $0xC0  }
0xba: {  	_ =	task [dreg:s22], $0x5FFFF  }
0xbb: {  	[dreg:$0x1] =	wrdreg $0xFFFFFFFF  }
0xbc: {  	[dreg:$0x0] =	wrdreg $0x60  }
0xbd: {  	[dreg:$0x2] =	wrdreg s24  }
0xbe: {  	[dreg:$0x3] =	wrdreg s18  }
0xbf: {  	[dreg:$0x4] =	wrdreg $0x128000  }
0xc0: {  	[dreg:$0x5] =	wrdreg $0xA  }
0xc1: {  	_ =	task.clear_ibuf [dreg:s22], $0x6FFFF;
	_ =	strace $0x90000049  }
0xc2: {  	s29 =	simm.s32 $0xA;
	_ =	strace $0x8000004B  }
0xc3: {  	_ =	swait.ge [sflag:s29], $0x1  }
0xc4: {  	[sflag:s29] =	ssyncadd.s32 $0xFFFFFFFF  }
0xc5: {  	_ =	strace $0x9000004B  }
0xc6: {  	_ =	sfence  }
0xc7: {  	s30 =	sld [smem:$0x0];
	_ =	sdelay $0x2  }
0xc8: {  	s31 =	sshll.u32 s1, $0xD;
	s1 =	sshrl.u32 s1, $0x2  }
0xc9: {  	s4 =	sand.u32 $0x4000, s31;
	s1 =	sadd.s32 s1, s30  }
0xca: {  	s0 =	sor.u32 s4, s0;
	s1 =	sshll.u32 s1, $0x11  }
0xcb: {  	s0 =	sor.u32 s1, s0  }
0xcc: {  	s0 =	sadd.s32 $0x8F2B, s0  }
0xcd: {  	[sflag:s0] =	ssyncadd.remote.s32 $0x1  }
0xce: {  	_ =	sfence.sel $0xFFFF  }
0xcf: {  	[dreg:$0x0] =	wrdreg $0xFFFFFFFF;
	(pc) =	sbr.abs _section_cstart, $3  }
0xd0: {  	[dreg:$0x1] =	wrdreg $0xFFFFFFFF  }
0xd1: {  	_ =	task.clear_ibuf [dreg:s22], $0x2FFFF;
	_ =	strace $0x9FFFFFFF  }
0xd2: {  	(tm) =	ssettm $0x7FFFFFFF  }
0xd3: {  	_ =	shalt  }
tec
execute0_lowered:
.L_overlay_start_1:
0x0: {  	(tag) =	ssettag $0x1  }
0x1: {  	s0 =	rddreg [dreg:$0x0]  }
0x2: {  	s1 =	rddreg [dreg:$0x1]  }
0x3: {  	s2 =	rddreg [dreg:$0x2]  }
0x4: {  	s14 =	stileid.u32;
	s3 =	srdreg.scid  }
0x5: {  	s28 =	simm.s32 $0xE800;
	s29 =	simm.s32 $0x1;
	s30 =	simm.s32 $0x2  }
0x6: {  	s31 =	simm.s32 $0x3;
	s7 =	sand.u32 $0x1, s3;
	s5 =	smul.u32 $0x1400, s14  }
0x7: {  	s4 =	sshll.u32 s14, $0x1;
	s3 =	simm.s32 $0x0;
	s13 =	smul.u32 $0x28000, s14  }
0x8: {  	s6 =	sadd.s32 $0x78E600, s0;
	s17 =	sshll.u32 s14, $0x6;
	s24 =	sshll.u32 s14, $0xC  }
0x9: {  	s8 =	sor.u32 s7, s4;
	[smem:$0x7FF] =	sst s3;
	s4 =	sadd.s32 $0x18600, s0  }
0xa: {  	s12 =	ssub.s32 $0x2, s7;
	s18 =	sor.u32 $0x1C09, s17;
	s7 =	sshll.u32 s7, $0xB  }
0xb: {  	s9 =	smul.u32 $0x280, s8;
	_ =	strace $0x8000004A;
	s10 =	sadd.s32 s5, s0  }
0xc: {  	s5 =	sadd.s32 $0x51D600, s0;
	s15 =	sshrl.u32 s12, $0x1;
	s16 =	sshrl.u32 s13, $0x2  }
0xd: {  	[dreg:$0x5] =	wrdreg s18;
	s20 =	sshll.u32 s8, $0xB;
	s18 =	sor.u32 $0x60, s8  }
0xe: {  	s8 =	simm.s32 $0x8;
	s10 =	sadd.s32 $0x4600, s10;
	s21 =	sadd.s32 s5, s20  }
0xf: {  	s22 =	sor.u32 $0x10000, s20;
	s25 =	sadd.s32 s24, s5;
	s11 =	sadd.s32 s9, s0  }
0x10: {  	s0 =	ssub.s32 s12, s15;
	s12 =	sadd.s32 s16, s2;
	[dreg:$0x4] =	wrdreg s10  }
0x11: {  	s1 =	sadd.s32 s1, s9;
	[dreg:$0x9] =	wrdreg s21;
	s23 =	sadd.s32 s5, s22  }
0x12: {  	s26 =	sadd.s32 s7, s25;
	s21 =	simm.s32 $0x1400;
	s25 =	simm.s32 $0xA800  }
0x13: {  	s9 =	simm.s32 $0x0;
	s19 =	sadd.s32 $0x518600, s11;
	[dreg:$0x7] =	wrdreg s1  }
0x14: {  	s0 =	smax.u32 s0, $0x1;
	s1 =	sadd.s32 s6, s20;
	[dreg:$0xb] =	wrdreg s23  }
0x15: {  	s16 =	sadd.s32 $0x20000, s26;
	s20 =	simm.s32 $0x9;
	[dreg:$0x6] =	wrdreg s19  }
0x16: {  	s23 =	simm.s32 $0x2800;
	s26 =	simm.s32 $0x6;
	[dreg:$0x8] =	wrdreg s0  }
0x17: {  	[dreg:$0xa] =	wrdreg s1;
	s1 =	sadd.s32 s24, s6;
	s0 =	sadd.s32 s6, s22  }
0x18: {  	s19 =	sshrl.u32 s12, $0x3;
	s22 =	simm.s32 $0x80;
	s24 =	simm.s32 $0x6800  }
0x19: {  	[dreg:$0xc] =	wrdreg s0;
	s1 =	sadd.s32 s7, s1;
	s0 =	simm.s32 $0x4  }
0x1a: {  	s7 =	simm.s32 $0x7;
	s17 =	sadd.s32 $0x20000, s1;
	s1 =	simm.s32 $0x5  }
.LBB2_1:
0x1b: {  	s10 =	rddreg [dreg:$0x4]  }
0x1c: {  	s11 =	rddreg [dreg:$0x5]  }
0x1d: {  	[spmem:s19], [sflag:s11] =	dma.local [hbm:s10], $0x1400  }
0x1e: {  	_ =	swait.ge [sflag:s20], $0x1400  }
0x1f: {  	[sflag:s20] =	ssyncset.done $0x0  }
0x20: {  	s15 =	rddreg [dreg:$0x6];
	[sflag:s20] =	ssyncadd.s32 $0xFFFFEC00  }
0x21: {  	[tilespmem:s3], [sflag:$0x9] =	stream.linear.gather [hbm4b:s15+s3], $0x1400, $0x38;
	[tilespmem:$0x1C800] =	vst v63  }
0x22: {  	_ =	swait.ge [sflag:s20], $0x1400  }
0x23: {  	[sflag:s20] =	ssyncset.done $0x0  }
0x24: {  	s11 =	rddreg [dreg:$0x7];
	[sflag:s20] =	ssyncadd.s32 $0xFFFFEC00  }
0x25: {  	[tilespmem:s21], [sflag:$0x9] =	stream.linear.gather [hbm4b:s11+s3], $0x1400, $0x38;
	[tilespmem:$0x1C800] =	vst v63  }
0x26: {  	_ =	swait.ge [sflag:s20], $0x1400  }
0x27: {  	[sflag:s20] =	ssyncset.done $0x0  }
0x28: {  	[sflag:s20] =	ssyncadd.s32 $0xFFFFEC00  }
0x29: {  	[bflag:$0x0] =	sbarrier.arrive $0xFFFF  }
0x2a: {  	[tilespmem:s23], [sflag:$0x1] =	stream.indirect.gather [spmem:s2], $0x80, s3, s22, $0xb8;
	[tilespmem:$0x1C800] =	vst v63  }
0x2b: {  	_ = 	snop  }
0x2c: {  	[tilespmem:s24], [sflag:$0x2] =	stream.indirect.gather [hbm4b:s4+s22], $0x80, s21, s22, $0xb8;
	[tilespmem:$0x1C800] =	vst v63  }
0x2d: {  	_ = 	snop  }
0x2e: {  	[tilespmem:s25], [sflag:$0x3] =	stream.indirect.gather [spmem:s2], $0x80, s22, s22, $0xb8;
	[tilespmem:$0x1C800] =	vst v63  }
0x2f: {  	s12 =	simm.s32 $0x1480  }
0x30: {  	[tilespmem:s28], [sflag:$0x4] =	stream.indirect.gather [hbm4b:s4+s22], $0x80, s12, s22, $0xb8;
	[tilespmem:$0x1C800] =	vst v63  }
0x31: {  	_ =	swait.ge [sflag:s29], $0x4000  }
0x32: {  	[sflag:s29] =	ssyncset.done $0x0  }
0x33: {  	[sflag:s29] =	ssyncadd.s32 $0xFFFFC000  }
0x34: {  	_ =	swait.ge [sflag:s30], $0x4000  }
0x35: {  	[sflag:s30] =	ssyncset.done $0x0  }
0x36: {  	s13 =	rddreg [dreg:$0x9];
	[sflag:s30] =	ssyncadd.s32 $0xFFFFC000  }
0x37: {  	[hbm4b:s13+s3] =	stream.linear.scatter [tilespmem:s23], [sflag:$0x5], $0x4000, $0x38;
	[tilespmem:$0x1C800] =	vst v63  }
0x38: {  	s14 =	rddreg [dreg:$0xa]  }
0x39: {  	[hbm4b:s14+s3] =	stream.linear.scatter [tilespmem:s24], [sflag:$0x6], $0x4000, $0x38;
	[tilespmem:$0x1C800] =	vst v63  }
0x3a: {  	_ =	swait.ge [sflag:s31], $0x4000  }
0x3b: {  	[sflag:s31] =	ssyncset.done $0x0  }
0x3c: {  	[sflag:s31] =	ssyncadd.s32 $0xFFFFC000  }
0x3d: {  	_ =	swait.ge [sflag:s0], $0x4000  }
0x3e: {  	[sflag:s0] =	ssyncset.done $0x0  }
0x3f: {  	s15 =	rddreg [dreg:$0xb];
	[sflag:s0] =	ssyncadd.s32 $0xFFFFC000  }
0x40: {  	[hbm4b:s15+s3] =	stream.linear.scatter [tilespmem:s25], [sflag:$0x7], $0x4000, $0x38;
	[tilespmem:$0x1C800] =	vst v63  }
0x41: {  	s11 =	rddreg [dreg:$0xc]  }
0x42: {  	[hbm4b:s11+s3] =	stream.linear.scatter [tilespmem:s28], [sflag:$0x8], $0x4000, $0x38;
	[tilespmem:$0x1C800] =	vst v63  }
0x43: {  	_ =	swait.ge [sflag:s1], $0x4000  }
0x44: {  	[sflag:s1] =	ssyncset.done $0x0  }
0x45: {  	[sflag:s1] =	ssyncadd.s32 $0xFFFFC000  }
0x46: {  	_ =	swait.ge [sflag:s26], $0x4000  }
0x47: {  	[sflag:s26] =	ssyncset.done $0x0  }
0x48: {  	s12 =	simm.s32 $0x100;
	[sflag:s26] =	ssyncadd.s32 $0xFFFFC000  }
0x49: {  	[tilespmem:s23], [sflag:$0x1] =	stream.indirect.gather [spmem:s2], $0x80, s12, s22, $0xb8;
	[tilespmem:$0x1C800] =	vst v63  }
0x4a: {  	s13 =	simm.s32 $0x1500  }
0x4b: {  	[tilespmem:s24], [sflag:$0x2] =	stream.indirect.gather [hbm4b:s4+s22], $0x80, s13, s22, $0xb8;
	[tilespmem:$0x1C800] =	vst v63  }
0x4c: {  	_ =	swait.ge [sflag:s7], $0x4000  }
0x4d: {  	[sflag:s7] =	ssyncset.done $0x0  }
0x4e: {  	[sflag:s7] =	ssyncadd.s32 $0xFFFFC000  }
0x4f: {  	_ =	swait.ge [sflag:s8], $0x4000  }
0x50: {  	[sflag:s8] =	ssyncset.done $0x0  }
0x51: {  	s14 =	simm.s32 $0x180;
	[sflag:s8] =	ssyncadd.s32 $0xFFFFC000  }
0x52: {  	[tilespmem:s25], [sflag:$0x3] =	stream.indirect.gather [spmem:s2], $0x80, s14, s22, $0xb8;
	[tilespmem:$0x1C800] =	vst v63  }
0x53: {  	s15 =	simm.s32 $0x1580  }
0x54: {  	[tilespmem:s28], [sflag:$0x4] =	stream.indirect.gather [hbm4b:s4+s22], $0x80, s15, s22, $0xb8;
	[tilespmem:$0x1C800] =	vst v63  }
0x55: {  	_ =	swait.ge [sflag:s29], $0x4000  }
0x56: {  	[sflag:s29] =	ssyncset.done $0x0  }
0x57: {  	[sflag:s29] =	ssyncadd.s32 $0xFFFFC000  }
0x58: {  	_ =	swait.ge [sflag:s30], $0x4000  }
0x59: {  	[sflag:s30] =	ssyncset.done $0x0  }
0x5a: {  	[sflag:s30] =	ssyncadd.s32 $0xFFFFC000  }
0x5b: {  	[hbm4b:s16+s3] =	stream.linear.scatter [tilespmem:s23], [sflag:$0x5], $0x4000, $0x38;
	[tilespmem:$0x1C800] =	vst v63  }
0x5c: {  	_ = 	snop  }
0x5d: {  	[hbm4b:s17+s3] =	stream.linear.scatter [tilespmem:s24], [sflag:$0x6], $0x4000, $0x38;
	[tilespmem:$0x1C800] =	vst v63  }
0x5e: {  	_ =	swait.ge [sflag:s31], $0x4000  }
0x5f: {  	[sflag:s31] =	ssyncset.done $0x0  }
0x60: {  	p0 =	slt.s32 s18, $0x4E1;
	s10 =	smov.u32 s18;
	[sflag:s31] =	ssyncadd.s32 $0xFFFFC000  }
0x61: {  	s10 =	simm.s32 @!p0 $0x4E1;
	_ =	swait.ge [sflag:s0], $0x4000  }
0x62: {  	s11 =	sadd.s32 $0x40, s18;
	s12 =	sshll.u32 s10, $0xB;
	[sflag:s0] =	ssyncset.done $0x0  }
0x63: {  	s10 =	sadd.s32 s5, s12;
	s13 =	sadd.s32 $0x20000, s17;
	[sflag:s0] =	ssyncadd.s32 $0xFFFFC000  }
0x64: {  	[hbm4b:s10+s3] =	stream.linear.scatter [tilespmem:s25], [sflag:$0x7], $0x4000, $0x38;
	[tilespmem:$0x1C800] =	vst v63  }
0x65: {  	s14 =	sadd.s32 s6, s12;
	s12 =	sadd.s32 $0x20000, s16;
	s10 =	simm.s32 $0x400  }
.LBB2_2:
0x66: {  	[hbm4b:s14+s3] =	stream.linear.scatter [tilespmem:s28], [sflag:$0x8], $0x4000, $0x38;
	[tilespmem:$0x1C800] =	vst v63  }
0x67: {  	s14 =	smov.u32 s10  }
0x68: {  	p0 =	sne.s32 s10, $0x4800;
	s10 =	sadd.s32 $0x400, s10;
	_ =	swait.ge [sflag:s1], $0x4000  }
0x69: {  	[sflag:s1] =	ssyncset.done $0x0  }
0x6a: {  	[sflag:s1] =	ssyncadd.s32 $0xFFFFC000  }
0x6b: {  	_ =	swait.ge [sflag:s26], $0x4000  }
0x6c: {  	s14 =	sshra.s32 s14, $0x2;
	[sflag:s26] =	ssyncset.done $0x0  }
0x6d: {  	s15 =	sadd.s32 $0x100, s14;
	[sflag:s26] =	ssyncadd.s32 $0xFFFFC000  }
0x6e: {  	[tilespmem:s23], [sflag:$0x1] =	stream.indirect.gather [spmem:s2], $0x80, s15, s22, $0xb8;
	[tilespmem:$0x1C800] =	vst v63  }
0x6f: {  	s15 =	sadd.s32 $0x1500, s14  }
0x70: {  	[tilespmem:s24], [sflag:$0x2] =	stream.indirect.gather [hbm4b:s4+s22], $0x80, s15, s22, $0xb8;
	[tilespmem:$0x1C800] =	vst v63  }
0x71: {  	_ =	swait.ge [sflag:s7], $0x4000  }
0x72: {  	[sflag:s7] =	ssyncset.done $0x0  }
0x73: {  	[sflag:s7] =	ssyncadd.s32 $0xFFFFC000  }
0x74: {  	_ =	swait.ge [sflag:s8], $0x4000  }
0x75: {  	[sflag:s8] =	ssyncset.done $0x0  }
0x76: {  	s15 =	sadd.s32 $0x180, s14;
	[sflag:s8] =	ssyncadd.s32 $0xFFFFC000  }
0x77: {  	[tilespmem:s25], [sflag:$0x3] =	stream.indirect.gather [spmem:s2], $0x80, s15, s22, $0xb8;
	[tilespmem:$0x1C800] =	vst v63  }
0x78: {  	s14 =	sadd.s32 $0x1580, s14  }
0x79: {  	[tilespmem:s28], [sflag:$0x4] =	stream.indirect.gather [hbm4b:s4+s22], $0x80, s14, s22, $0xb8;
	[tilespmem:$0x1C800] =	vst v63  }
0x7a: {  	_ =	swait.ge [sflag:s29], $0x4000  }
0x7b: {  	[sflag:s29] =	ssyncset.done $0x0  }
0x7c: {  	[sflag:s29] =	ssyncadd.s32 $0xFFFFC000  }
0x7d: {  	_ =	swait.ge [sflag:s30], $0x4000  }
0x7e: {  	[sflag:s30] =	ssyncset.done $0x0  }
0x7f: {  	[sflag:s30] =	ssyncadd.s32 $0xFFFFC000  }
0x80: {  	[hbm4b:s12+s3] =	stream.linear.scatter [tilespmem:s23], [sflag:$0x5], $0x4000, $0x38;
	[tilespmem:$0x1C800] =	vst v63  }
0x81: {  	_ = 	snop  }
0x82: {  	[hbm4b:s13+s3] =	stream.linear.scatter [tilespmem:s24], [sflag:$0x6], $0x4000, $0x38;
	[tilespmem:$0x1C800] =	vst v63  }
0x83: {  	_ =	swait.ge [sflag:s31], $0x4000  }
0x84: {  	[sflag:s31] =	ssyncset.done $0x0  }
0x85: {  	p1 =	slt.s32 s11, $0x4E1;
	s14 =	smov.u32 s11;
	[sflag:s31] =	ssyncadd.s32 $0xFFFFC000  }
.Ltmp0:
0x86: {  	s14 =	simm.s32 @!p1 $0x4E1;
	_ =	swait.ge [sflag:s0], $0x4000;
	(pc) =	sbr.rel @p0 .LBB2_2-.Ltmp0, $4  }
0x87: {  	s14 =	sshll.u32 s14, $0xB;
	[sflag:s0] =	ssyncset.done $0x0  }
0x88: {  	s11 =	sadd.s32 $0x40, s11;
	s15 =	sadd.s32 s5, s14;
	[sflag:s0] =	ssyncadd.s32 $0xFFFFC000  }
0x89: {  	[hbm4b:s15+s3] =	stream.linear.scatter [tilespmem:s25], [sflag:$0x7], $0x4000, $0x38;
	[tilespmem:$0x1C800] =	vst v63  }
0x8a: {  	s14 =	sadd.s32 s6, s14;
	s12 =	sadd.s32 $0x20000, s12;
	s13 =	sadd.s32 $0x20000, s13  }
0x8b: {  	[hbm4b:s14+s3] =	stream.linear.scatter [tilespmem:s28], [sflag:$0x8], $0x4000, $0x38;
	[tilespmem:$0x1C800] =	vst v63  }
0x8c: {  	_ =	swait.ge [sflag:s1], $0x4000  }
0x8d: {  	[sflag:s1] =	ssyncset.done $0x0  }
0x8e: {  	[sflag:s1] =	ssyncadd.s32 $0xFFFFC000  }
0x8f: {  	_ =	swait.ge [sflag:s26], $0x4000  }
0x90: {  	[sflag:s26] =	ssyncset.done $0x0  }
0x91: {  	[sflag:s26] =	ssyncadd.s32 $0xFFFFC000  }
0x92: {  	_ =	swait.ge [sflag:s7], $0x4000  }
0x93: {  	[sflag:s7] =	ssyncset.done $0x0  }
0x94: {  	[sflag:s7] =	ssyncadd.s32 $0xFFFFC000  }
0x95: {  	_ =	swait.ge [sflag:s8], $0x4000  }
0x96: {  	s9 =	sadd.s32 $0x1, s9;
	s10 =	rddreg [dreg:$0x8]  }
0x97: {  	p0 =	sne.s32 s9, s10  }
.Ltmp1:
0x98: {  	_ = 	snop;
	(pc) =	sbr.rel @p0 .LBB2_1-.Ltmp1, $3  }
0x99: {  	_ =	sdelay $0x1  }
0x9a: {  	[sflag:s8] =	ssyncset.done $0x0  }
0x9b: {  	[sflag:s8] =	ssyncadd.s32 $0xFFFFC000  }
0x9c: {  	_ =	sfence.sel $0x180000  }
0x9d: {  	[bflag:$0x0] =	sbarrier.arrive $0xFFFF  }
0x9e: {  	_ =	strace $0x9000004A  }
0x9f: {  	s0 =	stileid.u32;
	[bflag:$0x2] =	sbarrier.arrive $0xFFFF  }
0xa0: {  	p0 =	sne.s32 s0, $0x0;
	s0 =	rddreg [dreg:$0x3]  }
0xa1: {  	s0 =	sadd.s32 @!p0 $0x100000, s0  }
0xa2: {  	[sflag:s0] =	ssyncadd.tile.s32 @!p0 $0x1;
	_ =	shalt  }
.Lfunc_end2:
_tile_overlayer_lowered:
.L_overlay_start_2:
0xa3: {  	(tag) =	ssettag $0x2  }
0xa4: {  	s0 =	rddreg [dreg:$0x0];
	s2 =	stileid.u32  }
0xa5: {  	s1 =	rddreg [dreg:$0x1];
	p0 =	sne.s32 s2, $0x0  }
0xa6: {  	s3 =	rddreg [dreg:$0x2];
	[bflag:$0x3] =	sbarrier.arrive $0xFFFF;
	s2 =	simm.s32 @!p0 $0x1C09  }
0xa7: {  	[timem:s3], [sflag:s2] =	dma.local @!p0 [hbm:s0], s1  }
0xa8: {  	s0 =	simm.s32 @!p0 $0x9  }
0xa9: {  	_ =	swait.ge @!p0 [sflag:s0], s1  }
0xaa: {  	s1 =	ssub.s32 @!p0 $0x0, s1;
	[sflag:s0] =	ssyncset.done @!p0 $0x0  }
0xab: {  	[sflag:s0] =	ssyncadd.s32 @!p0 s1  }
0xac: {  	[bflag:$0x3] =	sbarrier.arrive $0xFFFF  }
0xad: {  	_ =	shalt  }

// kernel: kernel.19.cloned.1.call-start
scs
__scs_entry_jumppad:
0x0: {  	(pc) =	sbr.rel $0x88, $3  }
0x1: {  	(tag) =	ssettag $0x0;
	lr =	simm.s32 $0x1  }
0x2: {  	[smem:$0x3F8F] =	sst lr;
	_ =	strace $0xD0000000  }
0x3: {  	_ = 	snop  }
0x4: {  	_ = 	snop  }
0x5: {  	_ = 	snop  }
0x6: {  	_ = 	snop  }
0x7: {  	_ = 	snop  }
__scs_overlays_trampoline_lowered:
0x8: {  	[smem:$0x3F9E] =	sst s0  }
0x9: {  	[smem:$0x3F9F] =	sst s1  }
0xa: {  	[smem:$0x3FA0] =	sst s2  }
0xb: {  	[smem:$0x3FA1] =	sst s3  }
0xc: {  	[smem:$0x3FA2] =	sst s4  }
0xd: {  	[smem:$0x3FA3] =	sst s5  }
0xe: {  	[smem:$0x3FA4] =	sst s6  }
0xf: {  	[smem:$0x3FA5] =	sst s7  }
0x10: {  	[smem:$0x3FA6] =	sst s8  }
0x11: {  	[smem:$0x3FA7] =	sst s9;
	s0 =	simm.s32 @!p0 $0x0  }
0x12: {  	s1 =	sld [smem:$0x3F8D];
	s0 =	simm.s32 @p0 $0x1  }
0x13: {  	[smem:$0x3FA8] =	sst s0;
	s0 =	simm.s32 @!p1 $0x0  }
0x14: {  	s2 =	sld [smem:$0x3F8C];
	s0 =	simm.s32 @p1 $0x1  }
0x15: {  	[smem:$0x3FA9] =	sst s0;
	s0 =	simm.s32 @!p2 $0x0  }
0x16: {  	s3 =	sld [smem:$0x3FDB];
	s0 =	simm.s32 @p2 $0x1  }
0x17: {  	s4 =	simm.s32 $0x1BF5;
	[smem:$0x3FAB] =	sst s0  }
0x18: {  	s0 =	sld [smem:$0x3F8E];
	_ =	swait.ge [sflag:s4], $0x0  }
0x19: {  	s7 =	sld [smem:$0x3F8F]  }
0x1a: {  	s8 =	sadd.s32 $0xFFFFE003, lr  }
0x1b: {  	s9 =	sadd.s32 $0xFFFFFEF7, lr;
	s5 =	simm.s32 $0xFFFFFFFF;
	p2 =	slt.u32 s8, $0xFFFFF086  }
0x1c: {  	p1 =	slt.u32 s9, $0xF7A;
	s5 =	simm.s32 @!p2 $0x0  }
0x1d: {  	s5 =	simm.s32 @p1 $0x1;
	p0 =	seq.s32 s7, s2  }
0x1e: {  	s7 =	smul.u32 @!p0 $0xF7A, s2;
	p2 =	seq.s32 @!p0 s5, $0x0  }
0x1f: {  	s9 =	smul.u32 $0xF7A, s1;
	s8 =	simm.s32 @!p0 $0x1BF5;
	p2 =	por !p2, p0  }
0x20: {  	[sflag:s8] =	ssyncset.s32 @!p0 $0xFFFFF086;
	s6 =	sadd.s32 @!p0 s3, s7;
	s7 =	simm.s32 @!p0 $0x108  }
0x21: {  	s3 =	sadd.s32 s3, s9;
	s6 =	sadd.s32 @!p0 $0x88, s6;
	s7 =	simm.s32 @p2 $0x1082  }
0x22: {  	[simem:s7], [sflag:s8] =	dma.local @!p0 [hbm:s6], $0xF7A  }
0x23: {  	s9 =	sor.u32 $0xD0000000, s2;
	s6 =	simm.s32 $0x108;
	_ =	swait.ge @!p0 [sflag:s8], $0x0  }
0x24: {  	s3 =	sadd.s32 $0x88, s3;
	s6 =	simm.s32 @!p1 $0x1082;
	[sflag:s4] =	ssyncset.s32 $0xFFFFF086  }
0x25: {  	[simem:s6], [sflag:s4] =	dma.local [hbm:s3], $0xF7A  }
0x26: {  	[smem:$0x3F8F] =	sst s1;
	(tag) =	ssettag s2;
	_ =	strace s9  }
0x27: {  	s1 =	sld [smem:$0x3F9F]  }
0x28: {  	s2 =	sld [smem:$0x3FA0]  }
0x29: {  	s4 =	sld [smem:$0x3FA2]  }
0x2a: {  	p0 =	seq.s32 s5, $0x0;
	s5 =	sld [smem:$0x3FA3]  }
0x2b: {  	s6 =	sld [smem:$0x3FA4]  }
0x2c: {  	s7 =	sld [smem:$0x3FA5]  }
0x2d: {  	s3 =	simm.s32 $0x108;
	s8 =	sld [smem:$0x3FA6]  }
0x2e: {  	s3 =	simm.s32 @!p0 $0x1082;
	s9 =	sld [smem:$0x3FA7]  }
0x2f: {  	lr =	sadd.s32 s0, s3;
	s0 =	sld [smem:$0x3F9E]  }
0x30: {  	s3 =	sld [smem:$0x3FA1]  }
0x31: {  	[smem:$0x3FAA] =	sst s10  }
0x32: {  	s10 =	sld [smem:$0x3FA8];
	_ =	sdelay $0x3  }
0x33: {  	p0 =	seq.s32 s10, $0x1;
	s10 =	sld [smem:$0x3FAA];
	_ =	sdelay $0x3  }
0x34: {  	[smem:$0x3FAA] =	sst s10  }
0x35: {  	s10 =	sld [smem:$0x3FA9];
	_ =	sdelay $0x3  }
0x36: {  	p1 =	seq.s32 s10, $0x1;
	s10 =	sld [smem:$0x3FAA];
	_ =	sdelay $0x3  }
0x37: {  	[smem:$0x3FAA] =	sst s10  }
0x38: {  	s10 =	sld [smem:$0x3FAB]  }
0x39: {  	_ = 	snop;
	(pc) =	sbr.ind lr, $3  }
0x3a: {  	_ = 	snop  }
0x3b: {  	_ = 	snop  }
0x3c: {  	p2 =	seq.s32 s10, $0x1;
	s10 =	sld [smem:$0x3FAA]  }
0x3d: {  	_ =	shalt  }
0x3e: {  	_ =	shalt  }
0x3f: {  	_ =	shalt  }
0x40: {  	_ =	shalt  }
0x41: {  	_ =	shalt  }
0x42: {  	_ =	shalt  }
0x43: {  	_ =	shalt  }
0x44: {  	_ =	shalt  }
0x45: {  	_ =	shalt  }
0x46: {  	_ =	shalt  }
0x47: {  	_ =	shalt  }
0x48: {  	_ =	shalt  }
0x49: {  	_ =	shalt  }
0x4a: {  	_ =	shalt  }
0x4b: {  	_ =	shalt  }
0x4c: {  	_ =	shalt  }
0x4d: {  	_ =	shalt  }
0x4e: {  	_ =	shalt  }
0x4f: {  	_ =	shalt  }
0x50: {  	_ =	shalt  }
0x51: {  	_ =	shalt  }
0x52: {  	_ =	shalt  }
0x53: {  	_ =	shalt  }
0x54: {  	_ =	shalt  }
0x55: {  	_ =	shalt  }
0x56: {  	_ =	shalt  }
0x57: {  	_ =	shalt  }
0x58: {  	_ =	shalt  }
0x59: {  	_ =	shalt  }
0x5a: {  	_ =	shalt  }
0x5b: {  	_ =	shalt  }
0x5c: {  	_ =	shalt  }
0x5d: {  	_ =	shalt  }
0x5e: {  	_ =	shalt  }
0x5f: {  	_ =	shalt  }
0x60: {  	_ =	shalt  }
0x61: {  	_ =	shalt  }
0x62: {  	_ =	shalt  }
0x63: {  	_ =	shalt  }
0x64: {  	_ =	shalt  }
0x65: {  	_ =	shalt  }
0x66: {  	_ =	shalt  }
0x67: {  	_ =	shalt  }
0x68: {  	_ =	shalt  }
0x69: {  	_ =	shalt  }
0x6a: {  	_ =	shalt  }
0x6b: {  	_ =	shalt  }
0x6c: {  	_ =	shalt  }
0x6d: {  	_ =	shalt  }
0x6e: {  	_ =	shalt  }
0x6f: {  	_ =	shalt  }
0x70: {  	_ =	shalt  }
0x71: {  	_ =	shalt  }
0x72: {  	_ =	shalt  }
0x73: {  	_ =	shalt  }
0x74: {  	_ =	shalt  }
0x75: {  	_ =	shalt  }
0x76: {  	_ =	shalt  }
0x77: {  	_ =	shalt  }
0x78: {  	_ =	shalt  }
0x79: {  	_ =	shalt  }
0x7a: {  	_ =	shalt  }
0x7b: {  	_ =	shalt  }
0x7c: {  	_ =	shalt  }
0x7d: {  	_ =	shalt  }
0x7e: {  	_ =	shalt  }
0x7f: {  	_ =	shalt  }
0x80: {  	_ =	shalt  }
0x81: {  	_ =	shalt  }
0x82: {  	_ =	shalt  }
0x83: {  	_ =	shalt  }
0x84: {  	_ =	shalt  }
0x85: {  	_ =	shalt  }
0x86: {  	_ =	shalt  }
0x87: {  	_ =	shalt  }
.Lfunc_end0:
.L_simem_size_0:
called_computation.3_lowered:
.L_overlay_start_0:
0x88: {  	s2 =	sld [smem:$0x3FD9]  }
0x89: {  	s3 =	sld [smem:$0x3FFE];
	_ =	sdelay $0x1  }
0x8a: {  	s1 =	srdreg.scid  }
0x8b: {  	s0 =	sand.u32 $0x1, s1  }
0x8c: {  	s17 =	sshll.u32 s0, $0xA;
	s2 =	sadd.s32 s3, s2  }
0x8d: {  	s2 =	sadd.s32 s2, s17  }
0x8e: {  	[smem:$0x3FB6] =	sst s2  }
0x8f: {  	_ = 	snop  }
0x90: {  	s18 =	sld [smem:$0x3FD0];
	(tm) =	ssettm $0x1  }
0x91: {  	s19 =	sld [smem:$0x3FFB];
	_ =	sdelay $0x3  }
0x92: {  	_ =	strace s19  }
0x93: {  	s2 =	sld [smem:$0x3FFC];
	_ =	sdelay $0x3  }
0x94: {  	_ =	strace s2  }
0x95: {  	s2 =	sld [smem:$0x3FFD];
	_ =	sdelay $0x3  }
0x96: {  	_ =	strace s2  }
0x97: {  	_ =	strace $0x8FFFFFFF  }
0x98: {  	s20 =	sld [smem:$0x3FDB];
	_ =	sdelay $0x1  }
0x99: {  	s4 =	simm.s32 $_scs_section_size  }
0x9a: {  	s5 =	simm.s32 $_size__tile_overlayer_lowered;
	s6 =	simm.s32 $_tile_overlayer_lowered  }
0x9b: {  	s7 =	simm.s32 $0x1BFF;
	s21 =	sshll.u32 s6, $0x1;
	s4 =	sadd.s32 s4, s20  }
0x9c: {  	s22 =	simm.s32 $0x0;
	s5 =	sshll.u32 s5, $0x1;
	s6 =	sadd.s32 s21, s4  }
0x9d: {  	[timem:s22], [sflag:s7] =	dma.local [hbm:s6], s5  }
0x9e: {  	_ =	swait.ge [sflag:s7], s5  }
0x9f: {  	s5 =	ssub.s32 $0x0, s5;
	[sflag:s7] =	ssyncset.done $0x0  }
0xa0: {  	[sflag:s7] =	ssyncadd.s32 s5;
	_ =	sdelay $0x1  }
0xa1: {  	s23 =	simm.s32 $0x1B8B  }
0xa2: {  	_ =	swait.ge [sflag:s23], $0x1  }
0xa3: {  	[sflag:s23] =	ssyncset.done $0x0  }
0xa4: {  	[sflag:s23] =	ssyncadd.s32 $0xFFFFFFFF  }
0xa5: {  	s5 =	sld [smem:$0x0]  }
0xa6: {  	s6 =	sand.u32 $0xFFFFFFFE, s1  }
0xa7: {  	p0 =	sne.s32 s1, s6  }
0xa8: {  	s6 =	sshll.u32 @p0 s6, $0xE  }
0xa9: {  	s6 =	sadd.s32 @p0 $0x11B8D, s6;
	s7 =	sshll.u32 @p0 s5, $0x11  }
0xaa: {  	s6 =	sor.u32 @p0 s7, s6  }
0xab: {  	[sflag:s6] =	ssyncadd.remote.s32 @p0 $0x1;
	_ =	sdelay $0x1  }
0xac: {  	s6 =	simm.s32 @p0 $0x1B8D  }
0xad: {  	_ =	swait.eq @p0 [sflag:s6], $0x1  }
0xae: {  	[sflag:s6] =	ssyncadd.s32 @p0 $0xFFFFFFFF  }
0xaf: {  	s7 =	sshll.u32 @!p0 s1, $0xE  }
0xb0: {  	s7 =	sor.u32 @!p0 $0x4000, s7;
	s6 =	simm.s32 @!p0 $0x1B8D  }
0xb1: {  	s5 =	sshll.u32 @!p0 s5, $0x11;
	s7 =	sadd.s32 @!p0 $0x11B8D, s7;
	_ =	swait.eq @!p0 [sflag:s6], $0x1  }
0xb2: {  	s5 =	sor.u32 @!p0 s5, s7;
	[sflag:s6] =	ssyncadd.s32 @!p0 $0xFFFFFFFF  }
0xb3: {  	s25 =	simm.s32 $0x1B8E;
	s24 =	sld [smem:$0x3FFE];
	[sflag:s5] =	ssyncadd.remote.s32 @!p0 $0x1  }
0xb4: {  	s26 =	simm.s32 $execute0_lowered;
	[smem:$0x3FD2] =	sst s25  }
0xb5: {  	s6 =	sshll.u32 s26, $0x1;
	_ =	strace $0x8000004F;
	[dreg:$0x1] =	wrdreg $0xFFFFFFFF  }
0xb6: {  	s28 =	simm.s32 $_size_execute0_lowered;
	s4 =	sadd.s32 s4, s6;
	[dreg:$0x0] =	wrdreg $0x0  }
0xb7: {  	s6 =	sshll.u32 s28, $0x1;
	[dreg:$0x2] =	wrdreg s4  }
0xb8: {  	[dreg:$0x3] =	wrdreg s6  }
0xb9: {  	[dreg:$0x4] =	wrdreg $0xC0  }
0xba: {  	_ =	task [dreg:s22], $0x5FFFF  }
0xbb: {  	[dreg:$0x1] =	wrdreg $0xFFFFFFFF  }
0xbc: {  	[dreg:$0x0] =	wrdreg $0x60  }
0xbd: {  	[dreg:$0x2] =	wrdreg s24  }
0xbe: {  	[dreg:$0x3] =	wrdreg s18  }
0xbf: {  	[dreg:$0x4] =	wrdreg $0xA8000  }
0xc0: {  	[dreg:$0x5] =	wrdreg $0x148000  }
0xc1: {  	[dreg:$0x6] =	wrdreg $0xA  }
0xc2: {  	_ =	task.clear_ibuf [dreg:s22], $0x7FFFF;
	_ =	strace $0x9000004F  }
0xc3: {  	s29 =	simm.s32 $0xA;
	_ =	strace $0x80000051  }
0xc4: {  	_ =	swait.ge [sflag:s29], $0x1  }
0xc5: {  	[sflag:s29] =	ssyncadd.s32 $0xFFFFFFFF  }
0xc6: {  	_ =	strace $0x90000051  }
0xc7: {  	_ =	sfence  }
0xc8: {  	s30 =	sld [smem:$0x0];
	_ =	sdelay $0x2  }
0xc9: {  	s31 =	sshll.u32 s1, $0xD;
	s1 =	sshrl.u32 s1, $0x2  }
0xca: {  	s4 =	sand.u32 $0x4000, s31;
	s1 =	sadd.s32 s1, s30  }
0xcb: {  	s0 =	sor.u32 s4, s0;
	s1 =	sshll.u32 s1, $0x11  }
0xcc: {  	s0 =	sor.u32 s1, s0  }
0xcd: {  	s0 =	sadd.s32 $0x8F2B, s0  }
0xce: {  	[sflag:s0] =	ssyncadd.remote.s32 $0x1  }
0xcf: {  	_ =	sfence.sel $0xFFFF  }
0xd0: {  	[dreg:$0x0] =	wrdreg $0xFFFFFFFF;
	(pc) =	sbr.abs _section_cstart, $3  }
0xd1: {  	[dreg:$0x1] =	wrdreg $0xFFFFFFFF  }
0xd2: {  	_ =	task.clear_ibuf [dreg:s22], $0x2FFFF;
	_ =	strace $0x9FFFFFFF  }
0xd3: {  	(tm) =	ssettm $0x7FFFFFFF  }
tec
execute0_lowered:
.L_overlay_start_1:
0x0: {  	(tag) =	ssettag $0x1  }
0x1: {  	s0 =	srdreg.scid;
	s4 =	rddreg [dreg:$0x0]  }
0x2: {  	s5 =	rddreg [dreg:$0x1];
	s14 =	stileid.u32  }
0x3: {  	s1 =	rddreg [dreg:$0x2];
	s16 =	simm.s32 $0x1400;
	s28 =	simm.s32 $0x4  }
0x4: {  	s29 =	simm.s32 $0x0;
	s0 =	sand.u32 $0x1, s0;
	s8 =	smul.u32 $0x140, s14  }
0x5: {  	s11 =	sadd.s32 $0x60200, s4;
	s10 =	sadd.s32 $0x31600, s4;
	s13 =	smul.u32 $0x28000, s14  }
0x6: {  	s19 =	sadd.s32 $0x32A00, s4;
	s30 =	sshll.u32 s14, $0xB;
	s6 =	smul.u32 $0x1400, s0  }
0x7: {  	s31 =	sshll.u32 s14, $0x6;
	p0 =	sne.s32 s14, $0x0;
	s15 =	smul.u32 $0x271, s0  }
0x8: {  	s2 =	sshll.u32 s0, $0x4;
	s12 =	ssub.s32 $0x2, s0;
	s0 =	smul.u32 $0x138800, s0  }
0x9: {  	s17 =	sor.u32 $0x1C05, s31;
	s3 =	sor.u32 s14, s2;
	s2 =	rddreg [dreg:$0x3]  }
0xa: {  	s21 =	sshrl.u32 s12, $0x1;
	s13 =	sshrl.u32 s13, $0x2;
	s7 =	smul.u32 $0x280, s3  }
0xb: {  	s3 =	simm.s32 $0x0;
	s6 =	sadd.s32 s8, s6;
	s12 =	ssub.s32 s12, s21  }
0xc: {  	s23 =	sadd.s32 s13, s1;
	s24 =	sadd.s32 s15, s14;
	s0 =	sadd.s32 s0, s11  }
0xd: {  	s15 =	simm.s32 $0x5;
	s21 =	simm.s32 $0x80;
	[smem:$0x7FF] =	sst s3  }
0xe: {  	s20 =	sshll.u32 s6, $0x4;
	s6 =	sshrl.u32 s6, $0x3;
	s26 =	sshll.u32 s24, $0xB  }
0xf: {  	s0 =	sadd.s32 s30, s0;
	s18 =	sshrl.u32 s23, $0x3;
	s24 =	simm.s32 $0x1  }
0x10: {  	_ =	strace $0x80000050;
	s9 =	sadd.s32 s7, s4;
	[dreg:$0x5] =	wrdreg s10  }
0x11: {  	[dreg:$0x6] =	wrdreg s19;
	s10 =	sadd.s32 s20, s4;
	s4 =	sadd.s32 s6, s4  }
0x12: {  	s5 =	sadd.s32 s5, s7;
	s19 =	sadd.s32 s8, s2;
	s13 =	sadd.s32 $0x10000, s0  }
0x13: {  	s0 =	sor.u32 $0x30, s14;
	s20 =	simm.s32 $0x2800;
	s22 =	sadd.s32 $0x5B200, s9  }
0x14: {  	[dreg:$0x8] =	wrdreg s5;
	s25 =	sadd.s32 $0x2D1200, s10;
	s9 =	sadd.s32 $0x4600, s4  }
0x15: {  	s10 =	sadd.s32 s11, s26;
	s11 =	smax.u32 s12, $0x1;
	[dreg:$0x7] =	wrdreg s22  }
0x16: {  	s19 =	sshrl.u32 s19, $0x3;
	s26 =	simm.s32 $0x3;
	[dreg:$0x9] =	wrdreg s25  }
0x17: {  	s12 =	sadd.s32 $0x8000, s10;
	s22 =	simm.s32 $0x6800;
	s25 =	simm.s32 $0x2  }
.LBB2_1:
0x18: {  	s4 =	rddreg [dreg:$0x7]  }
0x19: {  	[tilespmem:s3], [sflag:$0x5] =	stream.linear.gather [hbm4b:s4+s3], $0x1400, $0x38;
	[tilespmem:$0x14940] =	vst v63  }
0x1a: {  	_ =	swait.ge [sflag:s15], $0x1400  }
0x1b: {  	[sflag:s15] =	ssyncset.done $0x0  }
0x1c: {  	s6 =	rddreg [dreg:$0x8];
	[sflag:s15] =	ssyncadd.s32 $0xFFFFEC00  }
0x1d: {  	[tilespmem:s16], [sflag:$0x5] =	stream.linear.gather [hbm4b:s6+s3], $0x1400, $0x38;
	[tilespmem:$0x14940] =	vst v63  }
0x1e: {  	_ =	swait.ge [sflag:s15], $0x1400  }
0x1f: {  	[sflag:s15] =	ssyncset.done $0x0  }
0x20: {  	s7 =	rddreg [dreg:$0x5];
	[sflag:s15] =	ssyncadd.s32 $0xFFFFEC00  }
0x21: {  	[spmem:s18], [sflag:s17] =	dma.local [hbm:s7], $0x1400  }
0x22: {  	_ =	swait.ge [sflag:s15], $0x1400  }
0x23: {  	[sflag:s15] =	ssyncset.done $0x0  }
0x24: {  	s8 =	rddreg [dreg:$0x6];
	[sflag:s15] =	ssyncadd.s32 $0xFFFFEC00  }
0x25: {  	[spmem:s19], [sflag:s17] =	dma.local [hbm:s8], $0x28  }
0x26: {  	_ =	swait.ge [sflag:s15], $0x28  }
0x27: {  	[sflag:s15] =	ssyncset.done $0x0  }
0x28: {  	[sflag:s15] =	ssyncadd.s32 $0xFFFFFFD8  }
0x29: {  	[bflag:$0x0] =	sbarrier.arrive $0xFFFF  }
0x2a: {  	[tilespmem:s20], [sflag:$0x5] =	stream.linear.gather [hbm4b:s10+s3], $0x4000, $0x38;
	[tilespmem:$0x14940] =	vst v63  }
0x2b: {  	_ =	swait.ge [sflag:s15], $0x4000  }
0x2c: {  	[sflag:s15] =	ssyncset.done $0x0  }
0x2d: {  	[sflag:s15] =	ssyncadd.s32 $0xFFFFC000  }
0x2e: {  	[spmem:s1] =	stream.indirect.scatter.add.f32 [tilespmem:s20], [sflag:$0x1], $0x80, s3, s21, $0xb8;
	[tilespmem:$0x14940] =	vst v63  }
0x2f: {  	_ = 	snop  }
0x30: {  	[spmem:s2] =	stream.indirect.scatter.add.f32 [tilespmem:s16], [sflag:$0x2], $0x1, s3, s21, $0xb8;
	[tilespmem:$0x14940] =	vst v63  }
0x31: {  	_ = 	snop  }
0x32: {  	[tilespmem:s22], [sflag:$0x5] =	stream.linear.gather [hbm4b:s12+s3], $0x4000, $0x38;
	[tilespmem:$0x14940] =	vst v63  }
0x33: {  	_ =	swait.ge [sflag:s15], $0x4000  }
0x34: {  	[sflag:s15] =	ssyncset.done $0x0  }
0x35: {  	[sflag:s15] =	ssyncadd.s32 $0xFFFFC000  }
0x36: {  	[spmem:s1] =	stream.indirect.scatter.add.f32 [tilespmem:s22], [sflag:$0x3], $0x80, s21, s21, $0xb8;
	[tilespmem:$0x14940] =	vst v63  }
0x37: {  	s14 =	simm.s32 $0x1480  }
0x38: {  	[spmem:s2] =	stream.indirect.scatter.add.f32 [tilespmem:s14], [sflag:$0x4], $0x1, s21, s21, $0xb8;
	[tilespmem:$0x14940] =	vst v63  }
0x39: {  	_ =	swait.ge [sflag:s24], $0x4000  }
0x3a: {  	[sflag:s24] =	ssyncset.done $0x0  }
0x3b: {  	[sflag:s24] =	ssyncadd.s32 $0xFFFFC000  }
0x3c: {  	_ =	swait.ge [sflag:s25], $0x80  }
0x3d: {  	[sflag:s25] =	ssyncset.done $0x0  }
0x3e: {  	[sflag:s25] =	ssyncadd.s32 $0xFFFFFF80  }
0x3f: {  	[tilespmem:s20], [sflag:$0x5] =	stream.linear.gather [hbm4b:s13+s3], $0x4000, $0x38;
	[tilespmem:$0x14940] =	vst v63  }
0x40: {  	_ =	swait.ge [sflag:s15], $0x4000  }
0x41: {  	[sflag:s15] =	ssyncset.done $0x0  }
0x42: {  	s23 =	simm.s32 $0x100;
	[sflag:s15] =	ssyncadd.s32 $0xFFFFC000  }
0x43: {  	[spmem:s1] =	stream.indirect.scatter.add.f32 [tilespmem:s20], [sflag:$0x1], $0x80, s23, s21, $0xb8;
	[tilespmem:$0x14940] =	vst v63  }
0x44: {  	s5 =	simm.s32 $0x1500  }
0x45: {  	[spmem:s2] =	stream.indirect.scatter.add.f32 [tilespmem:s5], [sflag:$0x2], $0x1, s23, s21, $0xb8;
	[tilespmem:$0x14940] =	vst v63  }
0x46: {  	_ =	swait.ge [sflag:s26], $0x4000  }
0x47: {  	[sflag:s26] =	ssyncset.done $0x0  }
0x48: {  	[sflag:s26] =	ssyncadd.s32 $0xFFFFC000  }
0x49: {  	p2 =	sgt.u32 s0, $0x270;
	_ =	swait.ge [sflag:s28], $0x80  }
0x4a: {  	s4 =	sadd.s32 @!p2 $0x8000, s13;
	s30 =	simm.s32 @!p2 $0x5;
	[sflag:s28] =	ssyncset.done $0x0  }
0x4b: {  	s14 =	simm.s32 @!p2 $0x6800;
	s5 =	simm.s32 @!p2 $0x0;
	[sflag:s28] =	ssyncadd.s32 $0xFFFFFF80  }
0x4c: {  	[tilespmem:s14], [sflag:$0x5] =	stream.linear.gather @!p2 [hbm4b:s4+s5], $0x4000, $0x38;
	[tilespmem:$0x14940] =	vst v63  }
0x4d: {  	_ =	swait.ge @!p2 [sflag:s30], $0x4000  }
0x4e: {  	s31 =	smov.u32 s13;
	[sflag:s30] =	ssyncset.done @!p2 $0x0  }
0x4f: {  	s23 =	simm.s32 @!p2 $0x180;
	s5 =	simm.s32 @!p2 $0x80;
	[sflag:s30] =	ssyncadd.s32 @!p2 $0xFFFFC000  }
0x50: {  	[spmem:s1] =	stream.indirect.scatter.add.f32 @!p2 [tilespmem:s14], [sflag:$0x3], $0x80, s23, s5, $0xb8;
	[tilespmem:$0x14940] =	vst v63  }
0x51: {  	s4 =	simm.s32 @!p2 $0x1580;
	s30 =	simm.s32 $0x400;
	s14 =	smov.u32 s0  }
.LBB2_2:
0x52: {  	s31 =	sadd.s32 $0x10000, s31  }
0x53: {  	s14 =	sadd.s32 $0x20, s14;
	s6 =	smov.u32 s30;
	s30 =	sadd.s32 $0x400, s30  }
0x54: {  	[spmem:s2] =	stream.indirect.scatter.add.f32 @!p2 [tilespmem:s4], [sflag:$0x4], $0x1, s23, s5, $0xb8;
	[tilespmem:$0x14940] =	vst v63  }
0x55: {  	p1 =	sne.s32 s30, $0x4C00;
	_ =	swait.ge [sflag:s24], $0x4000  }
0x56: {  	[sflag:s24] =	ssyncset.done $0x0  }
0x57: {  	[sflag:s24] =	ssyncadd.s32 $0xFFFFC000  }
0x58: {  	_ =	swait.ge [sflag:s25], $0x80  }
0x59: {  	[sflag:s25] =	ssyncset.done $0x0  }
0x5a: {  	[sflag:s25] =	ssyncadd.s32 $0xFFFFFF80  }
0x5b: {  	[tilespmem:s20], [sflag:$0x5] =	stream.linear.gather [hbm4b:s31+s3], $0x4000, $0x38;
	[tilespmem:$0x14940] =	vst v63  }
0x5c: {  	_ =	swait.ge [sflag:s15], $0x4000  }
0x5d: {  	s4 =	sshra.s32 s6, $0x2;
	[sflag:s15] =	ssyncset.done $0x0  }
0x5e: {  	s5 =	sadd.s32 $0x100, s4;
	[sflag:s15] =	ssyncadd.s32 $0xFFFFC000  }
0x5f: {  	[spmem:s1] =	stream.indirect.scatter.add.f32 [tilespmem:s20], [sflag:$0x1], $0x80, s5, s21, $0xb8;
	[tilespmem:$0x14940] =	vst v63  }
0x60: {  	s4 =	sadd.s32 $0x1500, s4  }
0x61: {  	[spmem:s2] =	stream.indirect.scatter.add.f32 [tilespmem:s4], [sflag:$0x2], $0x1, s5, s21, $0xb8;
	[tilespmem:$0x14940] =	vst v63  }
0x62: {  	_ =	swait.ge [sflag:s26], $0x4000  }
0x63: {  	[sflag:s26] =	ssyncset.done $0x0  }
0x64: {  	[sflag:s26] =	ssyncadd.s32 $0xFFFFC000  }
0x65: {  	_ =	swait.ge [sflag:s28], $0x80  }
0x66: {  	p2 =	sgt.u32 s14, $0x270;
	[sflag:s28] =	ssyncset.done $0x0  }
0x67: {  	s4 =	sadd.s32 @!p2 $0x8000, s31;
	s5 =	simm.s32 @!p2 $0x0;
	[sflag:s28] =	ssyncadd.s32 $0xFFFFFF80  }
0x68: {  	s7 =	simm.s32 @!p2 $0x6800;
	s8 =	simm.s32 @!p2 $0x5;
	s6 =	sshra.s32 @!p2 s6, $0x2  }
0x69: {  	[tilespmem:s7], [sflag:$0x5] =	stream.linear.gather @!p2 [hbm4b:s4+s5], $0x4000, $0x38;
	[tilespmem:$0x14940] =	vst v63  }
.Ltmp0:
0x6a: {  	_ = 	snop;
	(pc) =	sbr.rel @p1 .LBB2_2-.Ltmp0, $4  }
0x6b: {  	s4 =	sadd.s32 @!p2 $0x1580, s6;
	_ =	swait.ge @!p2 [sflag:s8], $0x4000  }
0x6c: {  	s23 =	sadd.s32 @!p2 $0x180, s6;
	s5 =	simm.s32 @!p2 $0x80;
	[sflag:s8] =	ssyncset.done @!p2 $0x0  }
0x6d: {  	[sflag:s8] =	ssyncadd.s32 @!p2 $0xFFFFC000  }
0x6e: {  	[spmem:s1] =	stream.indirect.scatter.add.f32 @!p2 [tilespmem:s7], [sflag:$0x3], $0x80, s23, s5, $0xb8;
	[tilespmem:$0x14940] =	vst v63  }
0x6f: {  	[spmem:s2] =	stream.indirect.scatter.add.f32 @!p2 [tilespmem:s4], [sflag:$0x4], $0x1, s23, s5, $0xb8;
	[tilespmem:$0x14940] =	vst v63  }
0x70: {  	_ =	swait.ge [sflag:s24], $0x4000  }
0x71: {  	[sflag:s24] =	ssyncset.done $0x0  }
0x72: {  	[sflag:s24] =	ssyncadd.s32 $0xFFFFC000  }
0x73: {  	_ =	swait.ge [sflag:s25], $0x80  }
0x74: {  	[sflag:s25] =	ssyncset.done $0x0  }
0x75: {  	s4 =	simm.s32 @!p0 $0x3;
	[sflag:s25] =	ssyncadd.s32 $0xFFFFFF80  }
0x76: {  	_ =	swait.ge @!p0 [sflag:s4], $0x4000  }
0x77: {  	[sflag:s4] =	ssyncset.done @!p0 $0x0  }
0x78: {  	[sflag:s4] =	ssyncadd.s32 @!p0 $0xFFFFC000;
	s4 =	simm.s32 @!p0 $0x4  }
0x79: {  	_ =	swait.ge @!p0 [sflag:s4], $0x80  }
0x7a: {  	[sflag:s4] =	ssyncset.done @!p0 $0x0  }
0x7b: {  	[sflag:s4] =	ssyncadd.s32 @!p0 $0xFFFFFF80  }
0x7c: {  	[bflag:$0x0] =	sbarrier.arrive $0xFFFF  }
0x7d: {  	s31 =	rddreg [dreg:$0x9]  }
0x7e: {  	[hbm:s31], [sflag:s17] =	dma.local [spmem:s18], $0x1400  }
0x7f: {  	s29 =	sadd.s32 $0x1, s29;
	_ =	swait.ge [sflag:s15], $0x1400  }
0x80: {  	p1 =	sne.s32 s29, s11;
	[sflag:s15] =	ssyncset.done $0x0  }
.Ltmp1:
0x81: {  	[sflag:s15] =	ssyncadd.s32 $0xFFFFEC00;
	(pc) =	sbr.rel @p1 .LBB2_1-.Ltmp1, $4  }
0x82: {  	[hbm:s9], [sflag:s17] =	dma.local [spmem:s19], $0x28  }
0x83: {  	_ =	swait.ge [sflag:s15], $0x28  }
0x84: {  	[sflag:s15] =	ssyncset.done $0x0  }
0x85: {  	[sflag:s15] =	ssyncadd.s32 $0xFFFFFFD8  }
0x86: {  	_ =	sfence.sel $0x180000  }
0x87: {  	[bflag:$0x0] =	sbarrier.arrive $0xFFFF  }
0x88: {  	_ =	strace $0x90000050  }
0x89: {  	[bflag:$0x2] =	sbarrier.arrive $0xFFFF  }
0x8a: {  	s0 =	rddreg [dreg:$0x4]  }
0x8b: {  	s0 =	sadd.s32 @!p0 $0x100000, s0  }
0x8c: {  	[sflag:s0] =	ssyncadd.tile.s32 @!p0 $0x1;
	_ =	shalt  }
.Lfunc_end2:
_tile_overlayer_lowered:
.L_overlay_start_2:
0x8d: {  	(tag) =	ssettag $0x2  }
0x8e: {  	s0 =	rddreg [dreg:$0x0];
	s2 =	stileid.u32  }
0x8f: {  	s1 =	rddreg [dreg:$0x1];
	p0 =	sne.s32 s2, $0x0  }
0x90: {  	s3 =	rddreg [dreg:$0x2];
	[bflag:$0x3] =	sbarrier.arrive $0xFFFF;
	s2 =	simm.s32 @!p0 $0x1C05  }
0x91: {  	[timem:s3], [sflag:s2] =	dma.local @!p0 [hbm:s0], s1  }
0x92: {  	s0 =	simm.s32 @!p0 $0x5  }
0x93: {  	_ =	swait.ge @!p0 [sflag:s0], s1  }
0x94: {  	s1 =	ssub.s32 @!p0 $0x0, s1;
	[sflag:s0] =	ssyncset.done @!p0 $0x0  }
0x95: {  	[sflag:s0] =	ssyncadd.s32 @!p0 s1  }
0x96: {  	[bflag:$0x3] =	sbarrier.arrive $0xFFFF  }
0x97: {  	_ =	shalt  }

</sc_bundles>
